<compile_context>
chip_gen: v7x
topology: tpu7x:2x2x1
jax: 0.10.2.dev20260603
libtpu: 0.0.44.dev20260713+nightly
codegen_flags: <defaults>
</compile_context>

<pallas_src>
import jax
import jax.numpy as jnp
from jax import lax
from jax.experimental import pallas as pl
from jax.experimental.pallas import tpu as pltpu
from jax.experimental.pallas import tpu_sc as plsc

_VOCAB = 1000000
_BATCH = 4096
_SEQ = 200
_DIM = 64
_PDIM = 128
_LANES = 16
_NC = 2
_NS = 16
_NW = _NC * _NS
_BPW = _BATCH // _NW
_NCH = _DIM // _LANES
_NBUF = 2
_UNROLL = 4

_W = 128
_VMAIN = (_VOCAB // _W) * _W
_NBLK = _VMAIN // _W
_FMT_SLOTS = 246


def _fmt_body(tabT_hbm, tail_hbm, pad_hbm, in_v, st_v, sem_i, sem_o):
    wid = lax.axis_index("s") * _NC + lax.axis_index("c")
    nmine = (_NBLK - wid + _NW - 1) // _NW

    def start_in(s, b):
        blk = wid + _NW * s
        pltpu.async_copy(
            tabT_hbm.at[:, pl.ds(blk * _W, _W)], in_v.at[b], sem_i.at[b])

    def drain_in(s, b):
        blk = wid + _NW * s
        pltpu.make_async_copy(
            tabT_hbm.at[:, pl.ds(blk * _W, _W)], in_v.at[b], sem_i.at[b],
        ).wait()

    def start_out(s, b):
        blk = wid + _NW * s
        pltpu.async_copy(
            st_v.at[b], pad_hbm.at[pl.ds(blk * _W, _W)], sem_o.at[b])

    def drain_out(s, b):
        blk = wid + _NW * s
        pltpu.make_async_copy(
            st_v.at[b], pad_hbm.at[pl.ds(blk * _W, _W)], sem_o.at[b],
        ).wait()

    def transpose(b):
        rowidx = [jnp.arange(_LANES, dtype=jnp.int32) + _LANES * c
                  for c in range(_NCH)]

        @pl.loop(0, _W, step=8)
        def _col(v):
            colidx = jnp.broadcast_to(v, (_LANES,)).astype(jnp.int32)
            for u in range(8):
                gs = [plsc.load_gather(in_v.at[b], [rowidx[c], colidx + u])
                      for c in range(_NCH)]
                for c in range(_NCH):
                    st_v[b, v + u, pl.ds(_LANES * c, _LANES)] = gs[c]
                    st_v[b, v + u, pl.ds(_DIM + _LANES * c, _LANES)] = gs[c]

    for b in range(2):
        @pl.when(b < nmine)
        def _prime():
            start_in(b, b)

    @pl.loop(0, _FMT_SLOTS, step=2)
    def _blk(i):
        for b in range(2):
            s = i + b

            @pl.when(s < nmine)
            def _work():
                drain_in(s, b)

                @pl.when(s >= 2)
                def _dr():
                    drain_out(s - 2, b)

                transpose(b)
                start_out(s, b)

                @pl.when(s + 2 < nmine)
                def _next():
                    start_in(s + 2, b)

    for b in range(2):
        last = nmine - 1 - ((nmine - 1 - b) % 2)

        @pl.when(last >= 0)
        def _fin():
            drain_out(last, b)

    @pl.when(wid == 0)
    def _tail():
        pltpu.sync_copy(tail_hbm, pad_hbm.at[pl.ds(_VMAIN, _VOCAB - _VMAIN)])


def _encode_body(idx_hbm, table_hbm, out_hbm, idx_v, rows_v, out_v, sems):
    wid = lax.axis_index("s") * _NC + lax.axis_index("c")
    base = wid * _BPW
    pltpu.sync_copy(idx_hbm.at[pl.ds(base * _SEQ, _BPW * _SEQ)], idx_v)

    def start(e, b):
        pltpu.async_copy(
            table_hbm.at[idx_v.at[pl.ds(e * _SEQ, _SEQ)]],
            rows_v.at[b],
            sems.at[b],
        )

    def drain(e, b):
        pltpu.make_async_copy(
            table_hbm.at[idx_v.at[pl.ds(e * _SEQ, _SEQ)]],
            rows_v.at[b],
            sems.at[b],
        ).wait()

    def accum(e, b):
        def body(i, acc):
            s = i * _UNROLL
            for u in range(_UNROLL):
                acc = tuple(
                    acc[c] + rows_v[b, s + u, pl.ds(_LANES * c, _LANES)]
                    for c in range(_NCH))
            return acc

        zero = jnp.zeros((_LANES,), jnp.float32)
        acc = lax.fori_loop(0, _SEQ // _UNROLL, body, (zero,) * _NCH,
                            unroll=False)
        scale = jnp.float32(1.0 / _SEQ)
        for c in range(_NCH):
            out_v[e, pl.ds(_LANES * c, _LANES)] = acc[c] * scale

    for b in range(_NBUF):
        start(b, b)

    @pl.loop(0, _BPW, step=_NBUF)
    def _elem(e):
        for b in range(_NBUF):
            ee = e + b
            drain(ee, b)
            accum(ee, b)

            @pl.when(ee + _NBUF < _BPW)
            def _prefetch():
                start(ee + _NBUF, b)

    pltpu.sync_copy(out_v, out_hbm.at[pl.ds(base, _BPW)])


def kernel(token_ids, table):
    idx_flat = token_ids.astype(jnp.int32).reshape(_BATCH * _SEQ)
    table_t = jnp.transpose(table)
    tail = jnp.pad(table[_VMAIN:], ((0, 0), (0, _PDIM - _DIM)))
    mesh = plsc.VectorSubcoreMesh(core_axis_name="c", subcore_axis_name="s")
    fmt_k = pl.kernel(
        _fmt_body,
        out_type=jax.ShapeDtypeStruct((_VOCAB, _PDIM), jnp.float32),
        mesh=mesh,
        compiler_params=pltpu.CompilerParams(use_tc_tiling_on_sc=True,
                                             needs_layout_passes=False),
        scratch_types=[
            pltpu.VMEM((2, _DIM, _W), jnp.float32),
            pltpu.VMEM((2, _W, _PDIM), jnp.float32),
            pltpu.SemaphoreType.DMA((2,)),
            pltpu.SemaphoreType.DMA((2,)),
        ],
    )
    table_pad = fmt_k(table_t, tail)
    enc_k = pl.kernel(
        _encode_body,
        out_type=jax.ShapeDtypeStruct((_BATCH, _DIM), jnp.float32),
        mesh=mesh,
        compiler_params=pltpu.CompilerParams(use_tc_tiling_on_sc=True),
        scratch_types=[
            pltpu.VMEM((_BPW * _SEQ,), jnp.int32),
            pltpu.VMEM((_NBUF, _SEQ, _PDIM), jnp.float32),
            pltpu.VMEM((_BPW, _DIM), jnp.float32),
            pltpu.SemaphoreType.DMA((_NBUF,)),
        ],
    )
    return enc_k(idx_flat, table_pad)

# --- scband reference (transcript-rebuilt; emitter-appended) ---
"""Pipeline reference for scband-simple-text-encoder-55499567399338 (READ-ONLY COPY).

The authoritative reference and input builder live on the scoring server;
editing this copy changes nothing except your own understanding.
"""

import jax, jax.numpy as jnp
import numpy as np

VOCAB = 1000000
EMBED_DIM = 64
BATCH = 4096
SEQ_LEN = 200


def setup_inputs(seed: int = 0) -> dict:
    key = jax.random.key(seed)
    k_idx, k_tab = jax.random.split(key)
    token_ids = jax.random.randint(k_idx, (BATCH, SEQ_LEN), 0, VOCAB, dtype=jnp.int64 if jax.config.jax_enable_x64 else jnp.int32)
    table = jax.random.normal(k_tab, (VOCAB, EMBED_DIM), dtype=jnp.float32) * 0.02
    return {"token_ids": token_ids, "table": table}


def reference(token_ids, table):
    # embeds: [batch, seq_len, embed_dim] via gather on table rows
    embeds = jnp.take(table, token_ids, axis=0)
    # mean-pool over seq_len -> [batch, embed_dim]
    return embeds.mean(axis=1)

if __name__ == "__main__":
    import jax
    _d = setup_inputs()
    print(jax.jit(kernel)(*tuple(_d.values())))

</pallas_src>

<mosaic_0001>
#map = affine_map<(d0, d1) -> (0, 0)>
module attributes {stable_mosaic.version = 14 : i64} {
  func.func @_fmt_body(%arg0: i32, %arg1: i32, %arg2: memref<64x1000000xf32, #tpu.memory_space<hbm>>, %arg3: memref<64x128xf32, #tpu.memory_space<hbm>>, %arg4: memref<1000000x128xf32, #tpu.memory_space<hbm>>, %arg5: memref<2x64x128xf32, #tpu.memory_space<vmem>>, %arg6: memref<2x128x128xf32, #tpu.memory_space<vmem>>, %arg7: memref<2x!tpu.dma_semaphore, #tpu.memory_space<semaphore_mem>>, %arg8: memref<2x!tpu.dma_semaphore, #tpu.memory_space<semaphore_mem>>) attributes {dimension_semantics = [#tpu.dimension_semantics<core_parallel>, #tpu.dimension_semantics<subcore_parallel>], iteration_bounds = array<i64: 2, 16>, scalar_prefetch = 0 : i64, scratch_operands = 4 : i64, tpu.core_type = #tpu.core_type<sc_vector_subcore>, window_params = [{transform_indices = #map}, {transform_indices = #map}, {transform_indices = #map}]} {
    %mul3A = arith.constant 2 : i32
    %mul3A_0 = arith.muli %arg1, %mul3A : i32
    %add3A = arith.addi %mul3A_0, %arg0 : i32
    %sub3A = arith.constant 7812 : i32
    %sub3A_1 = arith.subi %sub3A, %add3A : i32
    %add3A_2 = arith.constant 32 : i32
    %add3A_3 = arith.addi %sub3A_1, %add3A_2 : i32
    %sub3A_4 = arith.constant 1 : i32
    %sub3A_5 = arith.subi %add3A_3, %sub3A_4 : i32
    %jit3A = arith.constant 32 : i32
    %div3A = arith.divsi %sub3A_5, %jit3A : i32
    %sign3A = arith.constant 0 : i32
    %sign3A_6 = arith.cmpi sgt, %sub3A_5, %sign3A : i32
    %sign3A_7 = arith.extui %sign3A_6 : i1 to i32
    %sign3A_8 = arith.constant 0 : i32
    %sign3A_9 = arith.cmpi slt, %sub3A_5, %sign3A_8 : i32
    %sign3A_10 = arith.extui %sign3A_9 : i1 to i32
    %sign3A_11 = arith.subi %sign3A_7, %sign3A_10 : i32
    %sign3A_12 = arith.constant 0 : i32
    %sign3A_13 = arith.cmpi sgt, %jit3A, %sign3A_12 : i32
    %sign3A_14 = arith.extui %sign3A_13 : i1 to i32
    %sign3A_15 = arith.constant 0 : i32
    %sign3A_16 = arith.cmpi slt, %jit3A, %sign3A_15 : i32
    %sign3A_17 = arith.extui %sign3A_16 : i1 to i32
    %sign3A_18 = arith.subi %sign3A_14, %sign3A_17 : i32
    %ne3A = arith.cmpi ne, %sign3A_11, %sign3A_18 : i32
    %rem3A = arith.remsi %sub3A_5, %jit3A : i32
    %ne3A_19 = arith.constant 0 : i32
    %ne3A_20 = arith.cmpi ne, %rem3A, %ne3A_19 : i32
    %and3A = arith.andi %ne3A, %ne3A_20 : i1
    %sub3A_21 = arith.constant 1 : i32
    %sub3A_22 = arith.subi %div3A, %sub3A_21 : i32
    %select_n3A = arith.select %and3A, %sub3A_22, %div3A : i32
    %gt3A = arith.constant 0 : i32
    %gt3A_23 = arith.cmpi sgt, %select_n3A, %gt3A : i32
    %convert_element_type3A = arith.extui %gt3A_23 : i1 to i32
    %cond3A = arith.constant 0 : i32
    %cond3A_24 = arith.cmpi ne, %convert_element_type3A, %cond3A : i32
    scf.if %cond3A_24 {
      %add3A_92 = arith.constant 0 : i32
      %add3A_93 = arith.addi %add3A, %add3A_92 : i32
      %mul3A_94 = arith.constant 128 : i32
      %mul3A_95 = arith.muli %add3A_93, %mul3A_94 : i32
      %dma_start3A = arith.constant 0 : i32
      %dma_start3A_96 = arith.constant 0 : i32
      %dma_start3A_97 = arith.constant 0 : i32
      %dma_start3A_98 = arith.constant 0 : i32
      %dma_start3A_99 = tpu.memref_slice %arg5[%dma_start3A, %dma_start3A_97, %dma_start3A_98] : memref<2x64x128xf32, #tpu.memory_space<vmem>> -> memref<1x64x128xf32, #tpu.memory_space<vmem>>
      %dma_start3A_100 = tpu.memref_squeeze %dma_start3A_99 : memref<1x64x128xf32, #tpu.memory_space<vmem>> -> memref<64x128xf32, #tpu.memory_space<vmem>>
      %dma_start3A_101 = arith.constant 0 : i32
      %dma_start3A_102 = tpu.memref_slice %arg2[%dma_start3A_101, %mul3A_95] : memref<64x1000000xf32, #tpu.memory_space<hbm>> -> memref<64x128xf32, #tpu.memory_space<hbm>>
      %dma_start3A_103 = tpu.memref_slice %arg7[%dma_start3A_96] : memref<2x!tpu.dma_semaphore, #tpu.memory_space<semaphore_mem>> -> memref<1x!tpu.dma_semaphore, #tpu.memory_space<semaphore_mem>>
      %dma_start3A_104 = tpu.memref_squeeze %dma_start3A_103 : memref<1x!tpu.dma_semaphore, #tpu.memory_space<semaphore_mem>> -> memref<!tpu.dma_semaphore, #tpu.memory_space<semaphore_mem>>
      %dma_start3A_105 = arith.constant 0 : i32
      %dma_start3A_106 = arith.constant 0 : i32
      %dma_start3A_107 = tpu.memref_slice %arg5[%dma_start3A, %dma_start3A_105, %dma_start3A_106] : memref<2x64x128xf32, #tpu.memory_space<vmem>> -> memref<1x64x128xf32, #tpu.memory_space<vmem>>
      %dma_start3A_108 = tpu.memref_squeeze %dma_start3A_107 : memref<1x64x128xf32, #tpu.memory_space<vmem>> -> memref<64x128xf32, #tpu.memory_space<vmem>>
      %dma_start3A_109 = arith.constant 0 : i32
      %dma_start3A_110 = tpu.memref_slice %arg2[%dma_start3A_109, %mul3A_95] : memref<64x1000000xf32, #tpu.memory_space<hbm>> -> memref<64x128xf32, #tpu.memory_space<hbm>>
      tpu.enqueue_dma source(%dma_start3A_110 : memref<64x128xf32, #tpu.memory_space<hbm>>) target(%dma_start3A_108 : memref<64x128xf32, #tpu.memory_space<vmem>>) target_semaphore(%dma_start3A_104 : memref<!tpu.dma_semaphore, #tpu.memory_space<semaphore_mem>>)
    } else {
    }
    %gt3A_25 = arith.constant 1 : i32
    %gt3A_26 = arith.cmpi sgt, %select_n3A, %gt3A_25 : i32
    %convert_element_type3A_27 = arith.extui %gt3A_26 : i1 to i32
    %cond3A_28 = arith.constant 0 : i32
    %cond3A_29 = arith.cmpi ne, %convert_element_type3A_27, %cond3A_28 : i32
    scf.if %cond3A_29 {
      %add3A_92 = arith.constant 32 : i32
      %add3A_93 = arith.addi %add3A, %add3A_92 : i32
      %mul3A_94 = arith.constant 128 : i32
      %mul3A_95 = arith.muli %add3A_93, %mul3A_94 : i32
      %dma_start3A = arith.constant 1 : i32
      %dma_start3A_96 = arith.constant 1 : i32
      %dma_start3A_97 = arith.constant 0 : i32
      %dma_start3A_98 = arith.constant 0 : i32
      %dma_start3A_99 = tpu.memref_slice %arg5[%dma_start3A, %dma_start3A_97, %dma_start3A_98] : memref<2x64x128xf32, #tpu.memory_space<vmem>> -> memref<1x64x128xf32, #tpu.memory_space<vmem>>
      %dma_start3A_100 = tpu.memref_squeeze %dma_start3A_99 : memref<1x64x128xf32, #tpu.memory_space<vmem>> -> memref<64x128xf32, #tpu.memory_space<vmem>>
      %dma_start3A_101 = arith.constant 0 : i32
      %dma_start3A_102 = tpu.memref_slice %arg2[%dma_start3A_101, %mul3A_95] : memref<64x1000000xf32, #tpu.memory_space<hbm>> -> memref<64x128xf32, #tpu.memory_space<hbm>>
      %dma_start3A_103 = tpu.memref_slice %arg7[%dma_start3A_96] : memref<2x!tpu.dma_semaphore, #tpu.memory_space<semaphore_mem>> -> memref<1x!tpu.dma_semaphore, #tpu.memory_space<semaphore_mem>>
      %dma_start3A_104 = tpu.memref_squeeze %dma_start3A_103 : memref<1x!tpu.dma_semaphore, #tpu.memory_space<semaphore_mem>> -> memref<!tpu.dma_semaphore, #tpu.memory_space<semaphore_mem>>
      %dma_start3A_105 = arith.constant 0 : i32
      %dma_start3A_106 = arith.constant 0 : i32
      %dma_start3A_107 = tpu.memref_slice %arg5[%dma_start3A, %dma_start3A_105, %dma_start3A_106] : memref<2x64x128xf32, #tpu.memory_space<vmem>> -> memref<1x64x128xf32, #tpu.memory_space<vmem>>
      %dma_start3A_108 = tpu.memref_squeeze %dma_start3A_107 : memref<1x64x128xf32, #tpu.memory_space<vmem>> -> memref<64x128xf32, #tpu.memory_space<vmem>>
      %dma_start3A_109 = arith.constant 0 : i32
      %dma_start3A_110 = tpu.memref_slice %arg2[%dma_start3A_109, %mul3A_95] : memref<64x1000000xf32, #tpu.memory_space<hbm>> -> memref<64x128xf32, #tpu.memory_space<hbm>>
      tpu.enqueue_dma source(%dma_start3A_110 : memref<64x128xf32, #tpu.memory_space<hbm>>) target(%dma_start3A_108 : memref<64x128xf32, #tpu.memory_space<vmem>>) target_semaphore(%dma_start3A_104 : memref<!tpu.dma_semaphore, #tpu.memory_space<semaphore_mem>>)
    } else {
    }
    %scan3A = arith.constant 0 : i32
    %scan3A_30 = arith.constant 123 : i32
    %scan3A_31 = arith.addi %scan3A, %scan3A_30 : i32
    %scan3A_32 = arith.constant 1 : i32
    scf.for %scan3A_92 = %scan3A to %scan3A_31 step %scan3A_32  : i32 {
      %mul3A_93 = arith.constant 2 : i32
      %mul3A_94 = arith.muli %scan3A_92, %mul3A_93 : i32
      %add3A_95 = arith.constant 0 : i32
      %add3A_96 = arith.addi %add3A_95, %mul3A_94 : i32
      %add3A_97 = arith.constant 0 : i32
      %add3A_98 = arith.addi %add3A_96, %add3A_97 : i32
      %lt3A_99 = arith.cmpi slt, %add3A_98, %select_n3A : i32
      %convert_element_type3A_100 = arith.extui %lt3A_99 : i1 to i32
      %cond3A_101 = arith.constant 0 : i32
      %cond3A_102 = arith.cmpi ne, %convert_element_type3A_100, %cond3A_101 : i32
      scf.if %cond3A_102 {
        %mul3A_109 = arith.constant 32 : i32
        %mul3A_110 = arith.muli %mul3A_109, %add3A_98 : i32
        %add3A_111 = arith.addi %add3A, %mul3A_110 : i32
        %mul3A_112 = arith.constant 128 : i32
        %mul3A_113 = arith.muli %add3A_111, %mul3A_112 : i32
        %dma_wait3A = arith.constant 0 : i32
        %dma_wait3A_114 = arith.constant 0 : i32
        %dma_wait3A_115 = arith.constant 0 : i32
        %dma_wait3A_116 = arith.constant 0 : i32
        %dma_wait3A_117 = tpu.memref_slice %arg5[%dma_wait3A, %dma_wait3A_115, %dma_wait3A_116] : memref<2x64x128xf32, #tpu.memory_space<vmem>> -> memref<1x64x128xf32, #tpu.memory_space<vmem>>
        %dma_wait3A_118 = tpu.memref_squeeze %dma_wait3A_117 : memref<1x64x128xf32, #tpu.memory_space<vmem>> -> memref<64x128xf32, #tpu.memory_space<vmem>>
        %dma_wait3A_119 = arith.constant 0 : i32
        %dma_wait3A_120 = tpu.memref_slice %arg2[%dma_wait3A_119, %mul3A_113] : memref<64x1000000xf32, #tpu.memory_space<hbm>> -> memref<64x128xf32, #tpu.memory_space<hbm>>
        %dma_wait3A_121 = tpu.memref_slice %arg7[%dma_wait3A_114] : memref<2x!tpu.dma_semaphore, #tpu.memory_space<semaphore_mem>> -> memref<1x!tpu.dma_semaphore, #tpu.memory_space<semaphore_mem>>
        %dma_wait3A_122 = tpu.memref_squeeze %dma_wait3A_121 : memref<1x!tpu.dma_semaphore, #tpu.memory_space<semaphore_mem>> -> memref<!tpu.dma_semaphore, #tpu.memory_space<semaphore_mem>>
        %dma_wait3A_123 = arith.constant 0 : i32
        %dma_wait3A_124 = arith.constant 0 : i32
        %dma_wait3A_125 = tpu.memref_slice %arg5[%dma_wait3A, %dma_wait3A_123, %dma_wait3A_124] : memref<2x64x128xf32, #tpu.memory_space<vmem>> -> memref<1x64x128xf32, #tpu.memory_space<vmem>>
        %dma_wait3A_126 = tpu.memref_squeeze %dma_wait3A_125 : memref<1x64x128xf32, #tpu.memory_space<vmem>> -> memref<64x128xf32, #tpu.memory_space<vmem>>
        %dma_wait3A_127 = arith.constant 0 : i32
        %dma_wait3A_128 = tpu.memref_slice %arg2[%dma_wait3A_127, %mul3A_113] : memref<64x1000000xf32, #tpu.memory_space<hbm>> -> memref<64x128xf32, #tpu.memory_space<hbm>>
        tpu.wait_dma2 semaphore(%dma_wait3A_122 : memref<!tpu.dma_semaphore, #tpu.memory_space<semaphore_mem>>) src(%dma_wait3A_128 : memref<64x128xf32, #tpu.memory_space<hbm>>) dst(%dma_wait3A_126 : memref<64x128xf32, #tpu.memory_space<vmem>>)
        %ge3A_129 = arith.constant 2 : i32
        %ge3A_130 = arith.cmpi sge, %add3A_98, %ge3A_129 : i32
        %convert_element_type3A_131 = arith.extui %ge3A_130 : i1 to i32
        %cond3A_132 = arith.constant 0 : i32
        %cond3A_133 = arith.cmpi ne, %convert_element_type3A_131, %cond3A_132 : i32
        scf.if %cond3A_133 {
          %sub3A_180 = arith.constant 2 : i32
          %sub3A_181 = arith.subi %add3A_98, %sub3A_180 : i32
          %mul3A_182 = arith.constant 32 : i32
          %mul3A_183 = arith.muli %mul3A_182, %sub3A_181 : i32
          %add3A_184 = arith.addi %add3A, %mul3A_183 : i32
          %mul3A_185 = arith.constant 128 : i32
          %mul3A_186 = arith.muli %add3A_184, %mul3A_185 : i32
          %dma_wait3A_187 = arith.constant 0 : i32
          %dma_wait3A_188 = arith.constant 0 : i32
          %dma_wait3A_189 = arith.constant 0 : i32
          %dma_wait3A_190 = arith.constant 0 : i32
          %dma_wait3A_191 = tpu.memref_slice %arg6[%dma_wait3A_187, %dma_wait3A_189, %dma_wait3A_190] : memref<2x128x128xf32, #tpu.memory_space<vmem>> -> memref<1x128x128xf32, #tpu.memory_space<vmem>>
          %dma_wait3A_192 = tpu.memref_squeeze %dma_wait3A_191 : memref<1x128x128xf32, #tpu.memory_space<vmem>> -> memref<128x128xf32, #tpu.memory_space<vmem>>
          %dma_wait3A_193 = arith.constant 0 : i32
          %dma_wait3A_194 = tpu.memref_slice %arg4[%mul3A_186, %dma_wait3A_193] : memref<1000000x128xf32, #tpu.memory_space<hbm>> -> memref<128x128xf32, #tpu.memory_space<hbm>>
          %dma_wait3A_195 = tpu.memref_slice %arg8[%dma_wait3A_188] : memref<2x!tpu.dma_semaphore, #tpu.memory_space<semaphore_mem>> -> memref<1x!tpu.dma_semaphore, #tpu.memory_space<semaphore_mem>>
          %dma_wait3A_196 = tpu.memref_squeeze %dma_wait3A_195 : memref<1x!tpu.dma_semaphore, #tpu.memory_space<semaphore_mem>> -> memref<!tpu.dma_semaphore, #tpu.memory_space<semaphore_mem>>
          %dma_wait3A_197 = arith.constant 0 : i32
          %dma_wait3A_198 = tpu.memref_slice %arg4[%mul3A_186, %dma_wait3A_197] : memref<1000000x128xf32, #tpu.memory_space<hbm>> -> memref<128x128xf32, #tpu.memory_space<hbm>>
          %dma_wait3A_199 = arith.constant 0 : i32
          %dma_wait3A_200 = arith.constant 0 : i32
          %dma_wait3A_201 = tpu.memref_slice %arg6[%dma_wait3A_187, %dma_wait3A_199, %dma_wait3A_200] : memref<2x128x128xf32, #tpu.memory_space<vmem>> -> memref<1x128x128xf32, #tpu.memory_space<vmem>>
          %dma_wait3A_202 = tpu.memref_squeeze %dma_wait3A_201 : memref<1x128x128xf32, #tpu.memory_space<vmem>> -> memref<128x128xf32, #tpu.memory_space<vmem>>
          tpu.wait_dma2 semaphore(%dma_wait3A_196 : memref<!tpu.dma_semaphore, #tpu.memory_space<semaphore_mem>>) src(%dma_wait3A_202 : memref<128x128xf32, #tpu.memory_space<vmem>>) dst(%dma_wait3A_198 : memref<128x128xf32, #tpu.memory_space<hbm>>)
        } else {
        }
        %iota3A = tpu.iota {dimensions = array<i32: 0>} : vector<16xi32>
        %add3A_134 = arith.constant 0 : i32
        %add3A_135 = vector.broadcast %add3A_134 : i32 to vector<16xi32>
        %add3A_136 = arith.addi %iota3A, %add3A_135 : vector<16xi32>
        %iota3A_137 = tpu.iota {dimensions = array<i32: 0>} : vector<16xi32>
        %add3A_138 = arith.constant 16 : i32
        %add3A_139 = vector.broadcast %add3A_138 : i32 to vector<16xi32>
        %add3A_140 = arith.addi %iota3A_137, %add3A_139 : vector<16xi32>
        %iota3A_141 = tpu.iota {dimensions = array<i32: 0>} : vector<16xi32>
        %add3A_142 = arith.constant 32 : i32
        %add3A_143 = vector.broadcast %add3A_142 : i32 to vector<16xi32>
        %add3A_144 = arith.addi %iota3A_141, %add3A_143 : vector<16xi32>
        %iota3A_145 = tpu.iota {dimensions = array<i32: 0>} : vector<16xi32>
        %add3A_146 = arith.constant 48 : i32
        %add3A_147 = vector.broadcast %add3A_146 : i32 to vector<16xi32>
        %add3A_148 = arith.addi %iota3A_145, %add3A_147 : vector<16xi32>
        %scan3A_149 = arith.constant 0 : i32
        %scan3A_150 = arith.constant 16 : i32
        %scan3A_151 = arith.addi %scan3A_149, %scan3A_150 : i32
        %scan3A_152 = arith.constant 1 : i32
        scf.for %scan3A_180 = %scan3A_149 to %scan3A_151 step %scan3A_152  : i32 {
          %mul3A_181 = arith.constant 8 : i32
          %mul3A_182 = arith.muli %scan3A_180, %mul3A_181 : i32
          %add3A_183 = arith.constant 0 : i32
          %add3A_184 = arith.addi %add3A_183, %mul3A_182 : i32
          %broadcast_in_dim3A = vector.broadcast %add3A_184 : i32 to vector<16xi32>
          %add3A_185 = arith.constant 0 : i32
          %add3A_186 = vector.broadcast %add3A_185 : i32 to vector<16xi32>
          %add3A_187 = arith.addi %broadcast_in_dim3A, %add3A_186 : vector<16xi32>
          %gather3A = arith.constant 0 : i32
          %gather3A_188 = arith.constant 0 : i32
          %gather3A_189 = arith.constant 0 : i32
          %gather3A_190 = tpu.memref_slice %arg5[%gather3A, %gather3A_188, %gather3A_189] : memref<2x64x128xf32, #tpu.memory_space<vmem>> -> memref<1x64x128xf32, #tpu.memory_space<vmem>>
          %gather3A_191 = tpu.memref_squeeze %gather3A_190 : memref<1x64x128xf32, #tpu.memory_space<vmem>> -> memref<64x128xf32, #tpu.memory_space<vmem>>
          %gather3A_192 = tpu.vector_load_idx %gather3A_191[%add3A_136, %add3A_187] : memref<64x128xf32, #tpu.memory_space<vmem>>[vector<16xi32>, vector<16xi32>], vector<16xf32>,
          %add3A_193 = arith.constant 0 : i32
          %add3A_194 = vector.broadcast %add3A_193 : i32 to vector<16xi32>
          %add3A_195 = arith.addi %broadcast_in_dim3A, %add3A_194 : vector<16xi32>
          %gather3A_196 = arith.constant 0 : i32
          %gather3A_197 = arith.constant 0 : i32
          %gather3A_198 = arith.constant 0 : i32
          %gather3A_199 = tpu.memref_slice %arg5[%gather3A_196, %gather3A_197, %gather3A_198] : memref<2x64x128xf32, #tpu.memory_space<vmem>> -> memref<1x64x128xf32, #tpu.memory_space<vmem>>
          %gather3A_200 = tpu.memref_squeeze %gather3A_199 : memref<1x64x128xf32, #tpu.memory_space<vmem>> -> memref<64x128xf32, #tpu.memory_space<vmem>>
          %gather3A_201 = tpu.vector_load_idx %gather3A_200[%add3A_140, %add3A_195] : memref<64x128xf32, #tpu.memory_space<vmem>>[vector<16xi32>, vector<16xi32>], vector<16xf32>,
          %add3A_202 = arith.constant 0 : i32
          %add3A_203 = vector.broadcast %add3A_202 : i32 to vector<16xi32>
          %add3A_204 = arith.addi %broadcast_in_dim3A, %add3A_203 : vector<16xi32>
          %gather3A_205 = arith.constant 0 : i32
          %gather3A_206 = arith.constant 0 : i32
          %gather3A_207 = arith.constant 0 : i32
          %gather3A_208 = tpu.memref_slice %arg5[%gather3A_205, %gather3A_206, %gather3A_207] : memref<2x64x128xf32, #tpu.memory_space<vmem>> -> memref<1x64x128xf32, #tpu.memory_space<vmem>>
          %gather3A_209 = tpu.memref_squeeze %gather3A_208 : memref<1x64x128xf32, #tpu.memory_space<vmem>> -> memref<64x128xf32, #tpu.memory_space<vmem>>
          %gather3A_210 = tpu.vector_load_idx %gather3A_209[%add3A_144, %add3A_204] : memref<64x128xf32, #tpu.memory_space<vmem>>[vector<16xi32>, vector<16xi32>], vector<16xf32>,
          %add3A_211 = arith.constant 0 : i32
          %add3A_212 = vector.broadcast %add3A_211 : i32 to vector<16xi32>
          %add3A_213 = arith.addi %broadcast_in_dim3A, %add3A_212 : vector<16xi32>
          %gather3A_214 = arith.constant 0 : i32
          %gather3A_215 = arith.constant 0 : i32
          %gather3A_216 = arith.constant 0 : i32
          %gather3A_217 = tpu.memref_slice %arg5[%gather3A_214, %gather3A_215, %gather3A_216] : memref<2x64x128xf32, #tpu.memory_space<vmem>> -> memref<1x64x128xf32, #tpu.memory_space<vmem>>
          %gather3A_218 = tpu.memref_squeeze %gather3A_217 : memref<1x64x128xf32, #tpu.memory_space<vmem>> -> memref<64x128xf32, #tpu.memory_space<vmem>>
          %gather3A_219 = tpu.vector_load_idx %gather3A_218[%add3A_148, %add3A_213] : memref<64x128xf32, #tpu.memory_space<vmem>>[vector<16xi32>, vector<16xi32>], vector<16xf32>,
          %add3A_220 = arith.constant 0 : i32
          %add3A_221 = arith.addi %add3A_184, %add3A_220 : i32
          %swap3A = arith.constant 0 : i32
          %swap3A_222 = arith.index_cast %swap3A : i32 to index
          %swap3A_223 = arith.index_cast %add3A_221 : i32 to index
          %swap3A_224 = arith.constant 0 : index
          %swap3A_225 = tpu.vector_load %arg6[%swap3A_222, %swap3A_223, %swap3A_224] {strides = array<i32>} : memref<2x128x128xf32, #tpu.memory_space<vmem>>, vector<16xf32>,
          tpu.vector_store %arg6[%swap3A_222, %swap3A_223, %swap3A_224], %gather3A_192 {strides = array<i32>} : memref<2x128x128xf32, #tpu.memory_space<vmem>>, vector<16xf32>,
          %add3A_226 = arith.constant 0 : i32
          %add3A_227 = arith.addi %add3A_184, %add3A_226 : i32
          %swap3A_228 = arith.constant 0 : i32
          %swap3A_229 = arith.index_cast %swap3A_228 : i32 to index
          %swap3A_230 = arith.index_cast %add3A_227 : i32 to index
          %swap3A_231 = arith.constant 64 : index
          %swap3A_232 = tpu.vector_load %arg6[%swap3A_229, %swap3A_230, %swap3A_231] {strides = array<i32>} : memref<2x128x128xf32, #tpu.memory_space<vmem>>, vector<16xf32>,
          tpu.vector_store %arg6[%swap3A_229, %swap3A_230, %swap3A_231], %gather3A_192 {strides = array<i32>} : memref<2x128x128xf32, #tpu.memory_space<vmem>>, vector<16xf32>,
          %add3A_233 = arith.constant 0 : i32
          %add3A_234 = arith.addi %add3A_184, %add3A_233 : i32
          %swap3A_235 = arith.constant 0 : i32
          %swap3A_236 = arith.index_cast %swap3A_235 : i32 to index
          %swap3A_237 = arith.index_cast %add3A_234 : i32 to index
          %swap3A_238 = arith.constant 16 : index
          %swap3A_239 = tpu.vector_load %arg6[%swap3A_236, %swap3A_237, %swap3A_238] {strides = array<i32>} : memref<2x128x128xf32, #tpu.memory_space<vmem>>, vector<16xf32>,
          tpu.vector_store %arg6[%swap3A_236, %swap3A_237, %swap3A_238], %gather3A_201 {strides = array<i32>} : memref<2x128x128xf32, #tpu.memory_space<vmem>>, vector<16xf32>,
          %add3A_240 = arith.constant 0 : i32
          %add3A_241 = arith.addi %add3A_184, %add3A_240 : i32
          %swap3A_242 = arith.constant 0 : i32
          %swap3A_243 = arith.index_cast %swap3A_242 : i32 to index
          %swap3A_244 = arith.index_cast %add3A_241 : i32 to index
          %swap3A_245 = arith.constant 80 : index
          %swap3A_246 = tpu.vector_load %arg6[%swap3A_243, %swap3A_244, %swap3A_245] {strides = array<i32>} : memref<2x128x128xf32, #tpu.memory_space<vmem>>, vector<16xf32>,
          tpu.vector_store %arg6[%swap3A_243, %swap3A_244, %swap3A_245], %gather3A_201 {strides = array<i32>} : memref<2x128x128xf32, #tpu.memory_space<vmem>>, vector<16xf32>,
          %add3A_247 = arith.constant 0 : i32
          %add3A_248 = arith.addi %add3A_184, %add3A_247 : i32
          %swap3A_249 = arith.constant 0 : i32
          %swap3A_250 = arith.index_cast %swap3A_249 : i32 to index
          %swap3A_251 = arith.index_cast %add3A_248 : i32 to index
          %swap3A_252 = arith.constant 32 : index
          %swap3A_253 = tpu.vector_load %arg6[%swap3A_250, %swap3A_251, %swap3A_252] {strides = array<i32>} : memref<2x128x128xf32, #tpu.memory_space<vmem>>, vector<16xf32>,
          tpu.vector_store %arg6[%swap3A_250, %swap3A_251, %swap3A_252], %gather3A_210 {strides = array<i32>} : memref<2x128x128xf32, #tpu.memory_space<vmem>>, vector<16xf32>,
          %add3A_254 = arith.constant 0 : i32
          %add3A_255 = arith.addi %add3A_184, %add3A_254 : i32
          %swap3A_256 = arith.constant 0 : i32
          %swap3A_257 = arith.index_cast %swap3A_256 : i32 to index
          %swap3A_258 = arith.index_cast %add3A_255 : i32 to index
          %swap3A_259 = arith.constant 96 : index
          %swap3A_260 = tpu.vector_load %arg6[%swap3A_257, %swap3A_258, %swap3A_259] {strides = array<i32>} : memref<2x128x128xf32, #tpu.memory_space<vmem>>, vector<16xf32>,
          tpu.vector_store %arg6[%swap3A_257, %swap3A_258, %swap3A_259], %gather3A_210 {strides = array<i32>} : memref<2x128x128xf32, #tpu.memory_space<vmem>>, vector<16xf32>,
          %add3A_261 = arith.constant 0 : i32
          %add3A_262 = arith.addi %add3A_184, %add3A_261 : i32
          %swap3A_263 = arith.constant 0 : i32
          %swap3A_264 = arith.index_cast %swap3A_263 : i32 to index
          %swap3A_265 = arith.index_cast %add3A_262 : i32 to index
          %swap3A_266 = arith.constant 48 : index
          %swap3A_267 = tpu.vector_load %arg6[%swap3A_264, %swap3A_265, %swap3A_266] {strides = array<i32>} : memref<2x128x128xf32, #tpu.memory_space<vmem>>, vector<16xf32>,
          tpu.vector_store %arg6[%swap3A_264, %swap3A_265, %swap3A_266], %gather3A_219 {strides = array<i32>} : memref<2x128x128xf32, #tpu.memory_space<vmem>>, vector<16xf32>,
          %add3A_268 = arith.constant 0 : i32
          %add3A_269 = arith.addi %add3A_184, %add3A_268 : i32
          %swap3A_270 = arith.constant 0 : i32
          %swap3A_271 = arith.index_cast %swap3A_270 : i32 to index
          %swap3A_272 = arith.index_cast %add3A_269 : i32 to index
          %swap3A_273 = arith.constant 112 : index
          %swap3A_274 = tpu.vector_load %arg6[%swap3A_271, %swap3A_272, %swap3A_273] {strides = array<i32>} : memref<2x128x128xf32, #tpu.memory_space<vmem>>, vector<16xf32>,
          tpu.vector_store %arg6[%swap3A_271, %swap3A_272, %swap3A_273], %gather3A_219 {strides = array<i32>} : memref<2x128x128xf32, #tpu.memory_space<vmem>>, vector<16xf32>,
          %add3A_275 = arith.constant 1 : i32
          %add3A_276 = vector.broadcast %add3A_275 : i32 to vector<16xi32>
          %add3A_277 = arith.addi %broadcast_in_dim3A, %add3A_276 : vector<16xi32>
          %gather3A_278 = arith.constant 0 : i32
          %gather3A_279 = arith.constant 0 : i32
          %gather3A_280 = arith.constant 0 : i32
          %gather3A_281 = tpu.memref_slice %arg5[%gather3A_278, %gather3A_279, %gather3A_280] : memref<2x64x128xf32, #tpu.memory_space<vmem>> -> memref<1x64x128xf32, #tpu.memory_space<vmem>>
          %gather3A_282 = tpu.memref_squeeze %gather3A_281 : memref<1x64x128xf32, #tpu.memory_space<vmem>> -> memref<64x128xf32, #tpu.memory_space<vmem>>
          %gather3A_283 = tpu.vector_load_idx %gather3A_282[%add3A_136, %add3A_277] : memref<64x128xf32, #tpu.memory_space<vmem>>[vector<16xi32>, vector<16xi32>], vector<16xf32>,
          %add3A_284 = arith.constant 1 : i32
          %add3A_285 = vector.broadcast %add3A_284 : i32 to vector<16xi32>
          %add3A_286 = arith.addi %broadcast_in_dim3A, %add3A_285 : vector<16xi32>
          %gather3A_287 = arith.constant 0 : i32
          %gather3A_288 = arith.constant 0 : i32
          %gather3A_289 = arith.constant 0 : i32
          %gather3A_290 = tpu.memref_slice %arg5[%gather3A_287, %gather3A_288, %gather3A_289] : memref<2x64x128xf32, #tpu.memory_space<vmem>> -> memref<1x64x128xf32, #tpu.memory_space<vmem>>
          %gather3A_291 = tpu.memref_squeeze %gather3A_290 : memref<1x64x128xf32, #tpu.memory_space<vmem>> -> memref<64x128xf32, #tpu.memory_space<vmem>>
          %gather3A_292 = tpu.vector_load_idx %gather3A_291[%add3A_140, %add3A_286] : memref<64x128xf32, #tpu.memory_space<vmem>>[vector<16xi32>, vector<16xi32>], vector<16xf32>,
          %add3A_293 = arith.constant 1 : i32
          %add3A_294 = vector.broadcast %add3A_293 : i32 to vector<16xi32>
          %add3A_295 = arith.addi %broadcast_in_dim3A, %add3A_294 : vector<16xi32>
          %gather3A_296 = arith.constant 0 : i32
          %gather3A_297 = arith.constant 0 : i32
          %gather3A_298 = arith.constant 0 : i32
          %gather3A_299 = tpu.memref_slice %arg5[%gather3A_296, %gather3A_297, %gather3A_298] : memref<2x64x128xf32, #tpu.memory_space<vmem>> -> memref<1x64x128xf32, #tpu.memory_space<vmem>>
          %gather3A_300 = tpu.memref_squeeze %gather3A_299 : memref<1x64x128xf32, #tpu.memory_space<vmem>> -> memref<64x128xf32, #tpu.memory_space<vmem>>
          %gather3A_301 = tpu.vector_load_idx %gather3A_300[%add3A_144, %add3A_295] : memref<64x128xf32, #tpu.memory_space<vmem>>[vector<16xi32>, vector<16xi32>], vector<16xf32>,
          %add3A_302 = arith.constant 1 : i32
          %add3A_303 = vector.broadcast %add3A_302 : i32 to vector<16xi32>
          %add3A_304 = arith.addi %broadcast_in_dim3A, %add3A_303 : vector<16xi32>
          %gather3A_305 = arith.constant 0 : i32
          %gather3A_306 = arith.constant 0 : i32
          %gather3A_307 = arith.constant 0 : i32
          %gather3A_308 = tpu.memref_slice %arg5[%gather3A_305, %gather3A_306, %gather3A_307] : memref<2x64x128xf32, #tpu.memory_space<vmem>> -> memref<1x64x128xf32, #tpu.memory_space<vmem>>
          %gather3A_309 = tpu.memref_squeeze %gather3A_308 : memref<1x64x128xf32, #tpu.memory_space<vmem>> -> memref<64x128xf32, #tpu.memory_space<vmem>>
          %gather3A_310 = tpu.vector_load_idx %gather3A_309[%add3A_148, %add3A_304] : memref<64x128xf32, #tpu.memory_space<vmem>>[vector<16xi32>, vector<16xi32>], vector<16xf32>,
          %add3A_311 = arith.constant 1 : i32
          %add3A_312 = arith.addi %add3A_184, %add3A_311 : i32
          %swap3A_313 = arith.constant 0 : i32
          %swap3A_314 = arith.index_cast %swap3A_313 : i32 to index
          %swap3A_315 = arith.index_cast %add3A_312 : i32 to index
          %swap3A_316 = arith.constant 0 : index
          %swap3A_317 = tpu.vector_load %arg6[%swap3A_314, %swap3A_315, %swap3A_316] {strides = array<i32>} : memref<2x128x128xf32, #tpu.memory_space<vmem>>, vector<16xf32>,
          tpu.vector_store %arg6[%swap3A_314, %swap3A_315, %swap3A_316], %gather3A_283 {strides = array<i32>} : memref<2x128x128xf32, #tpu.memory_space<vmem>>, vector<16xf32>,
          %add3A_318 = arith.constant 1 : i32
          %add3A_319 = arith.addi %add3A_184, %add3A_318 : i32
          %swap3A_320 = arith.constant 0 : i32
          %swap3A_321 = arith.index_cast %swap3A_320 : i32 to index
          %swap3A_322 = arith.index_cast %add3A_319 : i32 to index
          %swap3A_323 = arith.constant 64 : index
          %swap3A_324 = tpu.vector_load %arg6[%swap3A_321, %swap3A_322, %swap3A_323] {strides = array<i32>} : memref<2x128x128xf32, #tpu.memory_space<vmem>>, vector<16xf32>,
          tpu.vector_store %arg6[%swap3A_321, %swap3A_322, %swap3A_323], %gather3A_283 {strides = array<i32>} : memref<2x128x128xf32, #tpu.memory_space<vmem>>, vector<16xf32>,
          %add3A_325 = arith.constant 1 : i32
          %add3A_326 = arith.addi %add3A_184, %add3A_325 : i32
          %swap3A_327 = arith.constant 0 : i32
          %swap3A_328 = arith.index_cast %swap3A_327 : i32 to index
          %swap3A_329 = arith.index_cast %add3A_326 : i32 to index
          %swap3A_330 = arith.constant 16 : index
          %swap3A_331 = tpu.vector_load %arg6[%swap3A_328, %swap3A_329, %swap3A_330] {strides = array<i32>} : memref<2x128x128xf32, #tpu.memory_space<vmem>>, vector<16xf32>,
          tpu.vector_store %arg6[%swap3A_328, %swap3A_329, %swap3A_330], %gather3A_292 {strides = array<i32>} : memref<2x128x128xf32, #tpu.memory_space<vmem>>, vector<16xf32>,
          %add3A_332 = arith.constant 1 : i32
          %add3A_333 = arith.addi %add3A_184, %add3A_332 : i32
          %swap3A_334 = arith.constant 0 : i32
          %swap3A_335 = arith.index_cast %swap3A_334 : i32 to index
          %swap3A_336 = arith.index_cast %add3A_333 : i32 to index
          %swap3A_337 = arith.constant 80 : index
          %swap3A_338 = tpu.vector_load %arg6[%swap3A_335, %swap3A_336, %swap3A_337] {strides = array<i32>} : memref<2x128x128xf32, #tpu.memory_space<vmem>>, vector<16xf32>,
          tpu.vector_store %arg6[%swap3A_335, %swap3A_336, %swap3A_337], %gather3A_292 {strides = array<i32>} : memref<2x128x128xf32, #tpu.memory_space<vmem>>, vector<16xf32>,
          %add3A_339 = arith.constant 1 : i32
          %add3A_340 = arith.addi %add3A_184, %add3A_339 : i32
          %swap3A_341 = arith.constant 0 : i32
          %swap3A_342 = arith.index_cast %swap3A_341 : i32 to index
          %swap3A_343 = arith.index_cast %add3A_340 : i32 to index
          %swap3A_344 = arith.constant 32 : index
          %swap3A_345 = tpu.vector_load %arg6[%swap3A_342, %swap3A_343, %swap3A_344] {strides = array<i32>} : memref<2x128x128xf32, #tpu.memory_space<vmem>>, vector<16xf32>,
          tpu.vector_store %arg6[%swap3A_342, %swap3A_343, %swap3A_344], %gather3A_301 {strides = array<i32>} : memref<2x128x128xf32, #tpu.memory_space<vmem>>, vector<16xf32>,
          %add3A_346 = arith.constant 1 : i32
          %add3A_347 = arith.addi %add3A_184, %add3A_346 : i32
          %swap3A_348 = arith.constant 0 : i32
          %swap3A_349 = arith.index_cast %swap3A_348 : i32 to index
          %swap3A_350 = arith.index_cast %add3A_347 : i32 to index
          %swap3A_351 = arith.constant 96 : index
          %swap3A_352 = tpu.vector_load %arg6[%swap3A_349, %swap3A_350, %swap3A_351] {strides = array<i32>} : memref<2x128x128xf32, #tpu.memory_space<vmem>>, vector<16xf32>,
          tpu.vector_store %arg6[%swap3A_349, %swap3A_350, %swap3A_351], %gather3A_301 {strides = array<i32>} : memref<2x128x128xf32, #tpu.memory_space<vmem>>, vector<16xf32>,
          %add3A_353 = arith.constant 1 : i32
          %add3A_354 = arith.addi %add3A_184, %add3A_353 : i32
          %swap3A_355 = arith.constant 0 : i32
          %swap3A_356 = arith.index_cast %swap3A_355 : i32 to index
          %swap3A_357 = arith.index_cast %add3A_354 : i32 to index
          %swap3A_358 = arith.constant 48 : index
          %swap3A_359 = tpu.vector_load %arg6[%swap3A_356, %swap3A_357, %swap3A_358] {strides = array<i32>} : memref<2x128x128xf32, #tpu.memory_space<vmem>>, vector<16xf32>,
          tpu.vector_store %arg6[%swap3A_356, %swap3A_357, %swap3A_358], %gather3A_310 {strides = array<i32>} : memref<2x128x128xf32, #tpu.memory_space<vmem>>, vector<16xf32>,
          %add3A_360 = arith.constant 1 : i32
          %add3A_361 = arith.addi %add3A_184, %add3A_360 : i32
          %swap3A_362 = arith.constant 0 : i32
          %swap3A_363 = arith.index_cast %swap3A_362 : i32 to index
          %swap3A_364 = arith.index_cast %add3A_361 : i32 to index
          %swap3A_365 = arith.constant 112 : index
          %swap3A_366 = tpu.vector_load %arg6[%swap3A_363, %swap3A_364, %swap3A_365] {strides = array<i32>} : memref<2x128x128xf32, #tpu.memory_space<vmem>>, vector<16xf32>,
          tpu.vector_store %arg6[%swap3A_363, %swap3A_364, %swap3A_365], %gather3A_310 {strides = array<i32>} : memref<2x128x128xf32, #tpu.memory_space<vmem>>, vector<16xf32>,
          %add3A_367 = arith.constant 2 : i32
          %add3A_368 = vector.broadcast %add3A_367 : i32 to vector<16xi32>
          %add3A_369 = arith.addi %broadcast_in_dim3A, %add3A_368 : vector<16xi32>
          %gather3A_370 = arith.constant 0 : i32
          %gather3A_371 = arith.constant 0 : i32
          %gather3A_372 = arith.constant 0 : i32
          %gather3A_373 = tpu.memref_slice %arg5[%gather3A_370, %gather3A_371, %gather3A_372] : memref<2x64x128xf32, #tpu.memory_space<vmem>> -> memref<1x64x128xf32, #tpu.memory_space<vmem>>
          %gather3A_374 = tpu.memref_squeeze %gather3A_373 : memref<1x64x128xf32, #tpu.memory_space<vmem>> -> memref<64x128xf32, #tpu.memory_space<vmem>>
          %gather3A_375 = tpu.vector_load_idx %gather3A_374[%add3A_136, %add3A_369] : memref<64x128xf32, #tpu.memory_space<vmem>>[vector<16xi32>, vector<16xi32>], vector<16xf32>,
          %add3A_376 = arith.constant 2 : i32
          %add3A_377 = vector.broadcast %add3A_376 : i32 to vector<16xi32>
          %add3A_378 = arith.addi %broadcast_in_dim3A, %add3A_377 : vector<16xi32>
          %gather3A_379 = arith.constant 0 : i32
          %gather3A_380 = arith.constant 0 : i32
          %gather3A_381 = arith.constant 0 : i32
          %gather3A_382 = tpu.memref_slice %arg5[%gather3A_379, %gather3A_380, %gather3A_381] : memref<2x64x128xf32, #tpu.memory_space<vmem>> -> memref<1x64x128xf32, #tpu.memory_space<vmem>>
          %gather3A_383 = tpu.memref_squeeze %gather3A_382 : memref<1x64x128xf32, #tpu.memory_space<vmem>> -> memref<64x128xf32, #tpu.memory_space<vmem>>
          %gather3A_384 = tpu.vector_load_idx %gather3A_383[%add3A_140, %add3A_378] : memref<64x128xf32, #tpu.memory_space<vmem>>[vector<16xi32>, vector<16xi32>], vector<16xf32>,
          %add3A_385 = arith.constant 2 : i32
          %add3A_386 = vector.broadcast %add3A_385 : i32 to vector<16xi32>
          %add3A_387 = arith.addi %broadcast_in_dim3A, %add3A_386 : vector<16xi32>
          %gather3A_388 = arith.constant 0 : i32
          %gather3A_389 = arith.constant 0 : i32
          %gather3A_390 = arith.constant 0 : i32
          %gather3A_391 = tpu.memref_slice %arg5[%gather3A_388, %gather3A_389, %gather3A_390] : memref<2x64x128xf32, #tpu.memory_space<vmem>> -> memref<1x64x128xf32, #tpu.memory_space<vmem>>
          %gather3A_392 = tpu.memref_squeeze %gather3A_391 : memref<1x64x128xf32, #tpu.memory_space<vmem>> -> memref<64x128xf32, #tpu.memory_space<vmem>>
          %gather3A_393 = tpu.vector_load_idx %gather3A_392[%add3A_144, %add3A_387] : memref<64x128xf32, #tpu.memory_space<vmem>>[vector<16xi32>, vector<16xi32>], vector<16xf32>,
          %add3A_394 = arith.constant 2 : i32
          %add3A_395 = vector.broadcast %add3A_394 : i32 to vector<16xi32>
          %add3A_396 = arith.addi %broadcast_in_dim3A, %add3A_395 : vector<16xi32>
          %gather3A_397 = arith.constant 0 : i32
          %gather3A_398 = arith.constant 0 : i32
          %gather3A_399 = arith.constant 0 : i32
          %gather3A_400 = tpu.memref_slice %arg5[%gather3A_397, %gather3A_398, %gather3A_399] : memref<2x64x128xf32, #tpu.memory_space<vmem>> -> memref<1x64x128xf32, #tpu.memory_space<vmem>>
          %gather3A_401 = tpu.memref_squeeze %gather3A_400 : memref<1x64x128xf32, #tpu.memory_space<vmem>> -> memref<64x128xf32, #tpu.memory_space<vmem>>
          %gather3A_402 = tpu.vector_load_idx %gather3A_401[%add3A_148, %add3A_396] : memref<64x128xf32, #tpu.memory_space<vmem>>[vector<16xi32>, vector<16xi32>], vector<16xf32>,
          %add3A_403 = arith.constant 2 : i32
          %add3A_404 = arith.addi %add3A_184, %add3A_403 : i32
          %swap3A_405 = arith.constant 0 : i32
          %swap3A_406 = arith.index_cast %swap3A_405 : i32 to index
          %swap3A_407 = arith.index_cast %add3A_404 : i32 to index
          %swap3A_408 = arith.constant 0 : index
          %swap3A_409 = tpu.vector_load %arg6[%swap3A_406, %swap3A_407, %swap3A_408] {strides = array<i32>} : memref<2x128x128xf32, #tpu.memory_space<vmem>>, vector<16xf32>,
          tpu.vector_store %arg6[%swap3A_406, %swap3A_407, %swap3A_408], %gather3A_375 {strides = array<i32>} : memref<2x128x128xf32, #tpu.memory_space<vmem>>, vector<16xf32>,
          %add3A_410 = arith.constant 2 : i32
          %add3A_411 = arith.addi %add3A_184, %add3A_410 : i32
          %swap3A_412 = arith.constant 0 : i32
          %swap3A_413 = arith.index_cast %swap3A_412 : i32 to index
          %swap3A_414 = arith.index_cast %add3A_411 : i32 to index
          %swap3A_415 = arith.constant 64 : index
          %swap3A_416 = tpu.vector_load %arg6[%swap3A_413, %swap3A_414, %swap3A_415] {strides = array<i32>} : memref<2x128x128xf32, #tpu.memory_space<vmem>>, vector<16xf32>,
          tpu.vector_store %arg6[%swap3A_413, %swap3A_414, %swap3A_415], %gather3A_375 {strides = array<i32>} : memref<2x128x128xf32, #tpu.memory_space<vmem>>, vector<16xf32>,
          %add3A_417 = arith.constant 2 : i32
          %add3A_418 = arith.addi %add3A_184, %add3A_417 : i32
          %swap3A_419 = arith.constant 0 : i32
          %swap3A_420 = arith.index_cast %swap3A_419 : i32 to index
          %swap3A_421 = arith.index_cast %add3A_418 : i32 to index
          %swap3A_422 = arith.constant 16 : index
          %swap3A_423 = tpu.vector_load %arg6[%swap3A_420, %swap3A_421, %swap3A_422] {strides = array<i32>} : memref<2x128x128xf32, #tpu.memory_space<vmem>>, vector<16xf32>,
          tpu.vector_store %arg6[%swap3A_420, %swap3A_421, %swap3A_422], %gather3A_384 {strides = array<i32>} : memref<2x128x128xf32, #tpu.memory_space<vmem>>, vector<16xf32>,
          %add3A_424 = arith.constant 2 : i32
          %add3A_425 = arith.addi %add3A_184, %add3A_424 : i32
          %swap3A_426 = arith.constant 0 : i32
          %swap3A_427 = arith.index_cast %swap3A_426 : i32 to index
          %swap3A_428 = arith.index_cast %add3A_425 : i32 to index
          %swap3A_429 = arith.constant 80 : index
          %swap3A_430 = tpu.vector_load %arg6[%swap3A_427, %swap3A_428, %swap3A_429] {strides = array<i32>} : memref<2x128x128xf32, #tpu.memory_space<vmem>>, vector<16xf32>,
          tpu.vector_store %arg6[%swap3A_427, %swap3A_428, %swap3A_429], %gather3A_384 {strides = array<i32>} : memref<2x128x128xf32, #tpu.memory_space<vmem>>, vector<16xf32>,
          %add3A_431 = arith.constant 2 : i32
          %add3A_432 = arith.addi %add3A_184, %add3A_431 : i32
          %swap3A_433 = arith.constant 0 : i32
          %swap3A_434 = arith.index_cast %swap3A_433 : i32 to index
          %swap3A_435 = arith.index_cast %add3A_432 : i32 to index
          %swap3A_436 = arith.constant 32 : index
          %swap3A_437 = tpu.vector_load %arg6[%swap3A_434, %swap3A_435, %swap3A_436] {strides = array<i32>} : memref<2x128x128xf32, #tpu.memory_space<vmem>>, vector<16xf32>,
          tpu.vector_store %arg6[%swap3A_434, %swap3A_435, %swap3A_436], %gather3A_393 {strides = array<i32>} : memref<2x128x128xf32, #tpu.memory_space<vmem>>, vector<16xf32>,
          %add3A_438 = arith.constant 2 : i32
          %add3A_439 = arith.addi %add3A_184, %add3A_438 : i32
          %swap3A_440 = arith.constant 0 : i32
          %swap3A_441 = arith.index_cast %swap3A_440 : i32 to index
          %swap3A_442 = arith.index_cast %add3A_439 : i32 to index
          %swap3A_443 = arith.constant 96 : index
          %swap3A_444 = tpu.vector_load %arg6[%swap3A_441, %swap3A_442, %swap3A_443] {strides = array<i32>} : memref<2x128x128xf32, #tpu.memory_space<vmem>>, vector<16xf32>,
          tpu.vector_store %arg6[%swap3A_441, %swap3A_442, %swap3A_443], %gather3A_393 {strides = array<i32>} : memref<2x128x128xf32, #tpu.memory_space<vmem>>, vector<16xf32>,
          %add3A_445 = arith.constant 2 : i32
          %add3A_446 = arith.addi %add3A_184, %add3A_445 : i32
          %swap3A_447 = arith.constant 0 : i32
          %swap3A_448 = arith.index_cast %swap3A_447 : i32 to index
          %swap3A_449 = arith.index_cast %add3A_446 : i32 to index
          %swap3A_450 = arith.constant 48 : index
          %swap3A_451 = tpu.vector_load %arg6[%swap3A_448, %swap3A_449, %swap3A_450] {strides = array<i32>} : memref<2x128x128xf32, #tpu.memory_space<vmem>>, vector<16xf32>,
          tpu.vector_store %arg6[%swap3A_448, %swap3A_449, %swap3A_450], %gather3A_402 {strides = array<i32>} : memref<2x128x128xf32, #tpu.memory_space<vmem>>, vector<16xf32>,
          %add3A_452 = arith.constant 2 : i32
          %add3A_453 = arith.addi %add3A_184, %add3A_452 : i32
          %swap3A_454 = arith.constant 0 : i32
          %swap3A_455 = arith.index_cast %swap3A_454 : i32 to index
          %swap3A_456 = arith.index_cast %add3A_453 : i32 to index
          %swap3A_457 = arith.constant 112 : index
          %swap3A_458 = tpu.vector_load %arg6[%swap3A_455, %swap3A_456, %swap3A_457] {strides = array<i32>} : memref<2x128x128xf32, #tpu.memory_space<vmem>>, vector<16xf32>,
          tpu.vector_store %arg6[%swap3A_455, %swap3A_456, %swap3A_457], %gather3A_402 {strides = array<i32>} : memref<2x128x128xf32, #tpu.memory_space<vmem>>, vector<16xf32>,
          %add3A_459 = arith.constant 3 : i32
          %add3A_460 = vector.broadcast %add3A_459 : i32 to vector<16xi32>
          %add3A_461 = arith.addi %broadcast_in_dim3A, %add3A_460 : vector<16xi32>
          %gather3A_462 = arith.constant 0 : i32
          %gather3A_463 = arith.constant 0 : i32
          %gather3A_464 = arith.constant 0 : i32
          %gather3A_465 = tpu.memref_slice %arg5[%gather3A_462, %gather3A_463, %gather3A_464] : memref<2x64x128xf32, #tpu.memory_space<vmem>> -> memref<1x64x128xf32, #tpu.memory_space<vmem>>
          %gather3A_466 = tpu.memref_squeeze %gather3A_465 : memref<1x64x128xf32, #tpu.memory_space<vmem>> -> memref<64x128xf32, #tpu.memory_space<vmem>>
          %gather3A_467 = tpu.vector_load_idx %gather3A_466[%add3A_136, %add3A_461] : memref<64x128xf32, #tpu.memory_space<vmem>>[vector<16xi32>, vector<16xi32>], vector<16xf32>,
          %add3A_468 = arith.constant 3 : i32
          %add3A_469 = vector.broadcast %add3A_468 : i32 to vector<16xi32>
          %add3A_470 = arith.addi %broadcast_in_dim3A, %add3A_469 : vector<16xi32>
          %gather3A_471 = arith.constant 0 : i32
          %gather3A_472 = arith.constant 0 : i32
          %gather3A_473 = arith.constant 0 : i32
          %gather3A_474 = tpu.memref_slice %arg5[%gather3A_471, %gather3A_472, %gather3A_473] : memref<2x64x128xf32, #tpu.memory_space<vmem>> -> memref<1x64x128xf32, #tpu.memory_space<vmem>>
          %gather3A_475 = tpu.memref_squeeze %gather3A_474 : memref<1x64x128xf32, #tpu.memory_space<vmem>> -> memref<64x128xf32, #tpu.memory_space<vmem>>
          %gather3A_476 = tpu.vector_load_idx %gather3A_475[%add3A_140, %add3A_470] : memref<64x128xf32, #tpu.memory_space<vmem>>[vector<16xi32>, vector<16xi32>], vector<16xf32>,
          %add3A_477 = arith.constant 3 : i32
          %add3A_478 = vector.broadcast %add3A_477 : i32 to vector<16xi32>
          %add3A_479 = arith.addi %broadcast_in_dim3A, %add3A_478 : vector<16xi32>
          %gather3A_480 = arith.constant 0 : i32
          %gather3A_481 = arith.constant 0 : i32
          %gather3A_482 = arith.constant 0 : i32
          %gather3A_483 = tpu.memref_slice %arg5[%gather3A_480, %gather3A_481, %gather3A_482] : memref<2x64x128xf32, #tpu.memory_space<vmem>> -> memref<1x64x128xf32, #tpu.memory_space<vmem>>
          %gather3A_484 = tpu.memref_squeeze %gather3A_483 : memref<1x64x128xf32, #tpu.memory_space<vmem>> -> memref<64x128xf32, #tpu.memory_space<vmem>>
          %gather3A_485 = tpu.vector_load_idx %gather3A_484[%add3A_144, %add3A_479] : memref<64x128xf32, #tpu.memory_space<vmem>>[vector<16xi32>, vector<16xi32>], vector<16xf32>,
          %add3A_486 = arith.constant 3 : i32
          %add3A_487 = vector.broadcast %add3A_486 : i32 to vector<16xi32>
          %add3A_488 = arith.addi %broadcast_in_dim3A, %add3A_487 : vector<16xi32>
          %gather3A_489 = arith.constant 0 : i32
          %gather3A_490 = arith.constant 0 : i32
          %gather3A_491 = arith.constant 0 : i32
          %gather3A_492 = tpu.memref_slice %arg5[%gather3A_489, %gather3A_490, %gather3A_491] : memref<2x64x128xf32, #tpu.memory_space<vmem>> -> memref<1x64x128xf32, #tpu.memory_space<vmem>>
          %gather3A_493 = tpu.memref_squeeze %gather3A_492 : memref<1x64x128xf32, #tpu.memory_space<vmem>> -> memref<64x128xf32, #tpu.memory_space<vmem>>
          %gather3A_494 = tpu.vector_load_idx %gather3A_493[%add3A_148, %add3A_488] : memref<64x128xf32, #tpu.memory_space<vmem>>[vector<16xi32>, vector<16xi32>], vector<16xf32>,
          %add3A_495 = arith.constant 3 : i32
          %add3A_496 = arith.addi %add3A_184, %add3A_495 : i32
          %swap3A_497 = arith.constant 0 : i32
          %swap3A_498 = arith.index_cast %swap3A_497 : i32 to index
          %swap3A_499 = arith.index_cast %add3A_496 : i32 to index
          %swap3A_500 = arith.constant 0 : index
          %swap3A_501 = tpu.vector_load %arg6[%swap3A_498, %swap3A_499, %swap3A_500] {strides = array<i32>} : memref<2x128x128xf32, #tpu.memory_space<vmem>>, vector<16xf32>,
          tpu.vector_store %arg6[%swap3A_498, %swap3A_499, %swap3A_500], %gather3A_467 {strides = array<i32>} : memref<2x128x128xf32, #tpu.memory_space<vmem>>, vector<16xf32>,
          %add3A_502 = arith.constant 3 : i32
          %add3A_503 = arith.addi %add3A_184, %add3A_502 : i32
          %swap3A_504 = arith.constant 0 : i32
          %swap3A_505 = arith.index_cast %swap3A_504 : i32 to index
          %swap3A_506 = arith.index_cast %add3A_503 : i32 to index
          %swap3A_507 = arith.constant 64 : index
          %swap3A_508 = tpu.vector_load %arg6[%swap3A_505, %swap3A_506, %swap3A_507] {strides = array<i32>} : memref<2x128x128xf32, #tpu.memory_space<vmem>>, vector<16xf32>,
          tpu.vector_store %arg6[%swap3A_505, %swap3A_506, %swap3A_507], %gather3A_467 {strides = array<i32>} : memref<2x128x128xf32, #tpu.memory_space<vmem>>, vector<16xf32>,
          %add3A_509 = arith.constant 3 : i32
          %add3A_510 = arith.addi %add3A_184, %add3A_509 : i32
          %swap3A_511 = arith.constant 0 : i32
          %swap3A_512 = arith.index_cast %swap3A_511 : i32 to index
          %swap3A_513 = arith.index_cast %add3A_510 : i32 to index
          %swap3A_514 = arith.constant 16 : index
          %swap3A_515 = tpu.vector_load %arg6[%swap3A_512, %swap3A_513, %swap3A_514] {strides = array<i32>} : memref<2x128x128xf32, #tpu.memory_space<vmem>>, vector<16xf32>,
          tpu.vector_store %arg6[%swap3A_512, %swap3A_513, %swap3A_514], %gather3A_476 {strides = array<i32>} : memref<2x128x128xf32, #tpu.memory_space<vmem>>, vector<16xf32>,
          %add3A_516 = arith.constant 3 : i32
          %add3A_517 = arith.addi %add3A_184, %add3A_516 : i32
          %swap3A_518 = arith.constant 0 : i32
          %swap3A_519 = arith.index_cast %swap3A_518 : i32 to index
          %swap3A_520 = arith.index_cast %add3A_517 : i32 to index
          %swap3A_521 = arith.constant 80 : index
          %swap3A_522 = tpu.vector_load %arg6[%swap3A_519, %swap3A_520, %swap3A_521] {strides = array<i32>} : memref<2x128x128xf32, #tpu.memory_space<vmem>>, vector<16xf32>,
          tpu.vector_store %arg6[%swap3A_519, %swap3A_520, %swap3A_521], %gather3A_476 {strides = array<i32>} : memref<2x128x128xf32, #tpu.memory_space<vmem>>, vector<16xf32>,
          %add3A_523 = arith.constant 3 : i32
          %add3A_524 = arith.addi %add3A_184, %add3A_523 : i32
          %swap3A_525 = arith.constant 0 : i32
          %swap3A_526 = arith.index_cast %swap3A_525 : i32 to index
          %swap3A_527 = arith.index_cast %add3A_524 : i32 to index
          %swap3A_528 = arith.constant 32 : index
          %swap3A_529 = tpu.vector_load %arg6[%swap3A_526, %swap3A_527, %swap3A_528] {strides = array<i32>} : memref<2x128x128xf32, #tpu.memory_space<vmem>>, vector<16xf32>,
          tpu.vector_store %arg6[%swap3A_526, %swap3A_527, %swap3A_528], %gather3A_485 {strides = array<i32>} : memref<2x128x128xf32, #tpu.memory_space<vmem>>, vector<16xf32>,
          %add3A_530 = arith.constant 3 : i32
          %add3A_531 = arith.addi %add3A_184, %add3A_530 : i32
          %swap3A_532 = arith.constant 0 : i32
          %swap3A_533 = arith.index_cast %swap3A_532 : i32 to index
          %swap3A_534 = arith.index_cast %add3A_531 : i32 to index
          %swap3A_535 = arith.constant 96 : index
          %swap3A_536 = tpu.vector_load %arg6[%swap3A_533, %swap3A_534, %swap3A_535] {strides = array<i32>} : memref<2x128x128xf32, #tpu.memory_space<vmem>>, vector<16xf32>,
          tpu.vector_store %arg6[%swap3A_533, %swap3A_534, %swap3A_535], %gather3A_485 {strides = array<i32>} : memref<2x128x128xf32, #tpu.memory_space<vmem>>, vector<16xf32>,
          %add3A_537 = arith.constant 3 : i32
          %add3A_538 = arith.addi %add3A_184, %add3A_537 : i32
          %swap3A_539 = arith.constant 0 : i32
          %swap3A_540 = arith.index_cast %swap3A_539 : i32 to index
          %swap3A_541 = arith.index_cast %add3A_538 : i32 to index
          %swap3A_542 = arith.constant 48 : index
          %swap3A_543 = tpu.vector_load %arg6[%swap3A_540, %swap3A_541, %swap3A_542] {strides = array<i32>} : memref<2x128x128xf32, #tpu.memory_space<vmem>>, vector<16xf32>,
          tpu.vector_store %arg6[%swap3A_540, %swap3A_541, %swap3A_542], %gather3A_494 {strides = array<i32>} : memref<2x128x128xf32, #tpu.memory_space<vmem>>, vector<16xf32>,
          %add3A_544 = arith.constant 3 : i32
          %add3A_545 = arith.addi %add3A_184, %add3A_544 : i32
          %swap3A_546 = arith.constant 0 : i32
          %swap3A_547 = arith.index_cast %swap3A_546 : i32 to index
          %swap3A_548 = arith.index_cast %add3A_545 : i32 to index
          %swap3A_549 = arith.constant 112 : index
          %swap3A_550 = tpu.vector_load %arg6[%swap3A_547, %swap3A_548, %swap3A_549] {strides = array<i32>} : memref<2x128x128xf32, #tpu.memory_space<vmem>>, vector<16xf32>,
          tpu.vector_store %arg6[%swap3A_547, %swap3A_548, %swap3A_549], %gather3A_494 {strides = array<i32>} : memref<2x128x128xf32, #tpu.memory_space<vmem>>, vector<16xf32>,
          %add3A_551 = arith.constant 4 : i32
          %add3A_552 = vector.broadcast %add3A_551 : i32 to vector<16xi32>
          %add3A_553 = arith.addi %broadcast_in_dim3A, %add3A_552 : vector<16xi32>
          %gather3A_554 = arith.constant 0 : i32
          %gather3A_555 = arith.constant 0 : i32
          %gather3A_556 = arith.constant 0 : i32
          %gather3A_557 = tpu.memref_slice %arg5[%gather3A_554, %gather3A_555, %gather3A_556] : memref<2x64x128xf32, #tpu.memory_space<vmem>> -> memref<1x64x128xf32, #tpu.memory_space<vmem>>
          %gather3A_558 = tpu.memref_squeeze %gather3A_557 : memref<1x64x128xf32, #tpu.memory_space<vmem>> -> memref<64x128xf32, #tpu.memory_space<vmem>>
          %gather3A_559 = tpu.vector_load_idx %gather3A_558[%add3A_136, %add3A_553] : memref<64x128xf32, #tpu.memory_space<vmem>>[vector<16xi32>, vector<16xi32>], vector<16xf32>,
          %add3A_560 = arith.constant 4 : i32
          %add3A_561 = vector.broadcast %add3A_560 : i32 to vector<16xi32>
          %add3A_562 = arith.addi %broadcast_in_dim3A, %add3A_561 : vector<16xi32>
          %gather3A_563 = arith.constant 0 : i32
          %gather3A_564 = arith.constant 0 : i32
          %gather3A_565 = arith.constant 0 : i32
          %gather3A_566 = tpu.memref_slice %arg5[%gather3A_563, %gather3A_564, %gather3A_565] : memref<2x64x128xf32, #tpu.memory_space<vmem>> -> memref<1x64x128xf32, #tpu.memory_space<vmem>>
          %gather3A_567 = tpu.memref_squeeze %gather3A_566 : memref<1x64x128xf32, #tpu.memory_space<vmem>> -> memref<64x128xf32, #tpu.memory_space<vmem>>
          %gather3A_568 = tpu.vector_load_idx %gather3A_567[%add3A_140, %add3A_562] : memref<64x128xf32, #tpu.memory_space<vmem>>[vector<16xi32>, vector<16xi32>], vector<16xf32>,
          %add3A_569 = arith.constant 4 : i32
          %add3A_570 = vector.broadcast %add3A_569 : i32 to vector<16xi32>
          %add3A_571 = arith.addi %broadcast_in_dim3A, %add3A_570 : vector<16xi32>
          %gather3A_572 = arith.constant 0 : i32
          %gather3A_573 = arith.constant 0 : i32
          %gather3A_574 = arith.constant 0 : i32
          %gather3A_575 = tpu.memref_slice %arg5[%gather3A_572, %gather3A_573, %gather3A_574] : memref<2x64x128xf32, #tpu.memory_space<vmem>> -> memref<1x64x128xf32, #tpu.memory_space<vmem>>
          %gather3A_576 = tpu.memref_squeeze %gather3A_575 : memref<1x64x128xf32, #tpu.memory_space<vmem>> -> memref<64x128xf32, #tpu.memory_space<vmem>>
          %gather3A_577 = tpu.vector_load_idx %gather3A_576[%add3A_144, %add3A_571] : memref<64x128xf32, #tpu.memory_space<vmem>>[vector<16xi32>, vector<16xi32>], vector<16xf32>,
          %add3A_578 = arith.constant 4 : i32
          %add3A_579 = vector.broadcast %add3A_578 : i32 to vector<16xi32>
          %add3A_580 = arith.addi %broadcast_in_dim3A, %add3A_579 : vector<16xi32>
          %gather3A_581 = arith.constant 0 : i32
          %gather3A_582 = arith.constant 0 : i32
          %gather3A_583 = arith.constant 0 : i32
          %gather3A_584 = tpu.memref_slice %arg5[%gather3A_581, %gather3A_582, %gather3A_583] : memref<2x64x128xf32, #tpu.memory_space<vmem>> -> memref<1x64x128xf32, #tpu.memory_space<vmem>>
          %gather3A_585 = tpu.memref_squeeze %gather3A_584 : memref<1x64x128xf32, #tpu.memory_space<vmem>> -> memref<64x128xf32, #tpu.memory_space<vmem>>
          %gather3A_586 = tpu.vector_load_idx %gather3A_585[%add3A_148, %add3A_580] : memref<64x128xf32, #tpu.memory_space<vmem>>[vector<16xi32>, vector<16xi32>], vector<16xf32>,
          %add3A_587 = arith.constant 4 : i32
          %add3A_588 = arith.addi %add3A_184, %add3A_587 : i32
          %swap3A_589 = arith.constant 0 : i32
          %swap3A_590 = arith.index_cast %swap3A_589 : i32 to index
          %swap3A_591 = arith.index_cast %add3A_588 : i32 to index
          %swap3A_592 = arith.constant 0 : index
          %swap3A_593 = tpu.vector_load %arg6[%swap3A_590, %swap3A_591, %swap3A_592] {strides = array<i32>} : memref<2x128x128xf32, #tpu.memory_space<vmem>>, vector<16xf32>,
          tpu.vector_store %arg6[%swap3A_590, %swap3A_591, %swap3A_592], %gather3A_559 {strides = array<i32>} : memref<2x128x128xf32, #tpu.memory_space<vmem>>, vector<16xf32>,
          %add3A_594 = arith.constant 4 : i32
          %add3A_595 = arith.addi %add3A_184, %add3A_594 : i32
          %swap3A_596 = arith.constant 0 : i32
          %swap3A_597 = arith.index_cast %swap3A_596 : i32 to index
          %swap3A_598 = arith.index_cast %add3A_595 : i32 to index
          %swap3A_599 = arith.constant 64 : index
          %swap3A_600 = tpu.vector_load %arg6[%swap3A_597, %swap3A_598, %swap3A_599] {strides = array<i32>} : memref<2x128x128xf32, #tpu.memory_space<vmem>>, vector<16xf32>,
          tpu.vector_store %arg6[%swap3A_597, %swap3A_598, %swap3A_599], %gather3A_559 {strides = array<i32>} : memref<2x128x128xf32, #tpu.memory_space<vmem>>, vector<16xf32>,
          %add3A_601 = arith.constant 4 : i32
          %add3A_602 = arith.addi %add3A_184, %add3A_601 : i32
          %swap3A_603 = arith.constant 0 : i32
          %swap3A_604 = arith.index_cast %swap3A_603 : i32 to index
          %swap3A_605 = arith.index_cast %add3A_602 : i32 to index
          %swap3A_606 = arith.constant 16 : index
          %swap3A_607 = tpu.vector_load %arg6[%swap3A_604, %swap3A_605, %swap3A_606] {strides = array<i32>} : memref<2x128x128xf32, #tpu.memory_space<vmem>>, vector<16xf32>,
          tpu.vector_store %arg6[%swap3A_604, %swap3A_605, %swap3A_606], %gather3A_568 {strides = array<i32>} : memref<2x128x128xf32, #tpu.memory_space<vmem>>, vector<16xf32>,
          %add3A_608 = arith.constant 4 : i32
          %add3A_609 = arith.addi %add3A_184, %add3A_608 : i32
          %swap3A_610 = arith.constant 0 : i32
          %swap3A_611 = arith.index_cast %swap3A_610 : i32 to index
          %swap3A_612 = arith.index_cast %add3A_609 : i32 to index
          %swap3A_613 = arith.constant 80 : index
          %swap3A_614 = tpu.vector_load %arg6[%swap3A_611, %swap3A_612, %swap3A_613] {strides = array<i32>} : memref<2x128x128xf32, #tpu.memory_space<vmem>>, vector<16xf32>,
          tpu.vector_store %arg6[%swap3A_611, %swap3A_612, %swap3A_613], %gather3A_568 {strides = array<i32>} : memref<2x128x128xf32, #tpu.memory_space<vmem>>, vector<16xf32>,
          %add3A_615 = arith.constant 4 : i32
          %add3A_616 = arith.addi %add3A_184, %add3A_615 : i32
          %swap3A_617 = arith.constant 0 : i32
          %swap3A_618 = arith.index_cast %swap3A_617 : i32 to index
          %swap3A_619 = arith.index_cast %add3A_616 : i32 to index
          %swap3A_620 = arith.constant 32 : index
          %swap3A_621 = tpu.vector_load %arg6[%swap3A_618, %swap3A_619, %swap3A_620] {strides = array<i32>} : memref<2x128x128xf32, #tpu.memory_space<vmem>>, vector<16xf32>,
          tpu.vector_store %arg6[%swap3A_618, %swap3A_619, %swap3A_620], %gather3A_577 {strides = array<i32>} : memref<2x128x128xf32, #tpu.memory_space<vmem>>, vector<16xf32>,
          %add3A_622 = arith.constant 4 : i32
          %add3A_623 = arith.addi %add3A_184, %add3A_622 : i32
          %swap3A_624 = arith.constant 0 : i32
          %swap3A_625 = arith.index_cast %swap3A_624 : i32 to index
          %swap3A_626 = arith.index_cast %add3A_623 : i32 to index
          %swap3A_627 = arith.constant 96 : index
          %swap3A_628 = tpu.vector_load %arg6[%swap3A_625, %swap3A_626, %swap3A_627] {strides = array<i32>} : memref<2x128x128xf32, #tpu.memory_space<vmem>>, vector<16xf32>,
          tpu.vector_store %arg6[%swap3A_625, %swap3A_626, %swap3A_627], %gather3A_577 {strides = array<i32>} : memref<2x128x128xf32, #tpu.memory_space<vmem>>, vector<16xf32>,
          %add3A_629 = arith.constant 4 : i32
          %add3A_630 = arith.addi %add3A_184, %add3A_629 : i32
          %swap3A_631 = arith.constant 0 : i32
          %swap3A_632 = arith.index_cast %swap3A_631 : i32 to index
          %swap3A_633 = arith.index_cast %add3A_630 : i32 to index
          %swap3A_634 = arith.constant 48 : index
          %swap3A_635 = tpu.vector_load %arg6[%swap3A_632, %swap3A_633, %swap3A_634] {strides = array<i32>} : memref<2x128x128xf32, #tpu.memory_space<vmem>>, vector<16xf32>,
          tpu.vector_store %arg6[%swap3A_632, %swap3A_633, %swap3A_634], %gather3A_586 {strides = array<i32>} : memref<2x128x128xf32, #tpu.memory_space<vmem>>, vector<16xf32>,
          %add3A_636 = arith.constant 4 : i32
          %add3A_637 = arith.addi %add3A_184, %add3A_636 : i32
          %swap3A_638 = arith.constant 0 : i32
          %swap3A_639 = arith.index_cast %swap3A_638 : i32 to index
          %swap3A_640 = arith.index_cast %add3A_637 : i32 to index
          %swap3A_641 = arith.constant 112 : index
          %swap3A_642 = tpu.vector_load %arg6[%swap3A_639, %swap3A_640, %swap3A_641] {strides = array<i32>} : memref<2x128x128xf32, #tpu.memory_space<vmem>>, vector<16xf32>,
          tpu.vector_store %arg6[%swap3A_639, %swap3A_640, %swap3A_641], %gather3A_586 {strides = array<i32>} : memref<2x128x128xf32, #tpu.memory_space<vmem>>, vector<16xf32>,
          %add3A_643 = arith.constant 5 : i32
          %add3A_644 = vector.broadcast %add3A_643 : i32 to vector<16xi32>
          %add3A_645 = arith.addi %broadcast_in_dim3A, %add3A_644 : vector<16xi32>
          %gather3A_646 = arith.constant 0 : i32
          %gather3A_647 = arith.constant 0 : i32
          %gather3A_648 = arith.constant 0 : i32
          %gather3A_649 = tpu.memref_slice %arg5[%gather3A_646, %gather3A_647, %gather3A_648] : memref<2x64x128xf32, #tpu.memory_space<vmem>> -> memref<1x64x128xf32, #tpu.memory_space<vmem>>
          %gather3A_650 = tpu.memref_squeeze %gather3A_649 : memref<1x64x128xf32, #tpu.memory_space<vmem>> -> memref<64x128xf32, #tpu.memory_space<vmem>>
          %gather3A_651 = tpu.vector_load_idx %gather3A_650[%add3A_136, %add3A_645] : memref<64x128xf32, #tpu.memory_space<vmem>>[vector<16xi32>, vector<16xi32>], vector<16xf32>,
          %add3A_652 = arith.constant 5 : i32
          %add3A_653 = vector.broadcast %add3A_652 : i32 to vector<16xi32>
          %add3A_654 = arith.addi %broadcast_in_dim3A, %add3A_653 : vector<16xi32>
          %gather3A_655 = arith.constant 0 : i32
          %gather3A_656 = arith.constant 0 : i32
          %gather3A_657 = arith.constant 0 : i32
          %gather3A_658 = tpu.memref_slice %arg5[%gather3A_655, %gather3A_656, %gather3A_657] : memref<2x64x128xf32, #tpu.memory_space<vmem>> -> memref<1x64x128xf32, #tpu.memory_space<vmem>>
          %gather3A_659 = tpu.memref_squeeze %gather3A_658 : memref<1x64x128xf32, #tpu.memory_space<vmem>> -> memref<64x128xf32, #tpu.memory_space<vmem>>
          %gather3A_660 = tpu.vector_load_idx %gather3A_659[%add3A_140, %add3A_654] : memref<64x128xf32, #tpu.memory_space<vmem>>[vector<16xi32>, vector<16xi32>], vector<16xf32>,
          %add3A_661 = arith.constant 5 : i32
          %add3A_662 = vector.broadcast %add3A_661 : i32 to vector<16xi32>
          %add3A_663 = arith.addi %broadcast_in_dim3A, %add3A_662 : vector<16xi32>
          %gather3A_664 = arith.constant 0 : i32
          %gather3A_665 = arith.constant 0 : i32
          %gather3A_666 = arith.constant 0 : i32
          %gather3A_667 = tpu.memref_slice %arg5[%gather3A_664, %gather3A_665, %gather3A_666] : memref<2x64x128xf32, #tpu.memory_space<vmem>> -> memref<1x64x128xf32, #tpu.memory_space<vmem>>
          %gather3A_668 = tpu.memref_squeeze %gather3A_667 : memref<1x64x128xf32, #tpu.memory_space<vmem>> -> memref<64x128xf32, #tpu.memory_space<vmem>>
          %gather3A_669 = tpu.vector_load_idx %gather3A_668[%add3A_144, %add3A_663] : memref<64x128xf32, #tpu.memory_space<vmem>>[vector<16xi32>, vector<16xi32>], vector<16xf32>,
          %add3A_670 = arith.constant 5 : i32
          %add3A_671 = vector.broadcast %add3A_670 : i32 to vector<16xi32>
          %add3A_672 = arith.addi %broadcast_in_dim3A, %add3A_671 : vector<16xi32>
          %gather3A_673 = arith.constant 0 : i32
          %gather3A_674 = arith.constant 0 : i32
          %gather3A_675 = arith.constant 0 : i32
          %gather3A_676 = tpu.memref_slice %arg5[%gather3A_673, %gather3A_674, %gather3A_675] : memref<2x64x128xf32, #tpu.memory_space<vmem>> -> memref<1x64x128xf32, #tpu.memory_space<vmem>>
          %gather3A_677 = tpu.memref_squeeze %gather3A_676 : memref<1x64x128xf32, #tpu.memory_space<vmem>> -> memref<64x128xf32, #tpu.memory_space<vmem>>
          %gather3A_678 = tpu.vector_load_idx %gather3A_677[%add3A_148, %add3A_672] : memref<64x128xf32, #tpu.memory_space<vmem>>[vector<16xi32>, vector<16xi32>], vector<16xf32>,
          %add3A_679 = arith.constant 5 : i32
          %add3A_680 = arith.addi %add3A_184, %add3A_679 : i32
          %swap3A_681 = arith.constant 0 : i32
          %swap3A_682 = arith.index_cast %swap3A_681 : i32 to index
          %swap3A_683 = arith.index_cast %add3A_680 : i32 to index
          %swap3A_684 = arith.constant 0 : index
          %swap3A_685 = tpu.vector_load %arg6[%swap3A_682, %swap3A_683, %swap3A_684] {strides = array<i32>} : memref<2x128x128xf32, #tpu.memory_space<vmem>>, vector<16xf32>,
          tpu.vector_store %arg6[%swap3A_682, %swap3A_683, %swap3A_684], %gather3A_651 {strides = array<i32>} : memref<2x128x128xf32, #tpu.memory_space<vmem>>, vector<16xf32>,
          %add3A_686 = arith.constant 5 : i32
          %add3A_687 = arith.addi %add3A_184, %add3A_686 : i32
          %swap3A_688 = arith.constant 0 : i32
          %swap3A_689 = arith.index_cast %swap3A_688 : i32 to index
          %swap3A_690 = arith.index_cast %add3A_687 : i32 to index
          %swap3A_691 = arith.constant 64 : index
          %swap3A_692 = tpu.vector_load %arg6[%swap3A_689, %swap3A_690, %swap3A_691] {strides = array<i32>} : memref<2x128x128xf32, #tpu.memory_space<vmem>>, vector<16xf32>,
          tpu.vector_store %arg6[%swap3A_689, %swap3A_690, %swap3A_691], %gather3A_651 {strides = array<i32>} : memref<2x128x128xf32, #tpu.memory_space<vmem>>, vector<16xf32>,
          %add3A_693 = arith.constant 5 : i32
          %add3A_694 = arith.addi %add3A_184, %add3A_693 : i32
          %swap3A_695 = arith.constant 0 : i32
          %swap3A_696 = arith.index_cast %swap3A_695 : i32 to index
          %swap3A_697 = arith.index_cast %add3A_694 : i32 to index
          %swap3A_698 = arith.constant 16 : index
          %swap3A_699 = tpu.vector_load %arg6[%swap3A_696, %swap3A_697, %swap3A_698] {strides = array<i32>} : memref<2x128x128xf32, #tpu.memory_space<vmem>>, vector<16xf32>,
          tpu.vector_store %arg6[%swap3A_696, %swap3A_697, %swap3A_698], %gather3A_660 {strides = array<i32>} : memref<2x128x128xf32, #tpu.memory_space<vmem>>, vector<16xf32>,
          %add3A_700 = arith.constant 5 : i32
          %add3A_701 = arith.addi %add3A_184, %add3A_700 : i32
          %swap3A_702 = arith.constant 0 : i32
          %swap3A_703 = arith.index_cast %swap3A_702 : i32 to index
          %swap3A_704 = arith.index_cast %add3A_701 : i32 to index
          %swap3A_705 = arith.constant 80 : index
          %swap3A_706 = tpu.vector_load %arg6[%swap3A_703, %swap3A_704, %swap3A_705] {strides = array<i32>} : memref<2x128x128xf32, #tpu.memory_space<vmem>>, vector<16xf32>,
          tpu.vector_store %arg6[%swap3A_703, %swap3A_704, %swap3A_705], %gather3A_660 {strides = array<i32>} : memref<2x128x128xf32, #tpu.memory_space<vmem>>, vector<16xf32>,
          %add3A_707 = arith.constant 5 : i32
          %add3A_708 = arith.addi %add3A_184, %add3A_707 : i32
          %swap3A_709 = arith.constant 0 : i32
          %swap3A_710 = arith.index_cast %swap3A_709 : i32 to index
          %swap3A_711 = arith.index_cast %add3A_708 : i32 to index
          %swap3A_712 = arith.constant 32 : index
          %swap3A_713 = tpu.vector_load %arg6[%swap3A_710, %swap3A_711, %swap3A_712] {strides = array<i32>} : memref<2x128x128xf32, #tpu.memory_space<vmem>>, vector<16xf32>,
          tpu.vector_store %arg6[%swap3A_710, %swap3A_711, %swap3A_712], %gather3A_669 {strides = array<i32>} : memref<2x128x128xf32, #tpu.memory_space<vmem>>, vector<16xf32>,
          %add3A_714 = arith.constant 5 : i32
          %add3A_715 = arith.addi %add3A_184, %add3A_714 : i32
          %swap3A_716 = arith.constant 0 : i32
          %swap3A_717 = arith.index_cast %swap3A_716 : i32 to index
          %swap3A_718 = arith.index_cast %add3A_715 : i32 to index
          %swap3A_719 = arith.constant 96 : index
          %swap3A_720 = tpu.vector_load %arg6[%swap3A_717, %swap3A_718, %swap3A_719] {strides = array<i32>} : memref<2x128x128xf32, #tpu.memory_space<vmem>>, vector<16xf32>,
          tpu.vector_store %arg6[%swap3A_717, %swap3A_718, %swap3A_719], %gather3A_669 {strides = array<i32>} : memref<2x128x128xf32, #tpu.memory_space<vmem>>, vector<16xf32>,
          %add3A_721 = arith.constant 5 : i32
          %add3A_722 = arith.addi %add3A_184, %add3A_721 : i32
          %swap3A_723 = arith.constant 0 : i32
          %swap3A_724 = arith.index_cast %swap3A_723 : i32 to index
          %swap3A_725 = arith.index_cast %add3A_722 : i32 to index
          %swap3A_726 = arith.constant 48 : index
          %swap3A_727 = tpu.vector_load %arg6[%swap3A_724, %swap3A_725, %swap3A_726] {strides = array<i32>} : memref<2x128x128xf32, #tpu.memory_space<vmem>>, vector<16xf32>,
          tpu.vector_store %arg6[%swap3A_724, %swap3A_725, %swap3A_726], %gather3A_678 {strides = array<i32>} : memref<2x128x128xf32, #tpu.memory_space<vmem>>, vector<16xf32>,
          %add3A_728 = arith.constant 5 : i32
          %add3A_729 = arith.addi %add3A_184, %add3A_728 : i32
          %swap3A_730 = arith.constant 0 : i32
          %swap3A_731 = arith.index_cast %swap3A_730 : i32 to index
          %swap3A_732 = arith.index_cast %add3A_729 : i32 to index
          %swap3A_733 = arith.constant 112 : index
          %swap3A_734 = tpu.vector_load %arg6[%swap3A_731, %swap3A_732, %swap3A_733] {strides = array<i32>} : memref<2x128x128xf32, #tpu.memory_space<vmem>>, vector<16xf32>,
          tpu.vector_store %arg6[%swap3A_731, %swap3A_732, %swap3A_733], %gather3A_678 {strides = array<i32>} : memref<2x128x128xf32, #tpu.memory_space<vmem>>, vector<16xf32>,
          %add3A_735 = arith.constant 6 : i32
          %add3A_736 = vector.broadcast %add3A_735 : i32 to vector<16xi32>
          %add3A_737 = arith.addi %broadcast_in_dim3A, %add3A_736 : vector<16xi32>
          %gather3A_738 = arith.constant 0 : i32
          %gather3A_739 = arith.constant 0 : i32
          %gather3A_740 = arith.constant 0 : i32
          %gather3A_741 = tpu.memref_slice %arg5[%gather3A_738, %gather3A_739, %gather3A_740] : memref<2x64x128xf32, #tpu.memory_space<vmem>> -> memref<1x64x128xf32, #tpu.memory_space<vmem>>
          %gather3A_742 = tpu.memref_squeeze %gather3A_741 : memref<1x64x128xf32, #tpu.memory_space<vmem>> -> memref<64x128xf32, #tpu.memory_space<vmem>>
          %gather3A_743 = tpu.vector_load_idx %gather3A_742[%add3A_136, %add3A_737] : memref<64x128xf32, #tpu.memory_space<vmem>>[vector<16xi32>, vector<16xi32>], vector<16xf32>,
          %add3A_744 = arith.constant 6 : i32
          %add3A_745 = vector.broadcast %add3A_744 : i32 to vector<16xi32>
          %add3A_746 = arith.addi %broadcast_in_dim3A, %add3A_745 : vector<16xi32>
          %gather3A_747 = arith.constant 0 : i32
          %gather3A_748 = arith.constant 0 : i32
          %gather3A_749 = arith.constant 0 : i32
          %gather3A_750 = tpu.memref_slice %arg5[%gather3A_747, %gather3A_748, %gather3A_749] : memref<2x64x128xf32, #tpu.memory_space<vmem>> -> memref<1x64x128xf32, #tpu.memory_space<vmem>>
          %gather3A_751 = tpu.memref_squeeze %gather3A_750 : memref<1x64x128xf32, #tpu.memory_space<vmem>> -> memref<64x128xf32, #tpu.memory_space<vmem>>
          %gather3A_752 = tpu.vector_load_idx %gather3A_751[%add3A_140, %add3A_746] : memref<64x128xf32, #tpu.memory_space<vmem>>[vector<16xi32>, vector<16xi32>], vector<16xf32>,
          %add3A_753 = arith.constant 6 : i32
          %add3A_754 = vector.broadcast %add3A_753 : i32 to vector<16xi32>
          %add3A_755 = arith.addi %broadcast_in_dim3A, %add3A_754 : vector<16xi32>
          %gather3A_756 = arith.constant 0 : i32
          %gather3A_757 = arith.constant 0 : i32
          %gather3A_758 = arith.constant 0 : i32
          %gather3A_759 = tpu.memref_slice %arg5[%gather3A_756, %gather3A_757, %gather3A_758] : memref<2x64x128xf32, #tpu.memory_space<vmem>> -> memref<1x64x128xf32, #tpu.memory_space<vmem>>
          %gather3A_760 = tpu.memref_squeeze %gather3A_759 : memref<1x64x128xf32, #tpu.memory_space<vmem>> -> memref<64x128xf32, #tpu.memory_space<vmem>>
          %gather3A_761 = tpu.vector_load_idx %gather3A_760[%add3A_144, %add3A_755] : memref<64x128xf32, #tpu.memory_space<vmem>>[vector<16xi32>, vector<16xi32>], vector<16xf32>,
          %add3A_762 = arith.constant 6 : i32
          %add3A_763 = vector.broadcast %add3A_762 : i32 to vector<16xi32>
          %add3A_764 = arith.addi %broadcast_in_dim3A, %add3A_763 : vector<16xi32>
          %gather3A_765 = arith.constant 0 : i32
          %gather3A_766 = arith.constant 0 : i32
          %gather3A_767 = arith.constant 0 : i32
          %gather3A_768 = tpu.memref_slice %arg5[%gather3A_765, %gather3A_766, %gather3A_767] : memref<2x64x128xf32, #tpu.memory_space<vmem>> -> memref<1x64x128xf32, #tpu.memory_space<vmem>>
          %gather3A_769 = tpu.memref_squeeze %gather3A_768 : memref<1x64x128xf32, #tpu.memory_space<vmem>> -> memref<64x128xf32, #tpu.memory_space<vmem>>
          %gather3A_770 = tpu.vector_load_idx %gather3A_769[%add3A_148, %add3A_764] : memref<64x128xf32, #tpu.memory_space<vmem>>[vector<16xi32>, vector<16xi32>], vector<16xf32>,
          %add3A_771 = arith.constant 6 : i32
          %add3A_772 = arith.addi %add3A_184, %add3A_771 : i32
          %swap3A_773 = arith.constant 0 : i32
          %swap3A_774 = arith.index_cast %swap3A_773 : i32 to index
          %swap3A_775 = arith.index_cast %add3A_772 : i32 to index
          %swap3A_776 = arith.constant 0 : index
          %swap3A_777 = tpu.vector_load %arg6[%swap3A_774, %swap3A_775, %swap3A_776] {strides = array<i32>} : memref<2x128x128xf32, #tpu.memory_space<vmem>>, vector<16xf32>,
          tpu.vector_store %arg6[%swap3A_774, %swap3A_775, %swap3A_776], %gather3A_743 {strides = array<i32>} : memref<2x128x128xf32, #tpu.memory_space<vmem>>, vector<16xf32>,
          %add3A_778 = arith.constant 6 : i32
          %add3A_779 = arith.addi %add3A_184, %add3A_778 : i32
          %swap3A_780 = arith.constant 0 : i32
          %swap3A_781 = arith.index_cast %swap3A_780 : i32 to index
          %swap3A_782 = arith.index_cast %add3A_779 : i32 to index
          %swap3A_783 = arith.constant 64 : index
          %swap3A_784 = tpu.vector_load %arg6[%swap3A_781, %swap3A_782, %swap3A_783] {strides = array<i32>} : memref<2x128x128xf32, #tpu.memory_space<vmem>>, vector<16xf32>,
          tpu.vector_store %arg6[%swap3A_781, %swap3A_782, %swap3A_783], %gather3A_743 {strides = array<i32>} : memref<2x128x128xf32, #tpu.memory_space<vmem>>, vector<16xf32>,
          %add3A_785 = arith.constant 6 : i32
          %add3A_786 = arith.addi %add3A_184, %add3A_785 : i32
          %swap3A_787 = arith.constant 0 : i32
          %swap3A_788 = arith.index_cast %swap3A_787 : i32 to index
          %swap3A_789 = arith.index_cast %add3A_786 : i32 to index
          %swap3A_790 = arith.constant 16 : index
          %swap3A_791 = tpu.vector_load %arg6[%swap3A_788, %swap3A_789, %swap3A_790] {strides = array<i32>} : memref<2x128x128xf32, #tpu.memory_space<vmem>>, vector<16xf32>,
          tpu.vector_store %arg6[%swap3A_788, %swap3A_789, %swap3A_790], %gather3A_752 {strides = array<i32>} : memref<2x128x128xf32, #tpu.memory_space<vmem>>, vector<16xf32>,
          %add3A_792 = arith.constant 6 : i32
          %add3A_793 = arith.addi %add3A_184, %add3A_792 : i32
          %swap3A_794 = arith.constant 0 : i32
          %swap3A_795 = arith.index_cast %swap3A_794 : i32 to index
          %swap3A_796 = arith.index_cast %add3A_793 : i32 to index
          %swap3A_797 = arith.constant 80 : index
          %swap3A_798 = tpu.vector_load %arg6[%swap3A_795, %swap3A_796, %swap3A_797] {strides = array<i32>} : memref<2x128x128xf32, #tpu.memory_space<vmem>>, vector<16xf32>,
          tpu.vector_store %arg6[%swap3A_795, %swap3A_796, %swap3A_797], %gather3A_752 {strides = array<i32>} : memref<2x128x128xf32, #tpu.memory_space<vmem>>, vector<16xf32>,
          %add3A_799 = arith.constant 6 : i32
          %add3A_800 = arith.addi %add3A_184, %add3A_799 : i32
          %swap3A_801 = arith.constant 0 : i32
          %swap3A_802 = arith.index_cast %swap3A_801 : i32 to index
          %swap3A_803 = arith.index_cast %add3A_800 : i32 to index
          %swap3A_804 = arith.constant 32 : index
          %swap3A_805 = tpu.vector_load %arg6[%swap3A_802, %swap3A_803, %swap3A_804] {strides = array<i32>} : memref<2x128x128xf32, #tpu.memory_space<vmem>>, vector<16xf32>,
          tpu.vector_store %arg6[%swap3A_802, %swap3A_803, %swap3A_804], %gather3A_761 {strides = array<i32>} : memref<2x128x128xf32, #tpu.memory_space<vmem>>, vector<16xf32>,
          %add3A_806 = arith.constant 6 : i32
          %add3A_807 = arith.addi %add3A_184, %add3A_806 : i32
          %swap3A_808 = arith.constant 0 : i32
          %swap3A_809 = arith.index_cast %swap3A_808 : i32 to index
          %swap3A_810 = arith.index_cast %add3A_807 : i32 to index
          %swap3A_811 = arith.constant 96 : index
          %swap3A_812 = tpu.vector_load %arg6[%swap3A_809, %swap3A_810, %swap3A_811] {strides = array<i32>} : memref<2x128x128xf32, #tpu.memory_space<vmem>>, vector<16xf32>,
          tpu.vector_store %arg6[%swap3A_809, %swap3A_810, %swap3A_811], %gather3A_761 {strides = array<i32>} : memref<2x128x128xf32, #tpu.memory_space<vmem>>, vector<16xf32>,
          %add3A_813 = arith.constant 6 : i32
          %add3A_814 = arith.addi %add3A_184, %add3A_813 : i32
          %swap3A_815 = arith.constant 0 : i32
          %swap3A_816 = arith.index_cast %swap3A_815 : i32 to index
          %swap3A_817 = arith.index_cast %add3A_814 : i32 to index
          %swap3A_818 = arith.constant 48 : index
          %swap3A_819 = tpu.vector_load %arg6[%swap3A_816, %swap3A_817, %swap3A_818] {strides = array<i32>} : memref<2x128x128xf32, #tpu.memory_space<vmem>>, vector<16xf32>,
          tpu.vector_store %arg6[%swap3A_816, %swap3A_817, %swap3A_818], %gather3A_770 {strides = array<i32>} : memref<2x128x128xf32, #tpu.memory_space<vmem>>, vector<16xf32>,
          %add3A_820 = arith.constant 6 : i32
          %add3A_821 = arith.addi %add3A_184, %add3A_820 : i32
          %swap3A_822 = arith.constant 0 : i32
          %swap3A_823 = arith.index_cast %swap3A_822 : i32 to index
          %swap3A_824 = arith.index_cast %add3A_821 : i32 to index
          %swap3A_825 = arith.constant 112 : index
          %swap3A_826 = tpu.vector_load %arg6[%swap3A_823, %swap3A_824, %swap3A_825] {strides = array<i32>} : memref<2x128x128xf32, #tpu.memory_space<vmem>>, vector<16xf32>,
          tpu.vector_store %arg6[%swap3A_823, %swap3A_824, %swap3A_825], %gather3A_770 {strides = array<i32>} : memref<2x128x128xf32, #tpu.memory_space<vmem>>, vector<16xf32>,
          %add3A_827 = arith.constant 7 : i32
          %add3A_828 = vector.broadcast %add3A_827 : i32 to vector<16xi32>
          %add3A_829 = arith.addi %broadcast_in_dim3A, %add3A_828 : vector<16xi32>
          %gather3A_830 = arith.constant 0 : i32
          %gather3A_831 = arith.constant 0 : i32
          %gather3A_832 = arith.constant 0 : i32
          %gather3A_833 = tpu.memref_slice %arg5[%gather3A_830, %gather3A_831, %gather3A_832] : memref<2x64x128xf32, #tpu.memory_space<vmem>> -> memref<1x64x128xf32, #tpu.memory_space<vmem>>
          %gather3A_834 = tpu.memref_squeeze %gather3A_833 : memref<1x64x128xf32, #tpu.memory_space<vmem>> -> memref<64x128xf32, #tpu.memory_space<vmem>>
          %gather3A_835 = tpu.vector_load_idx %gather3A_834[%add3A_136, %add3A_829] : memref<64x128xf32, #tpu.memory_space<vmem>>[vector<16xi32>, vector<16xi32>], vector<16xf32>,
          %add3A_836 = arith.constant 7 : i32
          %add3A_837 = vector.broadcast %add3A_836 : i32 to vector<16xi32>
          %add3A_838 = arith.addi %broadcast_in_dim3A, %add3A_837 : vector<16xi32>
          %gather3A_839 = arith.constant 0 : i32
          %gather3A_840 = arith.constant 0 : i32
          %gather3A_841 = arith.constant 0 : i32
          %gather3A_842 = tpu.memref_slice %arg5[%gather3A_839, %gather3A_840, %gather3A_841] : memref<2x64x128xf32, #tpu.memory_space<vmem>> -> memref<1x64x128xf32, #tpu.memory_space<vmem>>
          %gather3A_843 = tpu.memref_squeeze %gather3A_842 : memref<1x64x128xf32, #tpu.memory_space<vmem>> -> memref<64x128xf32, #tpu.memory_space<vmem>>
          %gather3A_844 = tpu.vector_load_idx %gather3A_843[%add3A_140, %add3A_838] : memref<64x128xf32, #tpu.memory_space<vmem>>[vector<16xi32>, vector<16xi32>], vector<16xf32>,
          %add3A_845 = arith.constant 7 : i32
          %add3A_846 = vector.broadcast %add3A_845 : i32 to vector<16xi32>
          %add3A_847 = arith.addi %broadcast_in_dim3A, %add3A_846 : vector<16xi32>
          %gather3A_848 = arith.constant 0 : i32
          %gather3A_849 = arith.constant 0 : i32
          %gather3A_850 = arith.constant 0 : i32
          %gather3A_851 = tpu.memref_slice %arg5[%gather3A_848, %gather3A_849, %gather3A_850] : memref<2x64x128xf32, #tpu.memory_space<vmem>> -> memref<1x64x128xf32, #tpu.memory_space<vmem>>
          %gather3A_852 = tpu.memref_squeeze %gather3A_851 : memref<1x64x128xf32, #tpu.memory_space<vmem>> -> memref<64x128xf32, #tpu.memory_space<vmem>>
          %gather3A_853 = tpu.vector_load_idx %gather3A_852[%add3A_144, %add3A_847] : memref<64x128xf32, #tpu.memory_space<vmem>>[vector<16xi32>, vector<16xi32>], vector<16xf32>,
          %add3A_854 = arith.constant 7 : i32
          %add3A_855 = vector.broadcast %add3A_854 : i32 to vector<16xi32>
          %add3A_856 = arith.addi %broadcast_in_dim3A, %add3A_855 : vector<16xi32>
          %gather3A_857 = arith.constant 0 : i32
          %gather3A_858 = arith.constant 0 : i32
          %gather3A_859 = arith.constant 0 : i32
          %gather3A_860 = tpu.memref_slice %arg5[%gather3A_857, %gather3A_858, %gather3A_859] : memref<2x64x128xf32, #tpu.memory_space<vmem>> -> memref<1x64x128xf32, #tpu.memory_space<vmem>>
          %gather3A_861 = tpu.memref_squeeze %gather3A_860 : memref<1x64x128xf32, #tpu.memory_space<vmem>> -> memref<64x128xf32, #tpu.memory_space<vmem>>
          %gather3A_862 = tpu.vector_load_idx %gather3A_861[%add3A_148, %add3A_856] : memref<64x128xf32, #tpu.memory_space<vmem>>[vector<16xi32>, vector<16xi32>], vector<16xf32>,
          %add3A_863 = arith.constant 7 : i32
          %add3A_864 = arith.addi %add3A_184, %add3A_863 : i32
          %swap3A_865 = arith.constant 0 : i32
          %swap3A_866 = arith.index_cast %swap3A_865 : i32 to index
          %swap3A_867 = arith.index_cast %add3A_864 : i32 to index
          %swap3A_868 = arith.constant 0 : index
          %swap3A_869 = tpu.vector_load %arg6[%swap3A_866, %swap3A_867, %swap3A_868] {strides = array<i32>} : memref<2x128x128xf32, #tpu.memory_space<vmem>>, vector<16xf32>,
          tpu.vector_store %arg6[%swap3A_866, %swap3A_867, %swap3A_868], %gather3A_835 {strides = array<i32>} : memref<2x128x128xf32, #tpu.memory_space<vmem>>, vector<16xf32>,
          %add3A_870 = arith.constant 7 : i32
          %add3A_871 = arith.addi %add3A_184, %add3A_870 : i32
          %swap3A_872 = arith.constant 0 : i32
          %swap3A_873 = arith.index_cast %swap3A_872 : i32 to index
          %swap3A_874 = arith.index_cast %add3A_871 : i32 to index
          %swap3A_875 = arith.constant 64 : index
          %swap3A_876 = tpu.vector_load %arg6[%swap3A_873, %swap3A_874, %swap3A_875] {strides = array<i32>} : memref<2x128x128xf32, #tpu.memory_space<vmem>>, vector<16xf32>,
          tpu.vector_store %arg6[%swap3A_873, %swap3A_874, %swap3A_875], %gather3A_835 {strides = array<i32>} : memref<2x128x128xf32, #tpu.memory_space<vmem>>, vector<16xf32>,
          %add3A_877 = arith.constant 7 : i32
          %add3A_878 = arith.addi %add3A_184, %add3A_877 : i32
          %swap3A_879 = arith.constant 0 : i32
          %swap3A_880 = arith.index_cast %swap3A_879 : i32 to index
          %swap3A_881 = arith.index_cast %add3A_878 : i32 to index
          %swap3A_882 = arith.constant 16 : index
          %swap3A_883 = tpu.vector_load %arg6[%swap3A_880, %swap3A_881, %swap3A_882] {strides = array<i32>} : memref<2x128x128xf32, #tpu.memory_space<vmem>>, vector<16xf32>,
          tpu.vector_store %arg6[%swap3A_880, %swap3A_881, %swap3A_882], %gather3A_844 {strides = array<i32>} : memref<2x128x128xf32, #tpu.memory_space<vmem>>, vector<16xf32>,
          %add3A_884 = arith.constant 7 : i32
          %add3A_885 = arith.addi %add3A_184, %add3A_884 : i32
          %swap3A_886 = arith.constant 0 : i32
          %swap3A_887 = arith.index_cast %swap3A_886 : i32 to index
          %swap3A_888 = arith.index_cast %add3A_885 : i32 to index
          %swap3A_889 = arith.constant 80 : index
          %swap3A_890 = tpu.vector_load %arg6[%swap3A_887, %swap3A_888, %swap3A_889] {strides = array<i32>} : memref<2x128x128xf32, #tpu.memory_space<vmem>>, vector<16xf32>,
          tpu.vector_store %arg6[%swap3A_887, %swap3A_888, %swap3A_889], %gather3A_844 {strides = array<i32>} : memref<2x128x128xf32, #tpu.memory_space<vmem>>, vector<16xf32>,
          %add3A_891 = arith.constant 7 : i32
          %add3A_892 = arith.addi %add3A_184, %add3A_891 : i32
          %swap3A_893 = arith.constant 0 : i32
          %swap3A_894 = arith.index_cast %swap3A_893 : i32 to index
          %swap3A_895 = arith.index_cast %add3A_892 : i32 to index
          %swap3A_896 = arith.constant 32 : index
          %swap3A_897 = tpu.vector_load %arg6[%swap3A_894, %swap3A_895, %swap3A_896] {strides = array<i32>} : memref<2x128x128xf32, #tpu.memory_space<vmem>>, vector<16xf32>,
          tpu.vector_store %arg6[%swap3A_894, %swap3A_895, %swap3A_896], %gather3A_853 {strides = array<i32>} : memref<2x128x128xf32, #tpu.memory_space<vmem>>, vector<16xf32>,
          %add3A_898 = arith.constant 7 : i32
          %add3A_899 = arith.addi %add3A_184, %add3A_898 : i32
          %swap3A_900 = arith.constant 0 : i32
          %swap3A_901 = arith.index_cast %swap3A_900 : i32 to index
          %swap3A_902 = arith.index_cast %add3A_899 : i32 to index
          %swap3A_903 = arith.constant 96 : index
          %swap3A_904 = tpu.vector_load %arg6[%swap3A_901, %swap3A_902, %swap3A_903] {strides = array<i32>} : memref<2x128x128xf32, #tpu.memory_space<vmem>>, vector<16xf32>,
          tpu.vector_store %arg6[%swap3A_901, %swap3A_902, %swap3A_903], %gather3A_853 {strides = array<i32>} : memref<2x128x128xf32, #tpu.memory_space<vmem>>, vector<16xf32>,
          %add3A_905 = arith.constant 7 : i32
          %add3A_906 = arith.addi %add3A_184, %add3A_905 : i32
          %swap3A_907 = arith.constant 0 : i32
          %swap3A_908 = arith.index_cast %swap3A_907 : i32 to index
          %swap3A_909 = arith.index_cast %add3A_906 : i32 to index
          %swap3A_910 = arith.constant 48 : index
          %swap3A_911 = tpu.vector_load %arg6[%swap3A_908, %swap3A_909, %swap3A_910] {strides = array<i32>} : memref<2x128x128xf32, #tpu.memory_space<vmem>>, vector<16xf32>,
          tpu.vector_store %arg6[%swap3A_908, %swap3A_909, %swap3A_910], %gather3A_862 {strides = array<i32>} : memref<2x128x128xf32, #tpu.memory_space<vmem>>, vector<16xf32>,
          %add3A_912 = arith.constant 7 : i32
          %add3A_913 = arith.addi %add3A_184, %add3A_912 : i32
          %swap3A_914 = arith.constant 0 : i32
          %swap3A_915 = arith.index_cast %swap3A_914 : i32 to index
          %swap3A_916 = arith.index_cast %add3A_913 : i32 to index
          %swap3A_917 = arith.constant 112 : index
          %swap3A_918 = tpu.vector_load %arg6[%swap3A_915, %swap3A_916, %swap3A_917] {strides = array<i32>} : memref<2x128x128xf32, #tpu.memory_space<vmem>>, vector<16xf32>,
          tpu.vector_store %arg6[%swap3A_915, %swap3A_916, %swap3A_917], %gather3A_862 {strides = array<i32>} : memref<2x128x128xf32, #tpu.memory_space<vmem>>, vector<16xf32>,
        }
        %scan3A_153 = arith.constant 16 : i32
        %mul3A_154 = arith.constant 32 : i32
        %mul3A_155 = arith.muli %mul3A_154, %add3A_98 : i32
        %add3A_156 = arith.addi %add3A, %mul3A_155 : i32
        %mul3A_157 = arith.constant 128 : i32
        %mul3A_158 = arith.muli %add3A_156, %mul3A_157 : i32
        %dma_start3A = arith.constant 0 : i32
        %dma_start3A_159 = arith.constant 0 : i32
        %dma_start3A_160 = arith.constant 0 : i32
        %dma_start3A_161 = arith.constant 0 : i32
        %dma_start3A_162 = tpu.memref_slice %arg6[%dma_start3A, %dma_start3A_160, %dma_start3A_161] : memref<2x128x128xf32, #tpu.memory_space<vmem>> -> memref<1x128x128xf32, #tpu.memory_space<vmem>>
        %dma_start3A_163 = tpu.memref_squeeze %dma_start3A_162 : memref<1x128x128xf32, #tpu.memory_space<vmem>> -> memref<128x128xf32, #tpu.memory_space<vmem>>
        %dma_start3A_164 = arith.constant 0 : i32
        %dma_start3A_165 = tpu.memref_slice %arg4[%mul3A_158, %dma_start3A_164] : memref<1000000x128xf32, #tpu.memory_space<hbm>> -> memref<128x128xf32, #tpu.memory_space<hbm>>
        %dma_start3A_166 = tpu.memref_slice %arg8[%dma_start3A_159] : memref<2x!tpu.dma_semaphore, #tpu.memory_space<semaphore_mem>> -> memref<1x!tpu.dma_semaphore, #tpu.memory_space<semaphore_mem>>
        %dma_start3A_167 = tpu.memref_squeeze %dma_start3A_166 : memref<1x!tpu.dma_semaphore, #tpu.memory_space<semaphore_mem>> -> memref<!tpu.dma_semaphore, #tpu.memory_space<semaphore_mem>>
        %dma_start3A_168 = arith.constant 0 : i32
        %dma_start3A_169 = tpu.memref_slice %arg4[%mul3A_158, %dma_start3A_168] : memref<1000000x128xf32, #tpu.memory_space<hbm>> -> memref<128x128xf32, #tpu.memory_space<hbm>>
        %dma_start3A_170 = arith.constant 0 : i32
        %dma_start3A_171 = arith.constant 0 : i32
        %dma_start3A_172 = tpu.memref_slice %arg6[%dma_start3A, %dma_start3A_170, %dma_start3A_171] : memref<2x128x128xf32, #tpu.memory_space<vmem>> -> memref<1x128x128xf32, #tpu.memory_space<vmem>>
        %dma_start3A_173 = tpu.memref_squeeze %dma_start3A_172 : memref<1x128x128xf32, #tpu.memory_space<vmem>> -> memref<128x128xf32, #tpu.memory_space<vmem>>
        tpu.enqueue_dma source(%dma_start3A_173 : memref<128x128xf32, #tpu.memory_space<vmem>>) target(%dma_start3A_169 : memref<128x128xf32, #tpu.memory_space<hbm>>) target_semaphore(%dma_start3A_167 : memref<!tpu.dma_semaphore, #tpu.memory_space<semaphore_mem>>)
        %add3A_174 = arith.constant 2 : i32
        %add3A_175 = arith.addi %add3A_98, %add3A_174 : i32
        %lt3A_176 = arith.cmpi slt, %add3A_175, %select_n3A : i32
        %convert_element_type3A_177 = arith.extui %lt3A_176 : i1 to i32
        %cond3A_178 = arith.constant 0 : i32
        %cond3A_179 = arith.cmpi ne, %convert_element_type3A_177, %cond3A_178 : i32
        scf.if %cond3A_179 {
          %add3A_180 = arith.constant 2 : i32
          %add3A_181 = arith.addi %add3A_98, %add3A_180 : i32
          %mul3A_182 = arith.constant 32 : i32
          %mul3A_183 = arith.muli %mul3A_182, %add3A_181 : i32
          %add3A_184 = arith.addi %add3A, %mul3A_183 : i32
          %mul3A_185 = arith.constant 128 : i32
          %mul3A_186 = arith.muli %add3A_184, %mul3A_185 : i32
          %dma_start3A_187 = arith.constant 0 : i32
          %dma_start3A_188 = arith.constant 0 : i32
          %dma_start3A_189 = arith.constant 0 : i32
          %dma_start3A_190 = arith.constant 0 : i32
          %dma_start3A_191 = tpu.memref_slice %arg5[%dma_start3A_187, %dma_start3A_189, %dma_start3A_190] : memref<2x64x128xf32, #tpu.memory_space<vmem>> -> memref<1x64x128xf32, #tpu.memory_space<vmem>>
          %dma_start3A_192 = tpu.memref_squeeze %dma_start3A_191 : memref<1x64x128xf32, #tpu.memory_space<vmem>> -> memref<64x128xf32, #tpu.memory_space<vmem>>
          %dma_start3A_193 = arith.constant 0 : i32
          %dma_start3A_194 = tpu.memref_slice %arg2[%dma_start3A_193, %mul3A_186] : memref<64x1000000xf32, #tpu.memory_space<hbm>> -> memref<64x128xf32, #tpu.memory_space<hbm>>
          %dma_start3A_195 = tpu.memref_slice %arg7[%dma_start3A_188] : memref<2x!tpu.dma_semaphore, #tpu.memory_space<semaphore_mem>> -> memref<1x!tpu.dma_semaphore, #tpu.memory_space<semaphore_mem>>
          %dma_start3A_196 = tpu.memref_squeeze %dma_start3A_195 : memref<1x!tpu.dma_semaphore, #tpu.memory_space<semaphore_mem>> -> memref<!tpu.dma_semaphore, #tpu.memory_space<semaphore_mem>>
          %dma_start3A_197 = arith.constant 0 : i32
          %dma_start3A_198 = arith.constant 0 : i32
          %dma_start3A_199 = tpu.memref_slice %arg5[%dma_start3A_187, %dma_start3A_197, %dma_start3A_198] : memref<2x64x128xf32, #tpu.memory_space<vmem>> -> memref<1x64x128xf32, #tpu.memory_space<vmem>>
          %dma_start3A_200 = tpu.memref_squeeze %dma_start3A_199 : memref<1x64x128xf32, #tpu.memory_space<vmem>> -> memref<64x128xf32, #tpu.memory_space<vmem>>
          %dma_start3A_201 = arith.constant 0 : i32
          %dma_start3A_202 = tpu.memref_slice %arg2[%dma_start3A_201, %mul3A_186] : memref<64x1000000xf32, #tpu.memory_space<hbm>> -> memref<64x128xf32, #tpu.memory_space<hbm>>
          tpu.enqueue_dma source(%dma_start3A_202 : memref<64x128xf32, #tpu.memory_space<hbm>>) target(%dma_start3A_200 : memref<64x128xf32, #tpu.memory_space<vmem>>) target_semaphore(%dma_start3A_196 : memref<!tpu.dma_semaphore, #tpu.memory_space<semaphore_mem>>)
        } else {
        }
      } else {
      }
      %add3A_103 = arith.constant 1 : i32
      %add3A_104 = arith.addi %add3A_96, %add3A_103 : i32
      %lt3A_105 = arith.cmpi slt, %add3A_104, %select_n3A : i32
      %convert_element_type3A_106 = arith.extui %lt3A_105 : i1 to i32
      %cond3A_107 = arith.constant 0 : i32
      %cond3A_108 = arith.cmpi ne, %convert_element_type3A_106, %cond3A_107 : i32
      scf.if %cond3A_108 {
        %mul3A_109 = arith.constant 32 : i32
        %mul3A_110 = arith.muli %mul3A_109, %add3A_104 : i32
        %add3A_111 = arith.addi %add3A, %mul3A_110 : i32
        %mul3A_112 = arith.constant 128 : i32
        %mul3A_113 = arith.muli %add3A_111, %mul3A_112 : i32
        %dma_wait3A = arith.constant 1 : i32
        %dma_wait3A_114 = arith.constant 1 : i32
        %dma_wait3A_115 = arith.constant 0 : i32
        %dma_wait3A_116 = arith.constant 0 : i32
        %dma_wait3A_117 = tpu.memref_slice %arg5[%dma_wait3A, %dma_wait3A_115, %dma_wait3A_116] : memref<2x64x128xf32, #tpu.memory_space<vmem>> -> memref<1x64x128xf32, #tpu.memory_space<vmem>>
        %dma_wait3A_118 = tpu.memref_squeeze %dma_wait3A_117 : memref<1x64x128xf32, #tpu.memory_space<vmem>> -> memref<64x128xf32, #tpu.memory_space<vmem>>
        %dma_wait3A_119 = arith.constant 0 : i32
        %dma_wait3A_120 = tpu.memref_slice %arg2[%dma_wait3A_119, %mul3A_113] : memref<64x1000000xf32, #tpu.memory_space<hbm>> -> memref<64x128xf32, #tpu.memory_space<hbm>>
        %dma_wait3A_121 = tpu.memref_slice %arg7[%dma_wait3A_114] : memref<2x!tpu.dma_semaphore, #tpu.memory_space<semaphore_mem>> -> memref<1x!tpu.dma_semaphore, #tpu.memory_space<semaphore_mem>>
        %dma_wait3A_122 = tpu.memref_squeeze %dma_wait3A_121 : memref<1x!tpu.dma_semaphore, #tpu.memory_space<semaphore_mem>> -> memref<!tpu.dma_semaphore, #tpu.memory_space<semaphore_mem>>
        %dma_wait3A_123 = arith.constant 0 : i32
        %dma_wait3A_124 = arith.constant 0 : i32
        %dma_wait3A_125 = tpu.memref_slice %arg5[%dma_wait3A, %dma_wait3A_123, %dma_wait3A_124] : memref<2x64x128xf32, #tpu.memory_space<vmem>> -> memref<1x64x128xf32, #tpu.memory_space<vmem>>
        %dma_wait3A_126 = tpu.memref_squeeze %dma_wait3A_125 : memref<1x64x128xf32, #tpu.memory_space<vmem>> -> memref<64x128xf32, #tpu.memory_space<vmem>>
        %dma_wait3A_127 = arith.constant 0 : i32
        %dma_wait3A_128 = tpu.memref_slice %arg2[%dma_wait3A_127, %mul3A_113] : memref<64x1000000xf32, #tpu.memory_space<hbm>> -> memref<64x128xf32, #tpu.memory_space<hbm>>
        tpu.wait_dma2 semaphore(%dma_wait3A_122 : memref<!tpu.dma_semaphore, #tpu.memory_space<semaphore_mem>>) src(%dma_wait3A_128 : memref<64x128xf32, #tpu.memory_space<hbm>>) dst(%dma_wait3A_126 : memref<64x128xf32, #tpu.memory_space<vmem>>)
        %ge3A_129 = arith.constant 2 : i32
        %ge3A_130 = arith.cmpi sge, %add3A_104, %ge3A_129 : i32
        %convert_element_type3A_131 = arith.extui %ge3A_130 : i1 to i32
        %cond3A_132 = arith.constant 0 : i32
        %cond3A_133 = arith.cmpi ne, %convert_element_type3A_131, %cond3A_132 : i32
        scf.if %cond3A_133 {
          %sub3A_180 = arith.constant 2 : i32
          %sub3A_181 = arith.subi %add3A_104, %sub3A_180 : i32
          %mul3A_182 = arith.constant 32 : i32
          %mul3A_183 = arith.muli %mul3A_182, %sub3A_181 : i32
          %add3A_184 = arith.addi %add3A, %mul3A_183 : i32
          %mul3A_185 = arith.constant 128 : i32
          %mul3A_186 = arith.muli %add3A_184, %mul3A_185 : i32
          %dma_wait3A_187 = arith.constant 1 : i32
          %dma_wait3A_188 = arith.constant 1 : i32
          %dma_wait3A_189 = arith.constant 0 : i32
          %dma_wait3A_190 = arith.constant 0 : i32
          %dma_wait3A_191 = tpu.memref_slice %arg6[%dma_wait3A_187, %dma_wait3A_189, %dma_wait3A_190] : memref<2x128x128xf32, #tpu.memory_space<vmem>> -> memref<1x128x128xf32, #tpu.memory_space<vmem>>
          %dma_wait3A_192 = tpu.memref_squeeze %dma_wait3A_191 : memref<1x128x128xf32, #tpu.memory_space<vmem>> -> memref<128x128xf32, #tpu.memory_space<vmem>>
          %dma_wait3A_193 = arith.constant 0 : i32
          %dma_wait3A_194 = tpu.memref_slice %arg4[%mul3A_186, %dma_wait3A_193] : memref<1000000x128xf32, #tpu.memory_space<hbm>> -> memref<128x128xf32, #tpu.memory_space<hbm>>
          %dma_wait3A_195 = tpu.memref_slice %arg8[%dma_wait3A_188] : memref<2x!tpu.dma_semaphore, #tpu.memory_space<semaphore_mem>> -> memref<1x!tpu.dma_semaphore, #tpu.memory_space<semaphore_mem>>
          %dma_wait3A_196 = tpu.memref_squeeze %dma_wait3A_195 : memref<1x!tpu.dma_semaphore, #tpu.memory_space<semaphore_mem>> -> memref<!tpu.dma_semaphore, #tpu.memory_space<semaphore_mem>>
          %dma_wait3A_197 = arith.constant 0 : i32
          %dma_wait3A_198 = tpu.memref_slice %arg4[%mul3A_186, %dma_wait3A_197] : memref<1000000x128xf32, #tpu.memory_space<hbm>> -> memref<128x128xf32, #tpu.memory_space<hbm>>
          %dma_wait3A_199 = arith.constant 0 : i32
          %dma_wait3A_200 = arith.constant 0 : i32
          %dma_wait3A_201 = tpu.memref_slice %arg6[%dma_wait3A_187, %dma_wait3A_199, %dma_wait3A_200] : memref<2x128x128xf32, #tpu.memory_space<vmem>> -> memref<1x128x128xf32, #tpu.memory_space<vmem>>
          %dma_wait3A_202 = tpu.memref_squeeze %dma_wait3A_201 : memref<1x128x128xf32, #tpu.memory_space<vmem>> -> memref<128x128xf32, #tpu.memory_space<vmem>>
          tpu.wait_dma2 semaphore(%dma_wait3A_196 : memref<!tpu.dma_semaphore, #tpu.memory_space<semaphore_mem>>) src(%dma_wait3A_202 : memref<128x128xf32, #tpu.memory_space<vmem>>) dst(%dma_wait3A_198 : memref<128x128xf32, #tpu.memory_space<hbm>>)
        } else {
        }
        %iota3A = tpu.iota {dimensions = array<i32: 0>} : vector<16xi32>
        %add3A_134 = arith.constant 0 : i32
        %add3A_135 = vector.broadcast %add3A_134 : i32 to vector<16xi32>
        %add3A_136 = arith.addi %iota3A, %add3A_135 : vector<16xi32>
        %iota3A_137 = tpu.iota {dimensions = array<i32: 0>} : vector<16xi32>
        %add3A_138 = arith.constant 16 : i32
        %add3A_139 = vector.broadcast %add3A_138 : i32 to vector<16xi32>
        %add3A_140 = arith.addi %iota3A_137, %add3A_139 : vector<16xi32>
        %iota3A_141 = tpu.iota {dimensions = array<i32: 0>} : vector<16xi32>
        %add3A_142 = arith.constant 32 : i32
        %add3A_143 = vector.broadcast %add3A_142 : i32 to vector<16xi32>
        %add3A_144 = arith.addi %iota3A_141, %add3A_143 : vector<16xi32>
        %iota3A_145 = tpu.iota {dimensions = array<i32: 0>} : vector<16xi32>
        %add3A_146 = arith.constant 48 : i32
        %add3A_147 = vector.broadcast %add3A_146 : i32 to vector<16xi32>
        %add3A_148 = arith.addi %iota3A_145, %add3A_147 : vector<16xi32>
        %scan3A_149 = arith.constant 0 : i32
        %scan3A_150 = arith.constant 16 : i32
        %scan3A_151 = arith.addi %scan3A_149, %scan3A_150 : i32
        %scan3A_152 = arith.constant 1 : i32
        scf.for %scan3A_180 = %scan3A_149 to %scan3A_151 step %scan3A_152  : i32 {
          %mul3A_181 = arith.constant 8 : i32
          %mul3A_182 = arith.muli %scan3A_180, %mul3A_181 : i32
          %add3A_183 = arith.constant 0 : i32
          %add3A_184 = arith.addi %add3A_183, %mul3A_182 : i32
          %broadcast_in_dim3A = vector.broadcast %add3A_184 : i32 to vector<16xi32>
          %add3A_185 = arith.constant 0 : i32
          %add3A_186 = vector.broadcast %add3A_185 : i32 to vector<16xi32>
          %add3A_187 = arith.addi %broadcast_in_dim3A, %add3A_186 : vector<16xi32>
          %gather3A = arith.constant 1 : i32
          %gather3A_188 = arith.constant 0 : i32
          %gather3A_189 = arith.constant 0 : i32
          %gather3A_190 = tpu.memref_slice %arg5[%gather3A, %gather3A_188, %gather3A_189] : memref<2x64x128xf32, #tpu.memory_space<vmem>> -> memref<1x64x128xf32, #tpu.memory_space<vmem>>
          %gather3A_191 = tpu.memref_squeeze %gather3A_190 : memref<1x64x128xf32, #tpu.memory_space<vmem>> -> memref<64x128xf32, #tpu.memory_space<vmem>>
          %gather3A_192 = tpu.vector_load_idx %gather3A_191[%add3A_136, %add3A_187] : memref<64x128xf32, #tpu.memory_space<vmem>>[vector<16xi32>, vector<16xi32>], vector<16xf32>,
          %add3A_193 = arith.constant 0 : i32
          %add3A_194 = vector.broadcast %add3A_193 : i32 to vector<16xi32>
          %add3A_195 = arith.addi %broadcast_in_dim3A, %add3A_194 : vector<16xi32>
          %gather3A_196 = arith.constant 1 : i32
          %gather3A_197 = arith.constant 0 : i32
          %gather3A_198 = arith.constant 0 : i32
          %gather3A_199 = tpu.memref_slice %arg5[%gather3A_196, %gather3A_197, %gather3A_198] : memref<2x64x128xf32, #tpu.memory_space<vmem>> -> memref<1x64x128xf32, #tpu.memory_space<vmem>>
          %gather3A_200 = tpu.memref_squeeze %gather3A_199 : memref<1x64x128xf32, #tpu.memory_space<vmem>> -> memref<64x128xf32, #tpu.memory_space<vmem>>
          %gather3A_201 = tpu.vector_load_idx %gather3A_200[%add3A_140, %add3A_195] : memref<64x128xf32, #tpu.memory_space<vmem>>[vector<16xi32>, vector<16xi32>], vector<16xf32>,
          %add3A_202 = arith.constant 0 : i32
          %add3A_203 = vector.broadcast %add3A_202 : i32 to vector<16xi32>
          %add3A_204 = arith.addi %broadcast_in_dim3A, %add3A_203 : vector<16xi32>
          %gather3A_205 = arith.constant 1 : i32
          %gather3A_206 = arith.constant 0 : i32
          %gather3A_207 = arith.constant 0 : i32
          %gather3A_208 = tpu.memref_slice %arg5[%gather3A_205, %gather3A_206, %gather3A_207] : memref<2x64x128xf32, #tpu.memory_space<vmem>> -> memref<1x64x128xf32, #tpu.memory_space<vmem>>
          %gather3A_209 = tpu.memref_squeeze %gather3A_208 : memref<1x64x128xf32, #tpu.memory_space<vmem>> -> memref<64x128xf32, #tpu.memory_space<vmem>>
          %gather3A_210 = tpu.vector_load_idx %gather3A_209[%add3A_144, %add3A_204] : memref<64x128xf32, #tpu.memory_space<vmem>>[vector<16xi32>, vector<16xi32>], vector<16xf32>,
          %add3A_211 = arith.constant 0 : i32
          %add3A_212 = vector.broadcast %add3A_211 : i32 to vector<16xi32>
          %add3A_213 = arith.addi %broadcast_in_dim3A, %add3A_212 : vector<16xi32>
          %gather3A_214 = arith.constant 1 : i32
          %gather3A_215 = arith.constant 0 : i32
          %gather3A_216 = arith.constant 0 : i32
          %gather3A_217 = tpu.memref_slice %arg5[%gather3A_214, %gather3A_215, %gather3A_216] : memref<2x64x128xf32, #tpu.memory_space<vmem>> -> memref<1x64x128xf32, #tpu.memory_space<vmem>>
          %gather3A_218 = tpu.memref_squeeze %gather3A_217 : memref<1x64x128xf32, #tpu.memory_space<vmem>> -> memref<64x128xf32, #tpu.memory_space<vmem>>
          %gather3A_219 = tpu.vector_load_idx %gather3A_218[%add3A_148, %add3A_213] : memref<64x128xf32, #tpu.memory_space<vmem>>[vector<16xi32>, vector<16xi32>], vector<16xf32>,
          %add3A_220 = arith.constant 0 : i32
          %add3A_221 = arith.addi %add3A_184, %add3A_220 : i32
          %swap3A = arith.constant 1 : i32
          %swap3A_222 = arith.index_cast %swap3A : i32 to index
          %swap3A_223 = arith.index_cast %add3A_221 : i32 to index
          %swap3A_224 = arith.constant 0 : index
          %swap3A_225 = tpu.vector_load %arg6[%swap3A_222, %swap3A_223, %swap3A_224] {strides = array<i32>} : memref<2x128x128xf32, #tpu.memory_space<vmem>>, vector<16xf32>,
          tpu.vector_store %arg6[%swap3A_222, %swap3A_223, %swap3A_224], %gather3A_192 {strides = array<i32>} : memref<2x128x128xf32, #tpu.memory_space<vmem>>, vector<16xf32>,
          %add3A_226 = arith.constant 0 : i32
          %add3A_227 = arith.addi %add3A_184, %add3A_226 : i32
          %swap3A_228 = arith.constant 1 : i32
          %swap3A_229 = arith.index_cast %swap3A_228 : i32 to index
          %swap3A_230 = arith.index_cast %add3A_227 : i32 to index
          %swap3A_231 = arith.constant 64 : index
          %swap3A_232 = tpu.vector_load %arg6[%swap3A_229, %swap3A_230, %swap3A_231] {strides = array<i32>} : memref<2x128x128xf32, #tpu.memory_space<vmem>>, vector<16xf32>,
          tpu.vector_store %arg6[%swap3A_229, %swap3A_230, %swap3A_231], %gather3A_192 {strides = array<i32>} : memref<2x128x128xf32, #tpu.memory_space<vmem>>, vector<16xf32>,
          %add3A_233 = arith.constant 0 : i32
          %add3A_234 = arith.addi %add3A_184, %add3A_233 : i32
          %swap3A_235 = arith.constant 1 : i32
          %swap3A_236 = arith.index_cast %swap3A_235 : i32 to index
          %swap3A_237 = arith.index_cast %add3A_234 : i32 to index
          %swap3A_238 = arith.constant 16 : index
          %swap3A_239 = tpu.vector_load %arg6[%swap3A_236, %swap3A_237, %swap3A_238] {strides = array<i32>} : memref<2x128x128xf32, #tpu.memory_space<vmem>>, vector<16xf32>,
          tpu.vector_store %arg6[%swap3A_236, %swap3A_237, %swap3A_238], %gather3A_201 {strides = array<i32>} : memref<2x128x128xf32, #tpu.memory_space<vmem>>, vector<16xf32>,
          %add3A_240 = arith.constant 0 : i32
          %add3A_241 = arith.addi %add3A_184, %add3A_240 : i32
          %swap3A_242 = arith.constant 1 : i32
          %swap3A_243 = arith.index_cast %swap3A_242 : i32 to index
          %swap3A_244 = arith.index_cast %add3A_241 : i32 to index
          %swap3A_245 = arith.constant 80 : index
          %swap3A_246 = tpu.vector_load %arg6[%swap3A_243, %swap3A_244, %swap3A_245] {strides = array<i32>} : memref<2x128x128xf32, #tpu.memory_space<vmem>>, vector<16xf32>,
          tpu.vector_store %arg6[%swap3A_243, %swap3A_244, %swap3A_245], %gather3A_201 {strides = array<i32>} : memref<2x128x128xf32, #tpu.memory_space<vmem>>, vector<16xf32>,
          %add3A_247 = arith.constant 0 : i32
          %add3A_248 = arith.addi %add3A_184, %add3A_247 : i32
          %swap3A_249 = arith.constant 1 : i32
          %swap3A_250 = arith.index_cast %swap3A_249 : i32 to index
          %swap3A_251 = arith.index_cast %add3A_248 : i32 to index
          %swap3A_252 = arith.constant 32 : index
          %swap3A_253 = tpu.vector_load %arg6[%swap3A_250, %swap3A_251, %swap3A_252] {strides = array<i32>} : memref<2x128x128xf32, #tpu.memory_space<vmem>>, vector<16xf32>,
          tpu.vector_store %arg6[%swap3A_250, %swap3A_251, %swap3A_252], %gather3A_210 {strides = array<i32>} : memref<2x128x128xf32, #tpu.memory_space<vmem>>, vector<16xf32>,
          %add3A_254 = arith.constant 0 : i32
          %add3A_255 = arith.addi %add3A_184, %add3A_254 : i32
          %swap3A_256 = arith.constant 1 : i32
          %swap3A_257 = arith.index_cast %swap3A_256 : i32 to index
          %swap3A_258 = arith.index_cast %add3A_255 : i32 to index
          %swap3A_259 = arith.constant 96 : index
          %swap3A_260 = tpu.vector_load %arg6[%swap3A_257, %swap3A_258, %swap3A_259] {strides = array<i32>} : memref<2x128x128xf32, #tpu.memory_space<vmem>>, vector<16xf32>,
          tpu.vector_store %arg6[%swap3A_257, %swap3A_258, %swap3A_259], %gather3A_210 {strides = array<i32>} : memref<2x128x128xf32, #tpu.memory_space<vmem>>, vector<16xf32>,
          %add3A_261 = arith.constant 0 : i32
          %add3A_262 = arith.addi %add3A_184, %add3A_261 : i32
          %swap3A_263 = arith.constant 1 : i32
          %swap3A_264 = arith.index_cast %swap3A_263 : i32 to index
          %swap3A_265 = arith.index_cast %add3A_262 : i32 to index
          %swap3A_266 = arith.constant 48 : index
          %swap3A_267 = tpu.vector_load %arg6[%swap3A_264, %swap3A_265, %swap3A_266] {strides = array<i32>} : memref<2x128x128xf32, #tpu.memory_space<vmem>>, vector<16xf32>,
          tpu.vector_store %arg6[%swap3A_264, %swap3A_265, %swap3A_266], %gather3A_219 {strides = array<i32>} : memref<2x128x128xf32, #tpu.memory_space<vmem>>, vector<16xf32>,
          %add3A_268 = arith.constant 0 : i32
          %add3A_269 = arith.addi %add3A_184, %add3A_268 : i32
          %swap3A_270 = arith.constant 1 : i32
          %swap3A_271 = arith.index_cast %swap3A_270 : i32 to index
          %swap3A_272 = arith.index_cast %add3A_269 : i32 to index
          %swap3A_273 = arith.constant 112 : index
          %swap3A_274 = tpu.vector_load %arg6[%swap3A_271, %swap3A_272, %swap3A_273] {strides = array<i32>} : memref<2x128x128xf32, #tpu.memory_space<vmem>>, vector<16xf32>,
          tpu.vector_store %arg6[%swap3A_271, %swap3A_272, %swap3A_273], %gather3A_219 {strides = array<i32>} : memref<2x128x128xf32, #tpu.memory_space<vmem>>, vector<16xf32>,
          %add3A_275 = arith.constant 1 : i32
          %add3A_276 = vector.broadcast %add3A_275 : i32 to vector<16xi32>
          %add3A_277 = arith.addi %broadcast_in_dim3A, %add3A_276 : vector<16xi32>
          %gather3A_278 = arith.constant 1 : i32
          %gather3A_279 = arith.constant 0 : i32
          %gather3A_280 = arith.constant 0 : i32
          %gather3A_281 = tpu.memref_slice %arg5[%gather3A_278, %gather3A_279, %gather3A_280] : memref<2x64x128xf32, #tpu.memory_space<vmem>> -> memref<1x64x128xf32, #tpu.memory_space<vmem>>
          %gather3A_282 = tpu.memref_squeeze %gather3A_281 : memref<1x64x128xf32, #tpu.memory_space<vmem>> -> memref<64x128xf32, #tpu.memory_space<vmem>>
          %gather3A_283 = tpu.vector_load_idx %gather3A_282[%add3A_136, %add3A_277] : memref<64x128xf32, #tpu.memory_space<vmem>>[vector<16xi32>, vector<16xi32>], vector<16xf32>,
          %add3A_284 = arith.constant 1 : i32
          %add3A_285 = vector.broadcast %add3A_284 : i32 to vector<16xi32>
          %add3A_286 = arith.addi %broadcast_in_dim3A, %add3A_285 : vector<16xi32>
          %gather3A_287 = arith.constant 1 : i32
          %gather3A_288 = arith.constant 0 : i32
          %gather3A_289 = arith.constant 0 : i32
          %gather3A_290 = tpu.memref_slice %arg5[%gather3A_287, %gather3A_288, %gather3A_289] : memref<2x64x128xf32, #tpu.memory_space<vmem>> -> memref<1x64x128xf32, #tpu.memory_space<vmem>>
          %gather3A_291 = tpu.memref_squeeze %gather3A_290 : memref<1x64x128xf32, #tpu.memory_space<vmem>> -> memref<64x128xf32, #tpu.memory_space<vmem>>
          %gather3A_292 = tpu.vector_load_idx %gather3A_291[%add3A_140, %add3A_286] : memref<64x128xf32, #tpu.memory_space<vmem>>[vector<16xi32>, vector<16xi32>], vector<16xf32>,
          %add3A_293 = arith.constant 1 : i32
          %add3A_294 = vector.broadcast %add3A_293 : i32 to vector<16xi32>
          %add3A_295 = arith.addi %broadcast_in_dim3A, %add3A_294 : vector<16xi32>
          %gather3A_296 = arith.constant 1 : i32
          %gather3A_297 = arith.constant 0 : i32
          %gather3A_298 = arith.constant 0 : i32
          %gather3A_299 = tpu.memref_slice %arg5[%gather3A_296, %gather3A_297, %gather3A_298] : memref<2x64x128xf32, #tpu.memory_space<vmem>> -> memref<1x64x128xf32, #tpu.memory_space<vmem>>
          %gather3A_300 = tpu.memref_squeeze %gather3A_299 : memref<1x64x128xf32, #tpu.memory_space<vmem>> -> memref<64x128xf32, #tpu.memory_space<vmem>>
          %gather3A_301 = tpu.vector_load_idx %gather3A_300[%add3A_144, %add3A_295] : memref<64x128xf32, #tpu.memory_space<vmem>>[vector<16xi32>, vector<16xi32>], vector<16xf32>,
          %add3A_302 = arith.constant 1 : i32
          %add3A_303 = vector.broadcast %add3A_302 : i32 to vector<16xi32>
          %add3A_304 = arith.addi %broadcast_in_dim3A, %add3A_303 : vector<16xi32>
          %gather3A_305 = arith.constant 1 : i32
          %gather3A_306 = arith.constant 0 : i32
          %gather3A_307 = arith.constant 0 : i32
          %gather3A_308 = tpu.memref_slice %arg5[%gather3A_305, %gather3A_306, %gather3A_307] : memref<2x64x128xf32, #tpu.memory_space<vmem>> -> memref<1x64x128xf32, #tpu.memory_space<vmem>>
          %gather3A_309 = tpu.memref_squeeze %gather3A_308 : memref<1x64x128xf32, #tpu.memory_space<vmem>> -> memref<64x128xf32, #tpu.memory_space<vmem>>
          %gather3A_310 = tpu.vector_load_idx %gather3A_309[%add3A_148, %add3A_304] : memref<64x128xf32, #tpu.memory_space<vmem>>[vector<16xi32>, vector<16xi32>], vector<16xf32>,
          %add3A_311 = arith.constant 1 : i32
          %add3A_312 = arith.addi %add3A_184, %add3A_311 : i32
          %swap3A_313 = arith.constant 1 : i32
          %swap3A_314 = arith.index_cast %swap3A_313 : i32 to index
          %swap3A_315 = arith.index_cast %add3A_312 : i32 to index
          %swap3A_316 = arith.constant 0 : index
          %swap3A_317 = tpu.vector_load %arg6[%swap3A_314, %swap3A_315, %swap3A_316] {strides = array<i32>} : memref<2x128x128xf32, #tpu.memory_space<vmem>>, vector<16xf32>,
          tpu.vector_store %arg6[%swap3A_314, %swap3A_315, %swap3A_316], %gather3A_283 {strides = array<i32>} : memref<2x128x128xf32, #tpu.memory_space<vmem>>, vector<16xf32>,
          %add3A_318 = arith.constant 1 : i32
          %add3A_319 = arith.addi %add3A_184, %add3A_318 : i32
          %swap3A_320 = arith.constant 1 : i32
          %swap3A_321 = arith.index_cast %swap3A_320 : i32 to index
          %swap3A_322 = arith.index_cast %add3A_319 : i32 to index
          %swap3A_323 = arith.constant 64 : index
          %swap3A_324 = tpu.vector_load %arg6[%swap3A_321, %swap3A_322, %swap3A_323] {strides = array<i32>} : memref<2x128x128xf32, #tpu.memory_space<vmem>>, vector<16xf32>,
          tpu.vector_store %arg6[%swap3A_321, %swap3A_322, %swap3A_323], %gather3A_283 {strides = array<i32>} : memref<2x128x128xf32, #tpu.memory_space<vmem>>, vector<16xf32>,
          %add3A_325 = arith.constant 1 : i32
          %add3A_326 = arith.addi %add3A_184, %add3A_325 : i32
          %swap3A_327 = arith.constant 1 : i32
          %swap3A_328 = arith.index_cast %swap3A_327 : i32 to index
          %swap3A_329 = arith.index_cast %add3A_326 : i32 to index
          %swap3A_330 = arith.constant 16 : index
          %swap3A_331 = tpu.vector_load %arg6[%swap3A_328, %swap3A_329, %swap3A_330] {strides = array<i32>} : memref<2x128x128xf32, #tpu.memory_space<vmem>>, vector<16xf32>,
          tpu.vector_store %arg6[%swap3A_328, %swap3A_329, %swap3A_330], %gather3A_292 {strides = array<i32>} : memref<2x128x128xf32, #tpu.memory_space<vmem>>, vector<16xf32>,
          %add3A_332 = arith.constant 1 : i32
          %add3A_333 = arith.addi %add3A_184, %add3A_332 : i32
          %swap3A_334 = arith.constant 1 : i32
          %swap3A_335 = arith.index_cast %swap3A_334 : i32 to index
          %swap3A_336 = arith.index_cast %add3A_333 : i32 to index
          %swap3A_337 = arith.constant 80 : index
          %swap3A_338 = tpu.vector_load %arg6[%swap3A_335, %swap3A_336, %swap3A_337] {strides = array<i32>} : memref<2x128x128xf32, #tpu.memory_space<vmem>>, vector<16xf32>,
          tpu.vector_store %arg6[%swap3A_335, %swap3A_336, %swap3A_337], %gather3A_292 {strides = array<i32>} : memref<2x128x128xf32, #tpu.memory_space<vmem>>, vector<16xf32>,
          %add3A_339 = arith.constant 1 : i32
          %add3A_340 = arith.addi %add3A_184, %add3A_339 : i32
          %swap3A_341 = arith.constant 1 : i32
          %swap3A_342 = arith.index_cast %swap3A_341 : i32 to index
          %swap3A_343 = arith.index_cast %add3A_340 : i32 to index
          %swap3A_344 = arith.constant 32 : index
          %swap3A_345 = tpu.vector_load %arg6[%swap3A_342, %swap3A_343, %swap3A_344] {strides = array<i32>} : memref<2x128x128xf32, #tpu.memory_space<vmem>>, vector<16xf32>,
          tpu.vector_store %arg6[%swap3A_342, %swap3A_343, %swap3A_344], %gather3A_301 {strides = array<i32>} : memref<2x128x128xf32, #tpu.memory_space<vmem>>, vector<16xf32>,
          %add3A_346 = arith.constant 1 : i32
          %add3A_347 = arith.addi %add3A_184, %add3A_346 : i32
          %swap3A_348 = arith.constant 1 : i32
          %swap3A_349 = arith.index_cast %swap3A_348 : i32 to index
          %swap3A_350 = arith.index_cast %add3A_347 : i32 to index
          %swap3A_351 = arith.constant 96 : index
          %swap3A_352 = tpu.vector_load %arg6[%swap3A_349, %swap3A_350, %swap3A_351] {strides = array<i32>} : memref<2x128x128xf32, #tpu.memory_space<vmem>>, vector<16xf32>,
          tpu.vector_store %arg6[%swap3A_349, %swap3A_350, %swap3A_351], %gather3A_301 {strides = array<i32>} : memref<2x128x128xf32, #tpu.memory_space<vmem>>, vector<16xf32>,
          %add3A_353 = arith.constant 1 : i32
          %add3A_354 = arith.addi %add3A_184, %add3A_353 : i32
          %swap3A_355 = arith.constant 1 : i32
          %swap3A_356 = arith.index_cast %swap3A_355 : i32 to index
          %swap3A_357 = arith.index_cast %add3A_354 : i32 to index
          %swap3A_358 = arith.constant 48 : index
          %swap3A_359 = tpu.vector_load %arg6[%swap3A_356, %swap3A_357, %swap3A_358] {strides = array<i32>} : memref<2x128x128xf32, #tpu.memory_space<vmem>>, vector<16xf32>,
          tpu.vector_store %arg6[%swap3A_356, %swap3A_357, %swap3A_358], %gather3A_310 {strides = array<i32>} : memref<2x128x128xf32, #tpu.memory_space<vmem>>, vector<16xf32>,
          %add3A_360 = arith.constant 1 : i32
          %add3A_361 = arith.addi %add3A_184, %add3A_360 : i32
          %swap3A_362 = arith.constant 1 : i32
          %swap3A_363 = arith.index_cast %swap3A_362 : i32 to index
          %swap3A_364 = arith.index_cast %add3A_361 : i32 to index
          %swap3A_365 = arith.constant 112 : index
          %swap3A_366 = tpu.vector_load %arg6[%swap3A_363, %swap3A_364, %swap3A_365] {strides = array<i32>} : memref<2x128x128xf32, #tpu.memory_space<vmem>>, vector<16xf32>,
          tpu.vector_store %arg6[%swap3A_363, %swap3A_364, %swap3A_365], %gather3A_310 {strides = array<i32>} : memref<2x128x128xf32, #tpu.memory_space<vmem>>, vector<16xf32>,
          %add3A_367 = arith.constant 2 : i32
          %add3A_368 = vector.broadcast %add3A_367 : i32 to vector<16xi32>
          %add3A_369 = arith.addi %broadcast_in_dim3A, %add3A_368 : vector<16xi32>
          %gather3A_370 = arith.constant 1 : i32
          %gather3A_371 = arith.constant 0 : i32
          %gather3A_372 = arith.constant 0 : i32
          %gather3A_373 = tpu.memref_slice %arg5[%gather3A_370, %gather3A_371, %gather3A_372] : memref<2x64x128xf32, #tpu.memory_space<vmem>> -> memref<1x64x128xf32, #tpu.memory_space<vmem>>
          %gather3A_374 = tpu.memref_squeeze %gather3A_373 : memref<1x64x128xf32, #tpu.memory_space<vmem>> -> memref<64x128xf32, #tpu.memory_space<vmem>>
          %gather3A_375 = tpu.vector_load_idx %gather3A_374[%add3A_136, %add3A_369] : memref<64x128xf32, #tpu.memory_space<vmem>>[vector<16xi32>, vector<16xi32>], vector<16xf32>,
          %add3A_376 = arith.constant 2 : i32
          %add3A_377 = vector.broadcast %add3A_376 : i32 to vector<16xi32>
          %add3A_378 = arith.addi %broadcast_in_dim3A, %add3A_377 : vector<16xi32>
          %gather3A_379 = arith.constant 1 : i32
          %gather3A_380 = arith.constant 0 : i32
          %gather3A_381 = arith.constant 0 : i32
          %gather3A_382 = tpu.memref_slice %arg5[%gather3A_379, %gather3A_380, %gather3A_381] : memref<2x64x128xf32, #tpu.memory_space<vmem>> -> memref<1x64x128xf32, #tpu.memory_space<vmem>>
          %gather3A_383 = tpu.memref_squeeze %gather3A_382 : memref<1x64x128xf32, #tpu.memory_space<vmem>> -> memref<64x128xf32, #tpu.memory_space<vmem>>
          %gather3A_384 = tpu.vector_load_idx %gather3A_383[%add3A_140, %add3A_378] : memref<64x128xf32, #tpu.memory_space<vmem>>[vector<16xi32>, vector<16xi32>], vector<16xf32>,
          %add3A_385 = arith.constant 2 : i32
          %add3A_386 = vector.broadcast %add3A_385 : i32 to vector<16xi32>
          %add3A_387 = arith.addi %broadcast_in_dim3A, %add3A_386 : vector<16xi32>
          %gather3A_388 = arith.constant 1 : i32
          %gather3A_389 = arith.constant 0 : i32
          %gather3A_390 = arith.constant 0 : i32
          %gather3A_391 = tpu.memref_slice %arg5[%gather3A_388, %gather3A_389, %gather3A_390] : memref<2x64x128xf32, #tpu.memory_space<vmem>> -> memref<1x64x128xf32, #tpu.memory_space<vmem>>
          %gather3A_392 = tpu.memref_squeeze %gather3A_391 : memref<1x64x128xf32, #tpu.memory_space<vmem>> -> memref<64x128xf32, #tpu.memory_space<vmem>>
          %gather3A_393 = tpu.vector_load_idx %gather3A_392[%add3A_144, %add3A_387] : memref<64x128xf32, #tpu.memory_space<vmem>>[vector<16xi32>, vector<16xi32>], vector<16xf32>,
          %add3A_394 = arith.constant 2 : i32
          %add3A_395 = vector.broadcast %add3A_394 : i32 to vector<16xi32>
          %add3A_396 = arith.addi %broadcast_in_dim3A, %add3A_395 : vector<16xi32>
          %gather3A_397 = arith.constant 1 : i32
          %gather3A_398 = arith.constant 0 : i32
          %gather3A_399 = arith.constant 0 : i32
          %gather3A_400 = tpu.memref_slice %arg5[%gather3A_397, %gather3A_398, %gather3A_399] : memref<2x64x128xf32, #tpu.memory_space<vmem>> -> memref<1x64x128xf32, #tpu.memory_space<vmem>>
          %gather3A_401 = tpu.memref_squeeze %gather3A_400 : memref<1x64x128xf32, #tpu.memory_space<vmem>> -> memref<64x128xf32, #tpu.memory_space<vmem>>
          %gather3A_402 = tpu.vector_load_idx %gather3A_401[%add3A_148, %add3A_396] : memref<64x128xf32, #tpu.memory_space<vmem>>[vector<16xi32>, vector<16xi32>], vector<16xf32>,
          %add3A_403 = arith.constant 2 : i32
          %add3A_404 = arith.addi %add3A_184, %add3A_403 : i32
          %swap3A_405 = arith.constant 1 : i32
          %swap3A_406 = arith.index_cast %swap3A_405 : i32 to index
          %swap3A_407 = arith.index_cast %add3A_404 : i32 to index
          %swap3A_408 = arith.constant 0 : index
          %swap3A_409 = tpu.vector_load %arg6[%swap3A_406, %swap3A_407, %swap3A_408] {strides = array<i32>} : memref<2x128x128xf32, #tpu.memory_space<vmem>>, vector<16xf32>,
          tpu.vector_store %arg6[%swap3A_406, %swap3A_407, %swap3A_408], %gather3A_375 {strides = array<i32>} : memref<2x128x128xf32, #tpu.memory_space<vmem>>, vector<16xf32>,
          %add3A_410 = arith.constant 2 : i32
          %add3A_411 = arith.addi %add3A_184, %add3A_410 : i32
          %swap3A_412 = arith.constant 1 : i32
          %swap3A_413 = arith.index_cast %swap3A_412 : i32 to index
          %swap3A_414 = arith.index_cast %add3A_411 : i32 to index
          %swap3A_415 = arith.constant 64 : index
          %swap3A_416 = tpu.vector_load %arg6[%swap3A_413, %swap3A_414, %swap3A_415] {strides = array<i32>} : memref<2x128x128xf32, #tpu.memory_space<vmem>>, vector<16xf32>,
          tpu.vector_store %arg6[%swap3A_413, %swap3A_414, %swap3A_415], %gather3A_375 {strides = array<i32>} : memref<2x128x128xf32, #tpu.memory_space<vmem>>, vector<16xf32>,
          %add3A_417 = arith.constant 2 : i32
          %add3A_418 = arith.addi %add3A_184, %add3A_417 : i32
          %swap3A_419 = arith.constant 1 : i32
          %swap3A_420 = arith.index_cast %swap3A_419 : i32 to index
          %swap3A_421 = arith.index_cast %add3A_418 : i32 to index
          %swap3A_422 = arith.constant 16 : index
          %swap3A_423 = tpu.vector_load %arg6[%swap3A_420, %swap3A_421, %swap3A_422] {strides = array<i32>} : memref<2x128x128xf32, #tpu.memory_space<vmem>>, vector<16xf32>,
          tpu.vector_store %arg6[%swap3A_420, %swap3A_421, %swap3A_422], %gather3A_384 {strides = array<i32>} : memref<2x128x128xf32, #tpu.memory_space<vmem>>, vector<16xf32>,
          %add3A_424 = arith.constant 2 : i32
          %add3A_425 = arith.addi %add3A_184, %add3A_424 : i32
          %swap3A_426 = arith.constant 1 : i32
          %swap3A_427 = arith.index_cast %swap3A_426 : i32 to index
          %swap3A_428 = arith.index_cast %add3A_425 : i32 to index
          %swap3A_429 = arith.constant 80 : index
          %swap3A_430 = tpu.vector_load %arg6[%swap3A_427, %swap3A_428, %swap3A_429] {strides = array<i32>} : memref<2x128x128xf32, #tpu.memory_space<vmem>>, vector<16xf32>,
          tpu.vector_store %arg6[%swap3A_427, %swap3A_428, %swap3A_429], %gather3A_384 {strides = array<i32>} : memref<2x128x128xf32, #tpu.memory_space<vmem>>, vector<16xf32>,
          %add3A_431 = arith.constant 2 : i32
          %add3A_432 = arith.addi %add3A_184, %add3A_431 : i32
          %swap3A_433 = arith.constant 1 : i32
          %swap3A_434 = arith.index_cast %swap3A_433 : i32 to index
          %swap3A_435 = arith.index_cast %add3A_432 : i32 to index
          %swap3A_436 = arith.constant 32 : index
          %swap3A_437 = tpu.vector_load %arg6[%swap3A_434, %swap3A_435, %swap3A_436] {strides = array<i32>} : memref<2x128x128xf32, #tpu.memory_space<vmem>>, vector<16xf32>,
          tpu.vector_store %arg6[%swap3A_434, %swap3A_435, %swap3A_436], %gather3A_393 {strides = array<i32>} : memref<2x128x128xf32, #tpu.memory_space<vmem>>, vector<16xf32>,
          %add3A_438 = arith.constant 2 : i32
          %add3A_439 = arith.addi %add3A_184, %add3A_438 : i32
          %swap3A_440 = arith.constant 1 : i32
          %swap3A_441 = arith.index_cast %swap3A_440 : i32 to index
          %swap3A_442 = arith.index_cast %add3A_439 : i32 to index
          %swap3A_443 = arith.constant 96 : index
          %swap3A_444 = tpu.vector_load %arg6[%swap3A_441, %swap3A_442, %swap3A_443] {strides = array<i32>} : memref<2x128x128xf32, #tpu.memory_space<vmem>>, vector<16xf32>,
          tpu.vector_store %arg6[%swap3A_441, %swap3A_442, %swap3A_443], %gather3A_393 {strides = array<i32>} : memref<2x128x128xf32, #tpu.memory_space<vmem>>, vector<16xf32>,
          %add3A_445 = arith.constant 2 : i32
          %add3A_446 = arith.addi %add3A_184, %add3A_445 : i32
          %swap3A_447 = arith.constant 1 : i32
          %swap3A_448 = arith.index_cast %swap3A_447 : i32 to index
          %swap3A_449 = arith.index_cast %add3A_446 : i32 to index
          %swap3A_450 = arith.constant 48 : index
          %swap3A_451 = tpu.vector_load %arg6[%swap3A_448, %swap3A_449, %swap3A_450] {strides = array<i32>} : memref<2x128x128xf32, #tpu.memory_space<vmem>>, vector<16xf32>,
          tpu.vector_store %arg6[%swap3A_448, %swap3A_449, %swap3A_450], %gather3A_402 {strides = array<i32>} : memref<2x128x128xf32, #tpu.memory_space<vmem>>, vector<16xf32>,
          %add3A_452 = arith.constant 2 : i32
          %add3A_453 = arith.addi %add3A_184, %add3A_452 : i32
          %swap3A_454 = arith.constant 1 : i32
          %swap3A_455 = arith.index_cast %swap3A_454 : i32 to index
          %swap3A_456 = arith.index_cast %add3A_453 : i32 to index
          %swap3A_457 = arith.constant 112 : index
          %swap3A_458 = tpu.vector_load %arg6[%swap3A_455, %swap3A_456, %swap3A_457] {strides = array<i32>} : memref<2x128x128xf32, #tpu.memory_space<vmem>>, vector<16xf32>,
          tpu.vector_store %arg6[%swap3A_455, %swap3A_456, %swap3A_457], %gather3A_402 {strides = array<i32>} : memref<2x128x128xf32, #tpu.memory_space<vmem>>, vector<16xf32>,
          %add3A_459 = arith.constant 3 : i32
          %add3A_460 = vector.broadcast %add3A_459 : i32 to vector<16xi32>
          %add3A_461 = arith.addi %broadcast_in_dim3A, %add3A_460 : vector<16xi32>
          %gather3A_462 = arith.constant 1 : i32
          %gather3A_463 = arith.constant 0 : i32
          %gather3A_464 = arith.constant 0 : i32
          %gather3A_465 = tpu.memref_slice %arg5[%gather3A_462, %gather3A_463, %gather3A_464] : memref<2x64x128xf32, #tpu.memory_space<vmem>> -> memref<1x64x128xf32, #tpu.memory_space<vmem>>
          %gather3A_466 = tpu.memref_squeeze %gather3A_465 : memref<1x64x128xf32, #tpu.memory_space<vmem>> -> memref<64x128xf32, #tpu.memory_space<vmem>>
          %gather3A_467 = tpu.vector_load_idx %gather3A_466[%add3A_136, %add3A_461] : memref<64x128xf32, #tpu.memory_space<vmem>>[vector<16xi32>, vector<16xi32>], vector<16xf32>,
          %add3A_468 = arith.constant 3 : i32
          %add3A_469 = vector.broadcast %add3A_468 : i32 to vector<16xi32>
          %add3A_470 = arith.addi %broadcast_in_dim3A, %add3A_469 : vector<16xi32>
          %gather3A_471 = arith.constant 1 : i32
          %gather3A_472 = arith.constant 0 : i32
          %gather3A_473 = arith.constant 0 : i32
          %gather3A_474 = tpu.memref_slice %arg5[%gather3A_471, %gather3A_472, %gather3A_473] : memref<2x64x128xf32, #tpu.memory_space<vmem>> -> memref<1x64x128xf32, #tpu.memory_space<vmem>>
          %gather3A_475 = tpu.memref_squeeze %gather3A_474 : memref<1x64x128xf32, #tpu.memory_space<vmem>> -> memref<64x128xf32, #tpu.memory_space<vmem>>
          %gather3A_476 = tpu.vector_load_idx %gather3A_475[%add3A_140, %add3A_470] : memref<64x128xf32, #tpu.memory_space<vmem>>[vector<16xi32>, vector<16xi32>], vector<16xf32>,
          %add3A_477 = arith.constant 3 : i32
          %add3A_478 = vector.broadcast %add3A_477 : i32 to vector<16xi32>
          %add3A_479 = arith.addi %broadcast_in_dim3A, %add3A_478 : vector<16xi32>
          %gather3A_480 = arith.constant 1 : i32
          %gather3A_481 = arith.constant 0 : i32
          %gather3A_482 = arith.constant 0 : i32
          %gather3A_483 = tpu.memref_slice %arg5[%gather3A_480, %gather3A_481, %gather3A_482] : memref<2x64x128xf32, #tpu.memory_space<vmem>> -> memref<1x64x128xf32, #tpu.memory_space<vmem>>
          %gather3A_484 = tpu.memref_squeeze %gather3A_483 : memref<1x64x128xf32, #tpu.memory_space<vmem>> -> memref<64x128xf32, #tpu.memory_space<vmem>>
          %gather3A_485 = tpu.vector_load_idx %gather3A_484[%add3A_144, %add3A_479] : memref<64x128xf32, #tpu.memory_space<vmem>>[vector<16xi32>, vector<16xi32>], vector<16xf32>,
          %add3A_486 = arith.constant 3 : i32
          %add3A_487 = vector.broadcast %add3A_486 : i32 to vector<16xi32>
          %add3A_488 = arith.addi %broadcast_in_dim3A, %add3A_487 : vector<16xi32>
          %gather3A_489 = arith.constant 1 : i32
          %gather3A_490 = arith.constant 0 : i32
          %gather3A_491 = arith.constant 0 : i32
          %gather3A_492 = tpu.memref_slice %arg5[%gather3A_489, %gather3A_490, %gather3A_491] : memref<2x64x128xf32, #tpu.memory_space<vmem>> -> memref<1x64x128xf32, #tpu.memory_space<vmem>>
          %gather3A_493 = tpu.memref_squeeze %gather3A_492 : memref<1x64x128xf32, #tpu.memory_space<vmem>> -> memref<64x128xf32, #tpu.memory_space<vmem>>
          %gather3A_494 = tpu.vector_load_idx %gather3A_493[%add3A_148, %add3A_488] : memref<64x128xf32, #tpu.memory_space<vmem>>[vector<16xi32>, vector<16xi32>], vector<16xf32>,
          %add3A_495 = arith.constant 3 : i32
          %add3A_496 = arith.addi %add3A_184, %add3A_495 : i32
          %swap3A_497 = arith.constant 1 : i32
          %swap3A_498 = arith.index_cast %swap3A_497 : i32 to index
          %swap3A_499 = arith.index_cast %add3A_496 : i32 to index
          %swap3A_500 = arith.constant 0 : index
          %swap3A_501 = tpu.vector_load %arg6[%swap3A_498, %swap3A_499, %swap3A_500] {strides = array<i32>} : memref<2x128x128xf32, #tpu.memory_space<vmem>>, vector<16xf32>,
          tpu.vector_store %arg6[%swap3A_498, %swap3A_499, %swap3A_500], %gather3A_467 {strides = array<i32>} : memref<2x128x128xf32, #tpu.memory_space<vmem>>, vector<16xf32>,
          %add3A_502 = arith.constant 3 : i32
          %add3A_503 = arith.addi %add3A_184, %add3A_502 : i32
          %swap3A_504 = arith.constant 1 : i32
          %swap3A_505 = arith.index_cast %swap3A_504 : i32 to index
          %swap3A_506 = arith.index_cast %add3A_503 : i32 to index
          %swap3A_507 = arith.constant 64 : index
          %swap3A_508 = tpu.vector_load %arg6[%swap3A_505, %swap3A_506, %swap3A_507] {strides = array<i32>} : memref<2x128x128xf32, #tpu.memory_space<vmem>>, vector<16xf32>,
          tpu.vector_store %arg6[%swap3A_505, %swap3A_506, %swap3A_507], %gather3A_467 {strides = array<i32>} : memref<2x128x128xf32, #tpu.memory_space<vmem>>, vector<16xf32>,
          %add3A_509 = arith.constant 3 : i32
          %add3A_510 = arith.addi %add3A_184, %add3A_509 : i32
          %swap3A_511 = arith.constant 1 : i32
          %swap3A_512 = arith.index_cast %swap3A_511 : i32 to index
          %swap3A_513 = arith.index_cast %add3A_510 : i32 to index
          %swap3A_514 = arith.constant 16 : index
          %swap3A_515 = tpu.vector_load %arg6[%swap3A_512, %swap3A_513, %swap3A_514] {strides = array<i32>} : memref<2x128x128xf32, #tpu.memory_space<vmem>>, vector<16xf32>,
          tpu.vector_store %arg6[%swap3A_512, %swap3A_513, %swap3A_514], %gather3A_476 {strides = array<i32>} : memref<2x128x128xf32, #tpu.memory_space<vmem>>, vector<16xf32>,
          %add3A_516 = arith.constant 3 : i32
          %add3A_517 = arith.addi %add3A_184, %add3A_516 : i32
          %swap3A_518 = arith.constant 1 : i32
          %swap3A_519 = arith.index_cast %swap3A_518 : i32 to index
          %swap3A_520 = arith.index_cast %add3A_517 : i32 to index
          %swap3A_521 = arith.constant 80 : index
          %swap3A_522 = tpu.vector_load %arg6[%swap3A_519, %swap3A_520, %swap3A_521] {strides = array<i32>} : memref<2x128x128xf32, #tpu.memory_space<vmem>>, vector<16xf32>,
          tpu.vector_store %arg6[%swap3A_519, %swap3A_520, %swap3A_521], %gather3A_476 {strides = array<i32>} : memref<2x128x128xf32, #tpu.memory_space<vmem>>, vector<16xf32>,
          %add3A_523 = arith.constant 3 : i32
          %add3A_524 = arith.addi %add3A_184, %add3A_523 : i32
          %swap3A_525 = arith.constant 1 : i32
          %swap3A_526 = arith.index_cast %swap3A_525 : i32 to index
          %swap3A_527 = arith.index_cast %add3A_524 : i32 to index
          %swap3A_528 = arith.constant 32 : index
          %swap3A_529 = tpu.vector_load %arg6[%swap3A_526, %swap3A_527, %swap3A_528] {strides = array<i32>} : memref<2x128x128xf32, #tpu.memory_space<vmem>>, vector<16xf32>,
          tpu.vector_store %arg6[%swap3A_526, %swap3A_527, %swap3A_528], %gather3A_485 {strides = array<i32>} : memref<2x128x128xf32, #tpu.memory_space<vmem>>, vector<16xf32>,
          %add3A_530 = arith.constant 3 : i32
          %add3A_531 = arith.addi %add3A_184, %add3A_530 : i32
          %swap3A_532 = arith.constant 1 : i32
          %swap3A_533 = arith.index_cast %swap3A_532 : i32 to index
          %swap3A_534 = arith.index_cast %add3A_531 : i32 to index
          %swap3A_535 = arith.constant 96 : index
          %swap3A_536 = tpu.vector_load %arg6[%swap3A_533, %swap3A_534, %swap3A_535] {strides = array<i32>} : memref<2x128x128xf32, #tpu.memory_space<vmem>>, vector<16xf32>,
          tpu.vector_store %arg6[%swap3A_533, %swap3A_534, %swap3A_535], %gather3A_485 {strides = array<i32>} : memref<2x128x128xf32, #tpu.memory_space<vmem>>, vector<16xf32>,
          %add3A_537 = arith.constant 3 : i32
          %add3A_538 = arith.addi %add3A_184, %add3A_537 : i32
          %swap3A_539 = arith.constant 1 : i32
          %swap3A_540 = arith.index_cast %swap3A_539 : i32 to index
          %swap3A_541 = arith.index_cast %add3A_538 : i32 to index
          %swap3A_542 = arith.constant 48 : index
          %swap3A_543 = tpu.vector_load %arg6[%swap3A_540, %swap3A_541, %swap3A_542] {strides = array<i32>} : memref<2x128x128xf32, #tpu.memory_space<vmem>>, vector<16xf32>,
          tpu.vector_store %arg6[%swap3A_540, %swap3A_541, %swap3A_542], %gather3A_494 {strides = array<i32>} : memref<2x128x128xf32, #tpu.memory_space<vmem>>, vector<16xf32>,
          %add3A_544 = arith.constant 3 : i32
          %add3A_545 = arith.addi %add3A_184, %add3A_544 : i32
          %swap3A_546 = arith.constant 1 : i32
          %swap3A_547 = arith.index_cast %swap3A_546 : i32 to index
          %swap3A_548 = arith.index_cast %add3A_545 : i32 to index
          %swap3A_549 = arith.constant 112 : index
          %swap3A_550 = tpu.vector_load %arg6[%swap3A_547, %swap3A_548, %swap3A_549] {strides = array<i32>} : memref<2x128x128xf32, #tpu.memory_space<vmem>>, vector<16xf32>,
          tpu.vector_store %arg6[%swap3A_547, %swap3A_548, %swap3A_549], %gather3A_494 {strides = array<i32>} : memref<2x128x128xf32, #tpu.memory_space<vmem>>, vector<16xf32>,
          %add3A_551 = arith.constant 4 : i32
          %add3A_552 = vector.broadcast %add3A_551 : i32 to vector<16xi32>
          %add3A_553 = arith.addi %broadcast_in_dim3A, %add3A_552 : vector<16xi32>
          %gather3A_554 = arith.constant 1 : i32
          %gather3A_555 = arith.constant 0 : i32
          %gather3A_556 = arith.constant 0 : i32
          %gather3A_557 = tpu.memref_slice %arg5[%gather3A_554, %gather3A_555, %gather3A_556] : memref<2x64x128xf32, #tpu.memory_space<vmem>> -> memref<1x64x128xf32, #tpu.memory_space<vmem>>
          %gather3A_558 = tpu.memref_squeeze %gather3A_557 : memref<1x64x128xf32, #tpu.memory_space<vmem>> -> memref<64x128xf32, #tpu.memory_space<vmem>>
          %gather3A_559 = tpu.vector_load_idx %gather3A_558[%add3A_136, %add3A_553] : memref<64x128xf32, #tpu.memory_space<vmem>>[vector<16xi32>, vector<16xi32>], vector<16xf32>,
          %add3A_560 = arith.constant 4 : i32
          %add3A_561 = vector.broadcast %add3A_560 : i32 to vector<16xi32>
          %add3A_562 = arith.addi %broadcast_in_dim3A, %add3A_561 : vector<16xi32>
          %gather3A_563 = arith.constant 1 : i32
          %gather3A_564 = arith.constant 0 : i32
          %gather3A_565 = arith.constant 0 : i32
          %gather3A_566 = tpu.memref_slice %arg5[%gather3A_563, %gather3A_564, %gather3A_565] : memref<2x64x128xf32, #tpu.memory_space<vmem>> -> memref<1x64x128xf32, #tpu.memory_space<vmem>>
          %gather3A_567 = tpu.memref_squeeze %gather3A_566 : memref<1x64x128xf32, #tpu.memory_space<vmem>> -> memref<64x128xf32, #tpu.memory_space<vmem>>
          %gather3A_568 = tpu.vector_load_idx %gather3A_567[%add3A_140, %add3A_562] : memref<64x128xf32, #tpu.memory_space<vmem>>[vector<16xi32>, vector<16xi32>], vector<16xf32>,
          %add3A_569 = arith.constant 4 : i32
          %add3A_570 = vector.broadcast %add3A_569 : i32 to vector<16xi32>
          %add3A_571 = arith.addi %broadcast_in_dim3A, %add3A_570 : vector<16xi32>
          %gather3A_572 = arith.constant 1 : i32
          %gather3A_573 = arith.constant 0 : i32
          %gather3A_574 = arith.constant 0 : i32
          %gather3A_575 = tpu.memref_slice %arg5[%gather3A_572, %gather3A_573, %gather3A_574] : memref<2x64x128xf32, #tpu.memory_space<vmem>> -> memref<1x64x128xf32, #tpu.memory_space<vmem>>
          %gather3A_576 = tpu.memref_squeeze %gather3A_575 : memref<1x64x128xf32, #tpu.memory_space<vmem>> -> memref<64x128xf32, #tpu.memory_space<vmem>>
          %gather3A_577 = tpu.vector_load_idx %gather3A_576[%add3A_144, %add3A_571] : memref<64x128xf32, #tpu.memory_space<vmem>>[vector<16xi32>, vector<16xi32>], vector<16xf32>,
          %add3A_578 = arith.constant 4 : i32
          %add3A_579 = vector.broadcast %add3A_578 : i32 to vector<16xi32>
          %add3A_580 = arith.addi %broadcast_in_dim3A, %add3A_579 : vector<16xi32>
          %gather3A_581 = arith.constant 1 : i32
          %gather3A_582 = arith.constant 0 : i32
          %gather3A_583 = arith.constant 0 : i32
          %gather3A_584 = tpu.memref_slice %arg5[%gather3A_581, %gather3A_582, %gather3A_583] : memref<2x64x128xf32, #tpu.memory_space<vmem>> -> memref<1x64x128xf32, #tpu.memory_space<vmem>>
          %gather3A_585 = tpu.memref_squeeze %gather3A_584 : memref<1x64x128xf32, #tpu.memory_space<vmem>> -> memref<64x128xf32, #tpu.memory_space<vmem>>
          %gather3A_586 = tpu.vector_load_idx %gather3A_585[%add3A_148, %add3A_580] : memref<64x128xf32, #tpu.memory_space<vmem>>[vector<16xi32>, vector<16xi32>], vector<16xf32>,
          %add3A_587 = arith.constant 4 : i32
          %add3A_588 = arith.addi %add3A_184, %add3A_587 : i32
          %swap3A_589 = arith.constant 1 : i32
          %swap3A_590 = arith.index_cast %swap3A_589 : i32 to index
          %swap3A_591 = arith.index_cast %add3A_588 : i32 to index
          %swap3A_592 = arith.constant 0 : index
          %swap3A_593 = tpu.vector_load %arg6[%swap3A_590, %swap3A_591, %swap3A_592] {strides = array<i32>} : memref<2x128x128xf32, #tpu.memory_space<vmem>>, vector<16xf32>,
          tpu.vector_store %arg6[%swap3A_590, %swap3A_591, %swap3A_592], %gather3A_559 {strides = array<i32>} : memref<2x128x128xf32, #tpu.memory_space<vmem>>, vector<16xf32>,
          %add3A_594 = arith.constant 4 : i32
          %add3A_595 = arith.addi %add3A_184, %add3A_594 : i32
          %swap3A_596 = arith.constant 1 : i32
          %swap3A_597 = arith.index_cast %swap3A_596 : i32 to index
          %swap3A_598 = arith.index_cast %add3A_595 : i32 to index
          %swap3A_599 = arith.constant 64 : index
          %swap3A_600 = tpu.vector_load %arg6[%swap3A_597, %swap3A_598, %swap3A_599] {strides = array<i32>} : memref<2x128x128xf32, #tpu.memory_space<vmem>>, vector<16xf32>,
          tpu.vector_store %arg6[%swap3A_597, %swap3A_598, %swap3A_599], %gather3A_559 {strides = array<i32>} : memref<2x128x128xf32, #tpu.memory_space<vmem>>, vector<16xf32>,
          %add3A_601 = arith.constant 4 : i32
          %add3A_602 = arith.addi %add3A_184, %add3A_601 : i32
          %swap3A_603 = arith.constant 1 : i32
          %swap3A_604 = arith.index_cast %swap3A_603 : i32 to index
          %swap3A_605 = arith.index_cast %add3A_602 : i32 to index
          %swap3A_606 = arith.constant 16 : index
          %swap3A_607 = tpu.vector_load %arg6[%swap3A_604, %swap3A_605, %swap3A_606] {strides = array<i32>} : memref<2x128x128xf32, #tpu.memory_space<vmem>>, vector<16xf32>,
          tpu.vector_store %arg6[%swap3A_604, %swap3A_605, %swap3A_606], %gather3A_568 {strides = array<i32>} : memref<2x128x128xf32, #tpu.memory_space<vmem>>, vector<16xf32>,
          %add3A_608 = arith.constant 4 : i32
          %add3A_609 = arith.addi %add3A_184, %add3A_608 : i32
          %swap3A_610 = arith.constant 1 : i32
          %swap3A_611 = arith.index_cast %swap3A_610 : i32 to index
          %swap3A_612 = arith.index_cast %add3A_609 : i32 to index
          %swap3A_613 = arith.constant 80 : index
          %swap3A_614 = tpu.vector_load %arg6[%swap3A_611, %swap3A_612, %swap3A_613] {strides = array<i32>} : memref<2x128x128xf32, #tpu.memory_space<vmem>>, vector<16xf32>,
          tpu.vector_store %arg6[%swap3A_611, %swap3A_612, %swap3A_613], %gather3A_568 {strides = array<i32>} : memref<2x128x128xf32, #tpu.memory_space<vmem>>, vector<16xf32>,
          %add3A_615 = arith.constant 4 : i32
          %add3A_616 = arith.addi %add3A_184, %add3A_615 : i32
          %swap3A_617 = arith.constant 1 : i32
          %swap3A_618 = arith.index_cast %swap3A_617 : i32 to index
          %swap3A_619 = arith.index_cast %add3A_616 : i32 to index
          %swap3A_620 = arith.constant 32 : index
          %swap3A_621 = tpu.vector_load %arg6[%swap3A_618, %swap3A_619, %swap3A_620] {strides = array<i32>} : memref<2x128x128xf32, #tpu.memory_space<vmem>>, vector<16xf32>,
          tpu.vector_store %arg6[%swap3A_618, %swap3A_619, %swap3A_620], %gather3A_577 {strides = array<i32>} : memref<2x128x128xf32, #tpu.memory_space<vmem>>, vector<16xf32>,
          %add3A_622 = arith.constant 4 : i32
          %add3A_623 = arith.addi %add3A_184, %add3A_622 : i32
          %swap3A_624 = arith.constant 1 : i32
          %swap3A_625 = arith.index_cast %swap3A_624 : i32 to index
          %swap3A_626 = arith.index_cast %add3A_623 : i32 to index
          %swap3A_627 = arith.constant 96 : index
          %swap3A_628 = tpu.vector_load %arg6[%swap3A_625, %swap3A_626, %swap3A_627] {strides = array<i32>} : memref<2x128x128xf32, #tpu.memory_space<vmem>>, vector<16xf32>,
          tpu.vector_store %arg6[%swap3A_625, %swap3A_626, %swap3A_627], %gather3A_577 {strides = array<i32>} : memref<2x128x128xf32, #tpu.memory_space<vmem>>, vector<16xf32>,
          %add3A_629 = arith.constant 4 : i32
          %add3A_630 = arith.addi %add3A_184, %add3A_629 : i32
          %swap3A_631 = arith.constant 1 : i32
          %swap3A_632 = arith.index_cast %swap3A_631 : i32 to index
          %swap3A_633 = arith.index_cast %add3A_630 : i32 to index
          %swap3A_634 = arith.constant 48 : index
          %swap3A_635 = tpu.vector_load %arg6[%swap3A_632, %swap3A_633, %swap3A_634] {strides = array<i32>} : memref<2x128x128xf32, #tpu.memory_space<vmem>>, vector<16xf32>,
          tpu.vector_store %arg6[%swap3A_632, %swap3A_633, %swap3A_634], %gather3A_586 {strides = array<i32>} : memref<2x128x128xf32, #tpu.memory_space<vmem>>, vector<16xf32>,
          %add3A_636 = arith.constant 4 : i32
          %add3A_637 = arith.addi %add3A_184, %add3A_636 : i32
          %swap3A_638 = arith.constant 1 : i32
          %swap3A_639 = arith.index_cast %swap3A_638 : i32 to index
          %swap3A_640 = arith.index_cast %add3A_637 : i32 to index
          %swap3A_641 = arith.constant 112 : index
          %swap3A_642 = tpu.vector_load %arg6[%swap3A_639, %swap3A_640, %swap3A_641] {strides = array<i32>} : memref<2x128x128xf32, #tpu.memory_space<vmem>>, vector<16xf32>,
          tpu.vector_store %arg6[%swap3A_639, %swap3A_640, %swap3A_641], %gather3A_586 {strides = array<i32>} : memref<2x128x128xf32, #tpu.memory_space<vmem>>, vector<16xf32>,
          %add3A_643 = arith.constant 5 : i32
          %add3A_644 = vector.broadcast %add3A_643 : i32 to vector<16xi32>
          %add3A_645 = arith.addi %broadcast_in_dim3A, %add3A_644 : vector<16xi32>
          %gather3A_646 = arith.constant 1 : i32
          %gather3A_647 = arith.constant 0 : i32
          %gather3A_648 = arith.constant 0 : i32
          %gather3A_649 = tpu.memref_slice %arg5[%gather3A_646, %gather3A_647, %gather3A_648] : memref<2x64x128xf32, #tpu.memory_space<vmem>> -> memref<1x64x128xf32, #tpu.memory_space<vmem>>
          %gather3A_650 = tpu.memref_squeeze %gather3A_649 : memref<1x64x128xf32, #tpu.memory_space<vmem>> -> memref<64x128xf32, #tpu.memory_space<vmem>>
          %gather3A_651 = tpu.vector_load_idx %gather3A_650[%add3A_136, %add3A_645] : memref<64x128xf32, #tpu.memory_space<vmem>>[vector<16xi32>, vector<16xi32>], vector<16xf32>,
          %add3A_652 = arith.constant 5 : i32
          %add3A_653 = vector.broadcast %add3A_652 : i32 to vector<16xi32>
          %add3A_654 = arith.addi %broadcast_in_dim3A, %add3A_653 : vector<16xi32>
          %gather3A_655 = arith.constant 1 : i32
          %gather3A_656 = arith.constant 0 : i32
          %gather3A_657 = arith.constant 0 : i32
          %gather3A_658 = tpu.memref_slice %arg5[%gather3A_655, %gather3A_656, %gather3A_657] : memref<2x64x128xf32, #tpu.memory_space<vmem>> -> memref<1x64x128xf32, #tpu.memory_space<vmem>>
          %gather3A_659 = tpu.memref_squeeze %gather3A_658 : memref<1x64x128xf32, #tpu.memory_space<vmem>> -> memref<64x128xf32, #tpu.memory_space<vmem>>
          %gather3A_660 = tpu.vector_load_idx %gather3A_659[%add3A_140, %add3A_654] : memref<64x128xf32, #tpu.memory_space<vmem>>[vector<16xi32>, vector<16xi32>], vector<16xf32>,
          %add3A_661 = arith.constant 5 : i32
          %add3A_662 = vector.broadcast %add3A_661 : i32 to vector<16xi32>
          %add3A_663 = arith.addi %broadcast_in_dim3A, %add3A_662 : vector<16xi32>
          %gather3A_664 = arith.constant 1 : i32
          %gather3A_665 = arith.constant 0 : i32
          %gather3A_666 = arith.constant 0 : i32
          %gather3A_667 = tpu.memref_slice %arg5[%gather3A_664, %gather3A_665, %gather3A_666] : memref<2x64x128xf32, #tpu.memory_space<vmem>> -> memref<1x64x128xf32, #tpu.memory_space<vmem>>
          %gather3A_668 = tpu.memref_squeeze %gather3A_667 : memref<1x64x128xf32, #tpu.memory_space<vmem>> -> memref<64x128xf32, #tpu.memory_space<vmem>>
          %gather3A_669 = tpu.vector_load_idx %gather3A_668[%add3A_144, %add3A_663] : memref<64x128xf32, #tpu.memory_space<vmem>>[vector<16xi32>, vector<16xi32>], vector<16xf32>,
          %add3A_670 = arith.constant 5 : i32
          %add3A_671 = vector.broadcast %add3A_670 : i32 to vector<16xi32>
          %add3A_672 = arith.addi %broadcast_in_dim3A, %add3A_671 : vector<16xi32>
          %gather3A_673 = arith.constant 1 : i32
          %gather3A_674 = arith.constant 0 : i32
          %gather3A_675 = arith.constant 0 : i32
          %gather3A_676 = tpu.memref_slice %arg5[%gather3A_673, %gather3A_674, %gather3A_675] : memref<2x64x128xf32, #tpu.memory_space<vmem>> -> memref<1x64x128xf32, #tpu.memory_space<vmem>>
          %gather3A_677 = tpu.memref_squeeze %gather3A_676 : memref<1x64x128xf32, #tpu.memory_space<vmem>> -> memref<64x128xf32, #tpu.memory_space<vmem>>
          %gather3A_678 = tpu.vector_load_idx %gather3A_677[%add3A_148, %add3A_672] : memref<64x128xf32, #tpu.memory_space<vmem>>[vector<16xi32>, vector<16xi32>], vector<16xf32>,
          %add3A_679 = arith.constant 5 : i32
          %add3A_680 = arith.addi %add3A_184, %add3A_679 : i32
          %swap3A_681 = arith.constant 1 : i32
          %swap3A_682 = arith.index_cast %swap3A_681 : i32 to index
          %swap3A_683 = arith.index_cast %add3A_680 : i32 to index
          %swap3A_684 = arith.constant 0 : index
          %swap3A_685 = tpu.vector_load %arg6[%swap3A_682, %swap3A_683, %swap3A_684] {strides = array<i32>} : memref<2x128x128xf32, #tpu.memory_space<vmem>>, vector<16xf32>,
          tpu.vector_store %arg6[%swap3A_682, %swap3A_683, %swap3A_684], %gather3A_651 {strides = array<i32>} : memref<2x128x128xf32, #tpu.memory_space<vmem>>, vector<16xf32>,
          %add3A_686 = arith.constant 5 : i32
          %add3A_687 = arith.addi %add3A_184, %add3A_686 : i32
          %swap3A_688 = arith.constant 1 : i32
          %swap3A_689 = arith.index_cast %swap3A_688 : i32 to index
          %swap3A_690 = arith.index_cast %add3A_687 : i32 to index
          %swap3A_691 = arith.constant 64 : index
          %swap3A_692 = tpu.vector_load %arg6[%swap3A_689, %swap3A_690, %swap3A_691] {strides = array<i32>} : memref<2x128x128xf32, #tpu.memory_space<vmem>>, vector<16xf32>,
          tpu.vector_store %arg6[%swap3A_689, %swap3A_690, %swap3A_691], %gather3A_651 {strides = array<i32>} : memref<2x128x128xf32, #tpu.memory_space<vmem>>, vector<16xf32>,
          %add3A_693 = arith.constant 5 : i32
          %add3A_694 = arith.addi %add3A_184, %add3A_693 : i32
          %swap3A_695 = arith.constant 1 : i32
          %swap3A_696 = arith.index_cast %swap3A_695 : i32 to index
          %swap3A_697 = arith.index_cast %add3A_694 : i32 to index
          %swap3A_698 = arith.constant 16 : index
          %swap3A_699 = tpu.vector_load %arg6[%swap3A_696, %swap3A_697, %swap3A_698] {strides = array<i32>} : memref<2x128x128xf32, #tpu.memory_space<vmem>>, vector<16xf32>,
          tpu.vector_store %arg6[%swap3A_696, %swap3A_697, %swap3A_698], %gather3A_660 {strides = array<i32>} : memref<2x128x128xf32, #tpu.memory_space<vmem>>, vector<16xf32>,
          %add3A_700 = arith.constant 5 : i32
          %add3A_701 = arith.addi %add3A_184, %add3A_700 : i32
          %swap3A_702 = arith.constant 1 : i32
          %swap3A_703 = arith.index_cast %swap3A_702 : i32 to index
          %swap3A_704 = arith.index_cast %add3A_701 : i32 to index
          %swap3A_705 = arith.constant 80 : index
          %swap3A_706 = tpu.vector_load %arg6[%swap3A_703, %swap3A_704, %swap3A_705] {strides = array<i32>} : memref<2x128x128xf32, #tpu.memory_space<vmem>>, vector<16xf32>,
          tpu.vector_store %arg6[%swap3A_703, %swap3A_704, %swap3A_705], %gather3A_660 {strides = array<i32>} : memref<2x128x128xf32, #tpu.memory_space<vmem>>, vector<16xf32>,
          %add3A_707 = arith.constant 5 : i32
          %add3A_708 = arith.addi %add3A_184, %add3A_707 : i32
          %swap3A_709 = arith.constant 1 : i32
          %swap3A_710 = arith.index_cast %swap3A_709 : i32 to index
          %swap3A_711 = arith.index_cast %add3A_708 : i32 to index
          %swap3A_712 = arith.constant 32 : index
          %swap3A_713 = tpu.vector_load %arg6[%swap3A_710, %swap3A_711, %swap3A_712] {strides = array<i32>} : memref<2x128x128xf32, #tpu.memory_space<vmem>>, vector<16xf32>,
          tpu.vector_store %arg6[%swap3A_710, %swap3A_711, %swap3A_712], %gather3A_669 {strides = array<i32>} : memref<2x128x128xf32, #tpu.memory_space<vmem>>, vector<16xf32>,
          %add3A_714 = arith.constant 5 : i32
          %add3A_715 = arith.addi %add3A_184, %add3A_714 : i32
          %swap3A_716 = arith.constant 1 : i32
          %swap3A_717 = arith.index_cast %swap3A_716 : i32 to index
          %swap3A_718 = arith.index_cast %add3A_715 : i32 to index
          %swap3A_719 = arith.constant 96 : index
          %swap3A_720 = tpu.vector_load %arg6[%swap3A_717, %swap3A_718, %swap3A_719] {strides = array<i32>} : memref<2x128x128xf32, #tpu.memory_space<vmem>>, vector<16xf32>,
          tpu.vector_store %arg6[%swap3A_717, %swap3A_718, %swap3A_719], %gather3A_669 {strides = array<i32>} : memref<2x128x128xf32, #tpu.memory_space<vmem>>, vector<16xf32>,
          %add3A_721 = arith.constant 5 : i32
          %add3A_722 = arith.addi %add3A_184, %add3A_721 : i32
          %swap3A_723 = arith.constant 1 : i32
          %swap3A_724 = arith.index_cast %swap3A_723 : i32 to index
          %swap3A_725 = arith.index_cast %add3A_722 : i32 to index
          %swap3A_726 = arith.constant 48 : index
          %swap3A_727 = tpu.vector_load %arg6[%swap3A_724, %swap3A_725, %swap3A_726] {strides = array<i32>} : memref<2x128x128xf32, #tpu.memory_space<vmem>>, vector<16xf32>,
          tpu.vector_store %arg6[%swap3A_724, %swap3A_725, %swap3A_726], %gather3A_678 {strides = array<i32>} : memref<2x128x128xf32, #tpu.memory_space<vmem>>, vector<16xf32>,
          %add3A_728 = arith.constant 5 : i32
          %add3A_729 = arith.addi %add3A_184, %add3A_728 : i32
          %swap3A_730 = arith.constant 1 : i32
          %swap3A_731 = arith.index_cast %swap3A_730 : i32 to index
          %swap3A_732 = arith.index_cast %add3A_729 : i32 to index
          %swap3A_733 = arith.constant 112 : index
          %swap3A_734 = tpu.vector_load %arg6[%swap3A_731, %swap3A_732, %swap3A_733] {strides = array<i32>} : memref<2x128x128xf32, #tpu.memory_space<vmem>>, vector<16xf32>,
          tpu.vector_store %arg6[%swap3A_731, %swap3A_732, %swap3A_733], %gather3A_678 {strides = array<i32>} : memref<2x128x128xf32, #tpu.memory_space<vmem>>, vector<16xf32>,
          %add3A_735 = arith.constant 6 : i32
          %add3A_736 = vector.broadcast %add3A_735 : i32 to vector<16xi32>
          %add3A_737 = arith.addi %broadcast_in_dim3A, %add3A_736 : vector<16xi32>
          %gather3A_738 = arith.constant 1 : i32
          %gather3A_739 = arith.constant 0 : i32
          %gather3A_740 = arith.constant 0 : i32
          %gather3A_741 = tpu.memref_slice %arg5[%gather3A_738, %gather3A_739, %gather3A_740] : memref<2x64x128xf32, #tpu.memory_space<vmem>> -> memref<1x64x128xf32, #tpu.memory_space<vmem>>
          %gather3A_742 = tpu.memref_squeeze %gather3A_741 : memref<1x64x128xf32, #tpu.memory_space<vmem>> -> memref<64x128xf32, #tpu.memory_space<vmem>>
          %gather3A_743 = tpu.vector_load_idx %gather3A_742[%add3A_136, %add3A_737] : memref<64x128xf32, #tpu.memory_space<vmem>>[vector<16xi32>, vector<16xi32>], vector<16xf32>,
          %add3A_744 = arith.constant 6 : i32
          %add3A_745 = vector.broadcast %add3A_744 : i32 to vector<16xi32>
          %add3A_746 = arith.addi %broadcast_in_dim3A, %add3A_745 : vector<16xi32>
          %gather3A_747 = arith.constant 1 : i32
          %gather3A_748 = arith.constant 0 : i32
          %gather3A_749 = arith.constant 0 : i32
          %gather3A_750 = tpu.memref_slice %arg5[%gather3A_747, %gather3A_748, %gather3A_749] : memref<2x64x128xf32, #tpu.memory_space<vmem>> -> memref<1x64x128xf32, #tpu.memory_space<vmem>>
          %gather3A_751 = tpu.memref_squeeze %gather3A_750 : memref<1x64x128xf32, #tpu.memory_space<vmem>> -> memref<64x128xf32, #tpu.memory_space<vmem>>
          %gather3A_752 = tpu.vector_load_idx %gather3A_751[%add3A_140, %add3A_746] : memref<64x128xf32, #tpu.memory_space<vmem>>[vector<16xi32>, vector<16xi32>], vector<16xf32>,
          %add3A_753 = arith.constant 6 : i32
          %add3A_754 = vector.broadcast %add3A_753 : i32 to vector<16xi32>
          %add3A_755 = arith.addi %broadcast_in_dim3A, %add3A_754 : vector<16xi32>
          %gather3A_756 = arith.constant 1 : i32
          %gather3A_757 = arith.constant 0 : i32
          %gather3A_758 = arith.constant 0 : i32
          %gather3A_759 = tpu.memref_slice %arg5[%gather3A_756, %gather3A_757, %gather3A_758] : memref<2x64x128xf32, #tpu.memory_space<vmem>> -> memref<1x64x128xf32, #tpu.memory_space<vmem>>
          %gather3A_760 = tpu.memref_squeeze %gather3A_759 : memref<1x64x128xf32, #tpu.memory_space<vmem>> -> memref<64x128xf32, #tpu.memory_space<vmem>>
          %gather3A_761 = tpu.vector_load_idx %gather3A_760[%add3A_144, %add3A_755] : memref<64x128xf32, #tpu.memory_space<vmem>>[vector<16xi32>, vector<16xi32>], vector<16xf32>,
          %add3A_762 = arith.constant 6 : i32
          %add3A_763 = vector.broadcast %add3A_762 : i32 to vector<16xi32>
          %add3A_764 = arith.addi %broadcast_in_dim3A, %add3A_763 : vector<16xi32>
          %gather3A_765 = arith.constant 1 : i32
          %gather3A_766 = arith.constant 0 : i32
          %gather3A_767 = arith.constant 0 : i32
          %gather3A_768 = tpu.memref_slice %arg5[%gather3A_765, %gather3A_766, %gather3A_767] : memref<2x64x128xf32, #tpu.memory_space<vmem>> -> memref<1x64x128xf32, #tpu.memory_space<vmem>>
          %gather3A_769 = tpu.memref_squeeze %gather3A_768 : memref<1x64x128xf32, #tpu.memory_space<vmem>> -> memref<64x128xf32, #tpu.memory_space<vmem>>
          %gather3A_770 = tpu.vector_load_idx %gather3A_769[%add3A_148, %add3A_764] : memref<64x128xf32, #tpu.memory_space<vmem>>[vector<16xi32>, vector<16xi32>], vector<16xf32>,
          %add3A_771 = arith.constant 6 : i32
          %add3A_772 = arith.addi %add3A_184, %add3A_771 : i32
          %swap3A_773 = arith.constant 1 : i32
          %swap3A_774 = arith.index_cast %swap3A_773 : i32 to index
          %swap3A_775 = arith.index_cast %add3A_772 : i32 to index
          %swap3A_776 = arith.constant 0 : index
          %swap3A_777 = tpu.vector_load %arg6[%swap3A_774, %swap3A_775, %swap3A_776] {strides = array<i32>} : memref<2x128x128xf32, #tpu.memory_space<vmem>>, vector<16xf32>,
          tpu.vector_store %arg6[%swap3A_774, %swap3A_775, %swap3A_776], %gather3A_743 {strides = array<i32>} : memref<2x128x128xf32, #tpu.memory_space<vmem>>, vector<16xf32>,
          %add3A_778 = arith.constant 6 : i32
          %add3A_779 = arith.addi %add3A_184, %add3A_778 : i32
          %swap3A_780 = arith.constant 1 : i32
          %swap3A_781 = arith.index_cast %swap3A_780 : i32 to index
          %swap3A_782 = arith.index_cast %add3A_779 : i32 to index
          %swap3A_783 = arith.constant 64 : index
          %swap3A_784 = tpu.vector_load %arg6[%swap3A_781, %swap3A_782, %swap3A_783] {strides = array<i32>} : memref<2x128x128xf32, #tpu.memory_space<vmem>>, vector<16xf32>,
          tpu.vector_store %arg6[%swap3A_781, %swap3A_782, %swap3A_783], %gather3A_743 {strides = array<i32>} : memref<2x128x128xf32, #tpu.memory_space<vmem>>, vector<16xf32>,
          %add3A_785 = arith.constant 6 : i32
          %add3A_786 = arith.addi %add3A_184, %add3A_785 : i32
          %swap3A_787 = arith.constant 1 : i32
          %swap3A_788 = arith.index_cast %swap3A_787 : i32 to index
          %swap3A_789 = arith.index_cast %add3A_786 : i32 to index
          %swap3A_790 = arith.constant 16 : index
          %swap3A_791 = tpu.vector_load %arg6[%swap3A_788, %swap3A_789, %swap3A_790] {strides = array<i32>} : memref<2x128x128xf32, #tpu.memory_space<vmem>>, vector<16xf32>,
          tpu.vector_store %arg6[%swap3A_788, %swap3A_789, %swap3A_790], %gather3A_752 {strides = array<i32>} : memref<2x128x128xf32, #tpu.memory_space<vmem>>, vector<16xf32>,
          %add3A_792 = arith.constant 6 : i32
          %add3A_793 = arith.addi %add3A_184, %add3A_792 : i32
          %swap3A_794 = arith.constant 1 : i32
          %swap3A_795 = arith.index_cast %swap3A_794 : i32 to index
          %swap3A_796 = arith.index_cast %add3A_793 : i32 to index
          %swap3A_797 = arith.constant 80 : index
          %swap3A_798 = tpu.vector_load %arg6[%swap3A_795, %swap3A_796, %swap3A_797] {strides = array<i32>} : memref<2x128x128xf32, #tpu.memory_space<vmem>>, vector<16xf32>,
          tpu.vector_store %arg6[%swap3A_795, %swap3A_796, %swap3A_797], %gather3A_752 {strides = array<i32>} : memref<2x128x128xf32, #tpu.memory_space<vmem>>, vector<16xf32>,
          %add3A_799 = arith.constant 6 : i32
          %add3A_800 = arith.addi %add3A_184, %add3A_799 : i32
          %swap3A_801 = arith.constant 1 : i32
          %swap3A_802 = arith.index_cast %swap3A_801 : i32 to index
          %swap3A_803 = arith.index_cast %add3A_800 : i32 to index
          %swap3A_804 = arith.constant 32 : index
          %swap3A_805 = tpu.vector_load %arg6[%swap3A_802, %swap3A_803, %swap3A_804] {strides = array<i32>} : memref<2x128x128xf32, #tpu.memory_space<vmem>>, vector<16xf32>,
          tpu.vector_store %arg6[%swap3A_802, %swap3A_803, %swap3A_804], %gather3A_761 {strides = array<i32>} : memref<2x128x128xf32, #tpu.memory_space<vmem>>, vector<16xf32>,
          %add3A_806 = arith.constant 6 : i32
          %add3A_807 = arith.addi %add3A_184, %add3A_806 : i32
          %swap3A_808 = arith.constant 1 : i32
          %swap3A_809 = arith.index_cast %swap3A_808 : i32 to index
          %swap3A_810 = arith.index_cast %add3A_807 : i32 to index
          %swap3A_811 = arith.constant 96 : index
          %swap3A_812 = tpu.vector_load %arg6[%swap3A_809, %swap3A_810, %swap3A_811] {strides = array<i32>} : memref<2x128x128xf32, #tpu.memory_space<vmem>>, vector<16xf32>,
          tpu.vector_store %arg6[%swap3A_809, %swap3A_810, %swap3A_811], %gather3A_761 {strides = array<i32>} : memref<2x128x128xf32, #tpu.memory_space<vmem>>, vector<16xf32>,
          %add3A_813 = arith.constant 6 : i32
          %add3A_814 = arith.addi %add3A_184, %add3A_813 : i32
          %swap3A_815 = arith.constant 1 : i32
          %swap3A_816 = arith.index_cast %swap3A_815 : i32 to index
          %swap3A_817 = arith.index_cast %add3A_814 : i32 to index
          %swap3A_818 = arith.constant 48 : index
          %swap3A_819 = tpu.vector_load %arg6[%swap3A_816, %swap3A_817, %swap3A_818] {strides = array<i32>} : memref<2x128x128xf32, #tpu.memory_space<vmem>>, vector<16xf32>,
          tpu.vector_store %arg6[%swap3A_816, %swap3A_817, %swap3A_818], %gather3A_770 {strides = array<i32>} : memref<2x128x128xf32, #tpu.memory_space<vmem>>, vector<16xf32>,
          %add3A_820 = arith.constant 6 : i32
          %add3A_821 = arith.addi %add3A_184, %add3A_820 : i32
          %swap3A_822 = arith.constant 1 : i32
          %swap3A_823 = arith.index_cast %swap3A_822 : i32 to index
          %swap3A_824 = arith.index_cast %add3A_821 : i32 to index
          %swap3A_825 = arith.constant 112 : index
          %swap3A_826 = tpu.vector_load %arg6[%swap3A_823, %swap3A_824, %swap3A_825] {strides = array<i32>} : memref<2x128x128xf32, #tpu.memory_space<vmem>>, vector<16xf32>,
          tpu.vector_store %arg6[%swap3A_823, %swap3A_824, %swap3A_825], %gather3A_770 {strides = array<i32>} : memref<2x128x128xf32, #tpu.memory_space<vmem>>, vector<16xf32>,
          %add3A_827 = arith.constant 7 : i32
          %add3A_828 = vector.broadcast %add3A_827 : i32 to vector<16xi32>
          %add3A_829 = arith.addi %broadcast_in_dim3A, %add3A_828 : vector<16xi32>
          %gather3A_830 = arith.constant 1 : i32
          %gather3A_831 = arith.constant 0 : i32
          %gather3A_832 = arith.constant 0 : i32
          %gather3A_833 = tpu.memref_slice %arg5[%gather3A_830, %gather3A_831, %gather3A_832] : memref<2x64x128xf32, #tpu.memory_space<vmem>> -> memref<1x64x128xf32, #tpu.memory_space<vmem>>
          %gather3A_834 = tpu.memref_squeeze %gather3A_833 : memref<1x64x128xf32, #tpu.memory_space<vmem>> -> memref<64x128xf32, #tpu.memory_space<vmem>>
          %gather3A_835 = tpu.vector_load_idx %gather3A_834[%add3A_136, %add3A_829] : memref<64x128xf32, #tpu.memory_space<vmem>>[vector<16xi32>, vector<16xi32>], vector<16xf32>,
          %add3A_836 = arith.constant 7 : i32
          %add3A_837 = vector.broadcast %add3A_836 : i32 to vector<16xi32>
          %add3A_838 = arith.addi %broadcast_in_dim3A, %add3A_837 : vector<16xi32>
          %gather3A_839 = arith.constant 1 : i32
          %gather3A_840 = arith.constant 0 : i32
          %gather3A_841 = arith.constant 0 : i32
          %gather3A_842 = tpu.memref_slice %arg5[%gather3A_839, %gather3A_840, %gather3A_841] : memref<2x64x128xf32, #tpu.memory_space<vmem>> -> memref<1x64x128xf32, #tpu.memory_space<vmem>>
          %gather3A_843 = tpu.memref_squeeze %gather3A_842 : memref<1x64x128xf32, #tpu.memory_space<vmem>> -> memref<64x128xf32, #tpu.memory_space<vmem>>
          %gather3A_844 = tpu.vector_load_idx %gather3A_843[%add3A_140, %add3A_838] : memref<64x128xf32, #tpu.memory_space<vmem>>[vector<16xi32>, vector<16xi32>], vector<16xf32>,
          %add3A_845 = arith.constant 7 : i32
          %add3A_846 = vector.broadcast %add3A_845 : i32 to vector<16xi32>
          %add3A_847 = arith.addi %broadcast_in_dim3A, %add3A_846 : vector<16xi32>
          %gather3A_848 = arith.constant 1 : i32
          %gather3A_849 = arith.constant 0 : i32
          %gather3A_850 = arith.constant 0 : i32
          %gather3A_851 = tpu.memref_slice %arg5[%gather3A_848, %gather3A_849, %gather3A_850] : memref<2x64x128xf32, #tpu.memory_space<vmem>> -> memref<1x64x128xf32, #tpu.memory_space<vmem>>
          %gather3A_852 = tpu.memref_squeeze %gather3A_851 : memref<1x64x128xf32, #tpu.memory_space<vmem>> -> memref<64x128xf32, #tpu.memory_space<vmem>>
          %gather3A_853 = tpu.vector_load_idx %gather3A_852[%add3A_144, %add3A_847] : memref<64x128xf32, #tpu.memory_space<vmem>>[vector<16xi32>, vector<16xi32>], vector<16xf32>,
          %add3A_854 = arith.constant 7 : i32
          %add3A_855 = vector.broadcast %add3A_854 : i32 to vector<16xi32>
          %add3A_856 = arith.addi %broadcast_in_dim3A, %add3A_855 : vector<16xi32>
          %gather3A_857 = arith.constant 1 : i32
          %gather3A_858 = arith.constant 0 : i32
          %gather3A_859 = arith.constant 0 : i32
          %gather3A_860 = tpu.memref_slice %arg5[%gather3A_857, %gather3A_858, %gather3A_859] : memref<2x64x128xf32, #tpu.memory_space<vmem>> -> memref<1x64x128xf32, #tpu.memory_space<vmem>>
          %gather3A_861 = tpu.memref_squeeze %gather3A_860 : memref<1x64x128xf32, #tpu.memory_space<vmem>> -> memref<64x128xf32, #tpu.memory_space<vmem>>
          %gather3A_862 = tpu.vector_load_idx %gather3A_861[%add3A_148, %add3A_856] : memref<64x128xf32, #tpu.memory_space<vmem>>[vector<16xi32>, vector<16xi32>], vector<16xf32>,
          %add3A_863 = arith.constant 7 : i32
          %add3A_864 = arith.addi %add3A_184, %add3A_863 : i32
          %swap3A_865 = arith.constant 1 : i32
          %swap3A_866 = arith.index_cast %swap3A_865 : i32 to index
          %swap3A_867 = arith.index_cast %add3A_864 : i32 to index
          %swap3A_868 = arith.constant 0 : index
          %swap3A_869 = tpu.vector_load %arg6[%swap3A_866, %swap3A_867, %swap3A_868] {strides = array<i32>} : memref<2x128x128xf32, #tpu.memory_space<vmem>>, vector<16xf32>,
          tpu.vector_store %arg6[%swap3A_866, %swap3A_867, %swap3A_868], %gather3A_835 {strides = array<i32>} : memref<2x128x128xf32, #tpu.memory_space<vmem>>, vector<16xf32>,
          %add3A_870 = arith.constant 7 : i32
          %add3A_871 = arith.addi %add3A_184, %add3A_870 : i32
          %swap3A_872 = arith.constant 1 : i32
          %swap3A_873 = arith.index_cast %swap3A_872 : i32 to index
          %swap3A_874 = arith.index_cast %add3A_871 : i32 to index
          %swap3A_875 = arith.constant 64 : index
          %swap3A_876 = tpu.vector_load %arg6[%swap3A_873, %swap3A_874, %swap3A_875] {strides = array<i32>} : memref<2x128x128xf32, #tpu.memory_space<vmem>>, vector<16xf32>,
          tpu.vector_store %arg6[%swap3A_873, %swap3A_874, %swap3A_875], %gather3A_835 {strides = array<i32>} : memref<2x128x128xf32, #tpu.memory_space<vmem>>, vector<16xf32>,
          %add3A_877 = arith.constant 7 : i32
          %add3A_878 = arith.addi %add3A_184, %add3A_877 : i32
          %swap3A_879 = arith.constant 1 : i32
          %swap3A_880 = arith.index_cast %swap3A_879 : i32 to index
          %swap3A_881 = arith.index_cast %add3A_878 : i32 to index
          %swap3A_882 = arith.constant 16 : index
          %swap3A_883 = tpu.vector_load %arg6[%swap3A_880, %swap3A_881, %swap3A_882] {strides = array<i32>} : memref<2x128x128xf32, #tpu.memory_space<vmem>>, vector<16xf32>,
          tpu.vector_store %arg6[%swap3A_880, %swap3A_881, %swap3A_882], %gather3A_844 {strides = array<i32>} : memref<2x128x128xf32, #tpu.memory_space<vmem>>, vector<16xf32>,
          %add3A_884 = arith.constant 7 : i32
          %add3A_885 = arith.addi %add3A_184, %add3A_884 : i32
          %swap3A_886 = arith.constant 1 : i32
          %swap3A_887 = arith.index_cast %swap3A_886 : i32 to index
          %swap3A_888 = arith.index_cast %add3A_885 : i32 to index
          %swap3A_889 = arith.constant 80 : index
          %swap3A_890 = tpu.vector_load %arg6[%swap3A_887, %swap3A_888, %swap3A_889] {strides = array<i32>} : memref<2x128x128xf32, #tpu.memory_space<vmem>>, vector<16xf32>,
          tpu.vector_store %arg6[%swap3A_887, %swap3A_888, %swap3A_889], %gather3A_844 {strides = array<i32>} : memref<2x128x128xf32, #tpu.memory_space<vmem>>, vector<16xf32>,
          %add3A_891 = arith.constant 7 : i32
          %add3A_892 = arith.addi %add3A_184, %add3A_891 : i32
          %swap3A_893 = arith.constant 1 : i32
          %swap3A_894 = arith.index_cast %swap3A_893 : i32 to index
          %swap3A_895 = arith.index_cast %add3A_892 : i32 to index
          %swap3A_896 = arith.constant 32 : index
          %swap3A_897 = tpu.vector_load %arg6[%swap3A_894, %swap3A_895, %swap3A_896] {strides = array<i32>} : memref<2x128x128xf32, #tpu.memory_space<vmem>>, vector<16xf32>,
          tpu.vector_store %arg6[%swap3A_894, %swap3A_895, %swap3A_896], %gather3A_853 {strides = array<i32>} : memref<2x128x128xf32, #tpu.memory_space<vmem>>, vector<16xf32>,
          %add3A_898 = arith.constant 7 : i32
          %add3A_899 = arith.addi %add3A_184, %add3A_898 : i32
          %swap3A_900 = arith.constant 1 : i32
          %swap3A_901 = arith.index_cast %swap3A_900 : i32 to index
          %swap3A_902 = arith.index_cast %add3A_899 : i32 to index
          %swap3A_903 = arith.constant 96 : index
          %swap3A_904 = tpu.vector_load %arg6[%swap3A_901, %swap3A_902, %swap3A_903] {strides = array<i32>} : memref<2x128x128xf32, #tpu.memory_space<vmem>>, vector<16xf32>,
          tpu.vector_store %arg6[%swap3A_901, %swap3A_902, %swap3A_903], %gather3A_853 {strides = array<i32>} : memref<2x128x128xf32, #tpu.memory_space<vmem>>, vector<16xf32>,
          %add3A_905 = arith.constant 7 : i32
          %add3A_906 = arith.addi %add3A_184, %add3A_905 : i32
          %swap3A_907 = arith.constant 1 : i32
          %swap3A_908 = arith.index_cast %swap3A_907 : i32 to index
          %swap3A_909 = arith.index_cast %add3A_906 : i32 to index
          %swap3A_910 = arith.constant 48 : index
          %swap3A_911 = tpu.vector_load %arg6[%swap3A_908, %swap3A_909, %swap3A_910] {strides = array<i32>} : memref<2x128x128xf32, #tpu.memory_space<vmem>>, vector<16xf32>,
          tpu.vector_store %arg6[%swap3A_908, %swap3A_909, %swap3A_910], %gather3A_862 {strides = array<i32>} : memref<2x128x128xf32, #tpu.memory_space<vmem>>, vector<16xf32>,
          %add3A_912 = arith.constant 7 : i32
          %add3A_913 = arith.addi %add3A_184, %add3A_912 : i32
          %swap3A_914 = arith.constant 1 : i32
          %swap3A_915 = arith.index_cast %swap3A_914 : i32 to index
          %swap3A_916 = arith.index_cast %add3A_913 : i32 to index
          %swap3A_917 = arith.constant 112 : index
          %swap3A_918 = tpu.vector_load %arg6[%swap3A_915, %swap3A_916, %swap3A_917] {strides = array<i32>} : memref<2x128x128xf32, #tpu.memory_space<vmem>>, vector<16xf32>,
          tpu.vector_store %arg6[%swap3A_915, %swap3A_916, %swap3A_917], %gather3A_862 {strides = array<i32>} : memref<2x128x128xf32, #tpu.memory_space<vmem>>, vector<16xf32>,
        }
        %scan3A_153 = arith.constant 16 : i32
        %mul3A_154 = arith.constant 32 : i32
        %mul3A_155 = arith.muli %mul3A_154, %add3A_104 : i32
        %add3A_156 = arith.addi %add3A, %mul3A_155 : i32
        %mul3A_157 = arith.constant 128 : i32
        %mul3A_158 = arith.muli %add3A_156, %mul3A_157 : i32
        %dma_start3A = arith.constant 1 : i32
        %dma_start3A_159 = arith.constant 1 : i32
        %dma_start3A_160 = arith.constant 0 : i32
        %dma_start3A_161 = arith.constant 0 : i32
        %dma_start3A_162 = tpu.memref_slice %arg6[%dma_start3A, %dma_start3A_160, %dma_start3A_161] : memref<2x128x128xf32, #tpu.memory_space<vmem>> -> memref<1x128x128xf32, #tpu.memory_space<vmem>>
        %dma_start3A_163 = tpu.memref_squeeze %dma_start3A_162 : memref<1x128x128xf32, #tpu.memory_space<vmem>> -> memref<128x128xf32, #tpu.memory_space<vmem>>
        %dma_start3A_164 = arith.constant 0 : i32
        %dma_start3A_165 = tpu.memref_slice %arg4[%mul3A_158, %dma_start3A_164] : memref<1000000x128xf32, #tpu.memory_space<hbm>> -> memref<128x128xf32, #tpu.memory_space<hbm>>
        %dma_start3A_166 = tpu.memref_slice %arg8[%dma_start3A_159] : memref<2x!tpu.dma_semaphore, #tpu.memory_space<semaphore_mem>> -> memref<1x!tpu.dma_semaphore, #tpu.memory_space<semaphore_mem>>
        %dma_start3A_167 = tpu.memref_squeeze %dma_start3A_166 : memref<1x!tpu.dma_semaphore, #tpu.memory_space<semaphore_mem>> -> memref<!tpu.dma_semaphore, #tpu.memory_space<semaphore_mem>>
        %dma_start3A_168 = arith.constant 0 : i32
        %dma_start3A_169 = tpu.memref_slice %arg4[%mul3A_158, %dma_start3A_168] : memref<1000000x128xf32, #tpu.memory_space<hbm>> -> memref<128x128xf32, #tpu.memory_space<hbm>>
        %dma_start3A_170 = arith.constant 0 : i32
        %dma_start3A_171 = arith.constant 0 : i32
        %dma_start3A_172 = tpu.memref_slice %arg6[%dma_start3A, %dma_start3A_170, %dma_start3A_171] : memref<2x128x128xf32, #tpu.memory_space<vmem>> -> memref<1x128x128xf32, #tpu.memory_space<vmem>>
        %dma_start3A_173 = tpu.memref_squeeze %dma_start3A_172 : memref<1x128x128xf32, #tpu.memory_space<vmem>> -> memref<128x128xf32, #tpu.memory_space<vmem>>
        tpu.enqueue_dma source(%dma_start3A_173 : memref<128x128xf32, #tpu.memory_space<vmem>>) target(%dma_start3A_169 : memref<128x128xf32, #tpu.memory_space<hbm>>) target_semaphore(%dma_start3A_167 : memref<!tpu.dma_semaphore, #tpu.memory_space<semaphore_mem>>)
        %add3A_174 = arith.constant 2 : i32
        %add3A_175 = arith.addi %add3A_104, %add3A_174 : i32
        %lt3A_176 = arith.cmpi slt, %add3A_175, %select_n3A : i32
        %convert_element_type3A_177 = arith.extui %lt3A_176 : i1 to i32
        %cond3A_178 = arith.constant 0 : i32
        %cond3A_179 = arith.cmpi ne, %convert_element_type3A_177, %cond3A_178 : i32
        scf.if %cond3A_179 {
          %add3A_180 = arith.constant 2 : i32
          %add3A_181 = arith.addi %add3A_104, %add3A_180 : i32
          %mul3A_182 = arith.constant 32 : i32
          %mul3A_183 = arith.muli %mul3A_182, %add3A_181 : i32
          %add3A_184 = arith.addi %add3A, %mul3A_183 : i32
          %mul3A_185 = arith.constant 128 : i32
          %mul3A_186 = arith.muli %add3A_184, %mul3A_185 : i32
          %dma_start3A_187 = arith.constant 1 : i32
          %dma_start3A_188 = arith.constant 1 : i32
          %dma_start3A_189 = arith.constant 0 : i32
          %dma_start3A_190 = arith.constant 0 : i32
          %dma_start3A_191 = tpu.memref_slice %arg5[%dma_start3A_187, %dma_start3A_189, %dma_start3A_190] : memref<2x64x128xf32, #tpu.memory_space<vmem>> -> memref<1x64x128xf32, #tpu.memory_space<vmem>>
          %dma_start3A_192 = tpu.memref_squeeze %dma_start3A_191 : memref<1x64x128xf32, #tpu.memory_space<vmem>> -> memref<64x128xf32, #tpu.memory_space<vmem>>
          %dma_start3A_193 = arith.constant 0 : i32
          %dma_start3A_194 = tpu.memref_slice %arg2[%dma_start3A_193, %mul3A_186] : memref<64x1000000xf32, #tpu.memory_space<hbm>> -> memref<64x128xf32, #tpu.memory_space<hbm>>
          %dma_start3A_195 = tpu.memref_slice %arg7[%dma_start3A_188] : memref<2x!tpu.dma_semaphore, #tpu.memory_space<semaphore_mem>> -> memref<1x!tpu.dma_semaphore, #tpu.memory_space<semaphore_mem>>
          %dma_start3A_196 = tpu.memref_squeeze %dma_start3A_195 : memref<1x!tpu.dma_semaphore, #tpu.memory_space<semaphore_mem>> -> memref<!tpu.dma_semaphore, #tpu.memory_space<semaphore_mem>>
          %dma_start3A_197 = arith.constant 0 : i32
          %dma_start3A_198 = arith.constant 0 : i32
          %dma_start3A_199 = tpu.memref_slice %arg5[%dma_start3A_187, %dma_start3A_197, %dma_start3A_198] : memref<2x64x128xf32, #tpu.memory_space<vmem>> -> memref<1x64x128xf32, #tpu.memory_space<vmem>>
          %dma_start3A_200 = tpu.memref_squeeze %dma_start3A_199 : memref<1x64x128xf32, #tpu.memory_space<vmem>> -> memref<64x128xf32, #tpu.memory_space<vmem>>
          %dma_start3A_201 = arith.constant 0 : i32
          %dma_start3A_202 = tpu.memref_slice %arg2[%dma_start3A_201, %mul3A_186] : memref<64x1000000xf32, #tpu.memory_space<hbm>> -> memref<64x128xf32, #tpu.memory_space<hbm>>
          tpu.enqueue_dma source(%dma_start3A_202 : memref<64x128xf32, #tpu.memory_space<hbm>>) target(%dma_start3A_200 : memref<64x128xf32, #tpu.memory_space<vmem>>) target_semaphore(%dma_start3A_196 : memref<!tpu.dma_semaphore, #tpu.memory_space<semaphore_mem>>)
        } else {
        }
      } else {
      }
    }
    %scan3A_33 = arith.constant 123 : i32
    %sub3A_34 = arith.constant 1 : i32
    %sub3A_35 = arith.subi %select_n3A, %sub3A_34 : i32
    %sub3A_36 = arith.constant 1 : i32
    %sub3A_37 = arith.subi %select_n3A, %sub3A_36 : i32
    %sub3A_38 = arith.constant 0 : i32
    %sub3A_39 = arith.subi %sub3A_37, %sub3A_38 : i32
    %jit3A_40 = arith.constant 2 : i32
    %eq3A = arith.constant 0 : i32
    %eq3A_41 = arith.cmpi eq, %jit3A_40, %eq3A : i32
    %jit3A_42 = arith.constant 1 : i32
    %select_n3A_43 = arith.select %eq3A_41, %jit3A_42, %jit3A_40 : i32
    %rem3A_44 = arith.remsi %sub3A_39, %select_n3A_43 : i32
    %ne3A_45 = arith.constant 0 : i32
    %ne3A_46 = arith.cmpi ne, %rem3A_44, %ne3A_45 : i32
    %lt3A = arith.constant 0 : i32
    %lt3A_47 = arith.cmpi slt, %rem3A_44, %lt3A : i32
    %lt3A_48 = arith.constant 0 : i32
    %lt3A_49 = arith.cmpi slt, %select_n3A_43, %lt3A_48 : i32
    %ne3A_50 = arith.xori %lt3A_47, %lt3A_49 : i1
    %and3A_51 = arith.andi %ne3A_50, %ne3A_46 : i1
    %add3A_52 = arith.addi %rem3A_44, %select_n3A_43 : i32
    %select_n3A_53 = arith.select %and3A_51, %add3A_52, %rem3A_44 : i32
    %sub3A_54 = arith.subi %sub3A_35, %select_n3A_53 : i32
    %ge3A = arith.constant 0 : i32
    %ge3A_55 = arith.cmpi sge, %sub3A_54, %ge3A : i32
    %convert_element_type3A_56 = arith.extui %ge3A_55 : i1 to i32
    %cond3A_57 = arith.constant 0 : i32
    %cond3A_58 = arith.cmpi ne, %convert_element_type3A_56, %cond3A_57 : i32
    scf.if %cond3A_58 {
      %mul3A_92 = arith.constant 32 : i32
      %mul3A_93 = arith.muli %mul3A_92, %sub3A_54 : i32
      %add3A_94 = arith.addi %add3A, %mul3A_93 : i32
      %mul3A_95 = arith.constant 128 : i32
      %mul3A_96 = arith.muli %add3A_94, %mul3A_95 : i32
      %dma_wait3A = arith.constant 0 : i32
      %dma_wait3A_97 = arith.constant 0 : i32
      %dma_wait3A_98 = arith.constant 0 : i32
      %dma_wait3A_99 = arith.constant 0 : i32
      %dma_wait3A_100 = tpu.memref_slice %arg6[%dma_wait3A, %dma_wait3A_98, %dma_wait3A_99] : memref<2x128x128xf32, #tpu.memory_space<vmem>> -> memref<1x128x128xf32, #tpu.memory_space<vmem>>
      %dma_wait3A_101 = tpu.memref_squeeze %dma_wait3A_100 : memref<1x128x128xf32, #tpu.memory_space<vmem>> -> memref<128x128xf32, #tpu.memory_space<vmem>>
      %dma_wait3A_102 = arith.constant 0 : i32
      %dma_wait3A_103 = tpu.memref_slice %arg4[%mul3A_96, %dma_wait3A_102] : memref<1000000x128xf32, #tpu.memory_space<hbm>> -> memref<128x128xf32, #tpu.memory_space<hbm>>
      %dma_wait3A_104 = tpu.memref_slice %arg8[%dma_wait3A_97] : memref<2x!tpu.dma_semaphore, #tpu.memory_space<semaphore_mem>> -> memref<1x!tpu.dma_semaphore, #tpu.memory_space<semaphore_mem>>
      %dma_wait3A_105 = tpu.memref_squeeze %dma_wait3A_104 : memref<1x!tpu.dma_semaphore, #tpu.memory_space<semaphore_mem>> -> memref<!tpu.dma_semaphore, #tpu.memory_space<semaphore_mem>>
      %dma_wait3A_106 = arith.constant 0 : i32
      %dma_wait3A_107 = tpu.memref_slice %arg4[%mul3A_96, %dma_wait3A_106] : memref<1000000x128xf32, #tpu.memory_space<hbm>> -> memref<128x128xf32, #tpu.memory_space<hbm>>
      %dma_wait3A_108 = arith.constant 0 : i32
      %dma_wait3A_109 = arith.constant 0 : i32
      %dma_wait3A_110 = tpu.memref_slice %arg6[%dma_wait3A, %dma_wait3A_108, %dma_wait3A_109] : memref<2x128x128xf32, #tpu.memory_space<vmem>> -> memref<1x128x128xf32, #tpu.memory_space<vmem>>
      %dma_wait3A_111 = tpu.memref_squeeze %dma_wait3A_110 : memref<1x128x128xf32, #tpu.memory_space<vmem>> -> memref<128x128xf32, #tpu.memory_space<vmem>>
      tpu.wait_dma2 semaphore(%dma_wait3A_105 : memref<!tpu.dma_semaphore, #tpu.memory_space<semaphore_mem>>) src(%dma_wait3A_111 : memref<128x128xf32, #tpu.memory_space<vmem>>) dst(%dma_wait3A_107 : memref<128x128xf32, #tpu.memory_space<hbm>>)
    } else {
    }
    %sub3A_59 = arith.constant 1 : i32
    %sub3A_60 = arith.subi %select_n3A, %sub3A_59 : i32
    %sub3A_61 = arith.constant 1 : i32
    %sub3A_62 = arith.subi %select_n3A, %sub3A_61 : i32
    %sub3A_63 = arith.constant 1 : i32
    %sub3A_64 = arith.subi %sub3A_62, %sub3A_63 : i32
    %jit3A_65 = arith.constant 2 : i32
    %eq3A_66 = arith.constant 0 : i32
    %eq3A_67 = arith.cmpi eq, %jit3A_65, %eq3A_66 : i32
    %jit3A_68 = arith.constant 1 : i32
    %select_n3A_69 = arith.select %eq3A_67, %jit3A_68, %jit3A_65 : i32
    %rem3A_70 = arith.remsi %sub3A_64, %select_n3A_69 : i32
    %ne3A_71 = arith.constant 0 : i32
    %ne3A_72 = arith.cmpi ne, %rem3A_70, %ne3A_71 : i32
    %lt3A_73 = arith.constant 0 : i32
    %lt3A_74 = arith.cmpi slt, %rem3A_70, %lt3A_73 : i32
    %lt3A_75 = arith.constant 0 : i32
    %lt3A_76 = arith.cmpi slt, %select_n3A_69, %lt3A_75 : i32
    %ne3A_77 = arith.xori %lt3A_74, %lt3A_76 : i1
    %and3A_78 = arith.andi %ne3A_77, %ne3A_72 : i1
    %add3A_79 = arith.addi %rem3A_70, %select_n3A_69 : i32
    %select_n3A_80 = arith.select %and3A_78, %add3A_79, %rem3A_70 : i32
    %sub3A_81 = arith.subi %sub3A_60, %select_n3A_80 : i32
    %ge3A_82 = arith.constant 0 : i32
    %ge3A_83 = arith.cmpi sge, %sub3A_81, %ge3A_82 : i32
    %convert_element_type3A_84 = arith.extui %ge3A_83 : i1 to i32
    %cond3A_85 = arith.constant 0 : i32
    %cond3A_86 = arith.cmpi ne, %convert_element_type3A_84, %cond3A_85 : i32
    scf.if %cond3A_86 {
      %mul3A_92 = arith.constant 32 : i32
      %mul3A_93 = arith.muli %mul3A_92, %sub3A_81 : i32
      %add3A_94 = arith.addi %add3A, %mul3A_93 : i32
      %mul3A_95 = arith.constant 128 : i32
      %mul3A_96 = arith.muli %add3A_94, %mul3A_95 : i32
      %dma_wait3A = arith.constant 1 : i32
      %dma_wait3A_97 = arith.constant 1 : i32
      %dma_wait3A_98 = arith.constant 0 : i32
      %dma_wait3A_99 = arith.constant 0 : i32
      %dma_wait3A_100 = tpu.memref_slice %arg6[%dma_wait3A, %dma_wait3A_98, %dma_wait3A_99] : memref<2x128x128xf32, #tpu.memory_space<vmem>> -> memref<1x128x128xf32, #tpu.memory_space<vmem>>
      %dma_wait3A_101 = tpu.memref_squeeze %dma_wait3A_100 : memref<1x128x128xf32, #tpu.memory_space<vmem>> -> memref<128x128xf32, #tpu.memory_space<vmem>>
      %dma_wait3A_102 = arith.constant 0 : i32
      %dma_wait3A_103 = tpu.memref_slice %arg4[%mul3A_96, %dma_wait3A_102] : memref<1000000x128xf32, #tpu.memory_space<hbm>> -> memref<128x128xf32, #tpu.memory_space<hbm>>
      %dma_wait3A_104 = tpu.memref_slice %arg8[%dma_wait3A_97] : memref<2x!tpu.dma_semaphore, #tpu.memory_space<semaphore_mem>> -> memref<1x!tpu.dma_semaphore, #tpu.memory_space<semaphore_mem>>
      %dma_wait3A_105 = tpu.memref_squeeze %dma_wait3A_104 : memref<1x!tpu.dma_semaphore, #tpu.memory_space<semaphore_mem>> -> memref<!tpu.dma_semaphore, #tpu.memory_space<semaphore_mem>>
      %dma_wait3A_106 = arith.constant 0 : i32
      %dma_wait3A_107 = tpu.memref_slice %arg4[%mul3A_96, %dma_wait3A_106] : memref<1000000x128xf32, #tpu.memory_space<hbm>> -> memref<128x128xf32, #tpu.memory_space<hbm>>
      %dma_wait3A_108 = arith.constant 0 : i32
      %dma_wait3A_109 = arith.constant 0 : i32
      %dma_wait3A_110 = tpu.memref_slice %arg6[%dma_wait3A, %dma_wait3A_108, %dma_wait3A_109] : memref<2x128x128xf32, #tpu.memory_space<vmem>> -> memref<1x128x128xf32, #tpu.memory_space<vmem>>
      %dma_wait3A_111 = tpu.memref_squeeze %dma_wait3A_110 : memref<1x128x128xf32, #tpu.memory_space<vmem>> -> memref<128x128xf32, #tpu.memory_space<vmem>>
      tpu.wait_dma2 semaphore(%dma_wait3A_105 : memref<!tpu.dma_semaphore, #tpu.memory_space<semaphore_mem>>) src(%dma_wait3A_111 : memref<128x128xf32, #tpu.memory_space<vmem>>) dst(%dma_wait3A_107 : memref<128x128xf32, #tpu.memory_space<hbm>>)
    } else {
    }
    %eq3A_87 = arith.constant 0 : i32
    %eq3A_88 = arith.cmpi eq, %add3A, %eq3A_87 : i32
    %convert_element_type3A_89 = arith.extui %eq3A_88 : i1 to i32
    %cond3A_90 = arith.constant 0 : i32
    %cond3A_91 = arith.cmpi ne, %convert_element_type3A_89, %cond3A_90 : i32
    scf.if %cond3A_91 {
      "tpu.region"() ({
        %run_scoped3A = tpu.sem_alloc : memref<!tpu.dma_semaphore, #tpu.memory_space<semaphore_mem>>
        %dma_start3A = arith.constant 999936 : i32
        %dma_start3A_92 = arith.constant 0 : i32
        %dma_start3A_93 = tpu.memref_slice %arg4[%dma_start3A, %dma_start3A_92] : memref<1000000x128xf32, #tpu.memory_space<hbm>> -> memref<64x128xf32, #tpu.memory_space<hbm>>
        tpu.enqueue_dma source(%arg3 : memref<64x128xf32, #tpu.memory_space<hbm>>) target(%dma_start3A_93 : memref<64x128xf32, #tpu.memory_space<hbm>>) target_semaphore(%run_scoped3A : memref<!tpu.dma_semaphore, #tpu.memory_space<semaphore_mem>>)
        %dma_wait3A = arith.constant 999936 : i32
        %dma_wait3A_94 = arith.constant 0 : i32
        %dma_wait3A_95 = tpu.memref_slice %arg4[%dma_wait3A, %dma_wait3A_94] : memref<1000000x128xf32, #tpu.memory_space<hbm>> -> memref<64x128xf32, #tpu.memory_space<hbm>>
        tpu.wait_dma2 semaphore(%run_scoped3A : memref<!tpu.dma_semaphore, #tpu.memory_space<semaphore_mem>>) src(%arg3 : memref<64x128xf32, #tpu.memory_space<hbm>>) dst(%dma_wait3A_95 : memref<64x128xf32, #tpu.memory_space<hbm>>)
        tpu.yield
      }) : () -> ()
    } else {
    }
    return
  }
}

#map = affine_map<(d0, d1) -> (0)>
#map1 = affine_map<(d0, d1) -> (0, 0)>
module attributes {stable_mosaic.version = 14 : i64} {
  func.func @_encode_body(%arg0: i32, %arg1: i32, %arg2: memref<819200xi32, #tpu.memory_space<hbm>>, %arg3: memref<1000000x128xf32, #tpu.memory_space<hbm>>, %arg4: memref<4096x64xf32, #tpu.memory_space<hbm>>, %arg5: memref<25600xi32, #tpu.memory_space<vmem>>, %arg6: memref<2x200x128xf32, #tpu.memory_space<vmem>>, %arg7: memref<128x64xf32, #tpu.memory_space<vmem>>, %arg8: memref<2x!tpu.dma_semaphore, #tpu.memory_space<semaphore_mem>>) attributes {dimension_semantics = [#tpu.dimension_semantics<core_parallel>, #tpu.dimension_semantics<subcore_parallel>], iteration_bounds = array<i64: 2, 16>, scalar_prefetch = 0 : i64, scratch_operands = 4 : i64, tpu.core_type = #tpu.core_type<sc_vector_subcore>, window_params = [{transform_indices = #map}, {transform_indices = #map1}, {transform_indices = #map1}]} {
    %mul3A = arith.constant 2 : i32
    %mul3A_0 = arith.muli %arg1, %mul3A : i32
    %add3A = arith.addi %mul3A_0, %arg0 : i32
    %mul3A_1 = arith.constant 128 : i32
    %mul3A_2 = arith.muli %add3A, %mul3A_1 : i32
    %mul3A_3 = arith.constant 200 : i32
    %mul3A_4 = arith.muli %mul3A_2, %mul3A_3 : i32
    "tpu.region"() ({
      %run_scoped3A = tpu.sem_alloc : memref<!tpu.dma_semaphore, #tpu.memory_space<semaphore_mem>>
      %dma_start3A_34 = tpu.memref_slice %arg2[%mul3A_4] : memref<819200xi32, #tpu.memory_space<hbm>> -> memref<25600xi32, #tpu.memory_space<hbm>>
      %dma_start3A_35 = tpu.memref_slice %arg2[%mul3A_4] : memref<819200xi32, #tpu.memory_space<hbm>> -> memref<25600xi32, #tpu.memory_space<hbm>>
      tpu.enqueue_dma source(%dma_start3A_35 : memref<25600xi32, #tpu.memory_space<hbm>>) target(%arg5 : memref<25600xi32, #tpu.memory_space<vmem>>) target_semaphore(%run_scoped3A : memref<!tpu.dma_semaphore, #tpu.memory_space<semaphore_mem>>)
      %dma_wait3A = tpu.memref_slice %arg2[%mul3A_4] : memref<819200xi32, #tpu.memory_space<hbm>> -> memref<25600xi32, #tpu.memory_space<hbm>>
      %dma_wait3A_36 = tpu.memref_slice %arg2[%mul3A_4] : memref<819200xi32, #tpu.memory_space<hbm>> -> memref<25600xi32, #tpu.memory_space<hbm>>
      tpu.wait_dma2 semaphore(%run_scoped3A : memref<!tpu.dma_semaphore, #tpu.memory_space<semaphore_mem>>) src(%dma_wait3A_36 : memref<25600xi32, #tpu.memory_space<hbm>>) dst(%arg5 : memref<25600xi32, #tpu.memory_space<vmem>>)
      tpu.yield
    }) : () -> ()
    %dma_start3A = arith.constant 0 : i32
    %dma_start3A_5 = arith.constant 0 : i32
    %dma_start3A_6 = arith.constant 0 : i32
    %dma_start3A_7 = arith.constant 0 : i32
    %dma_start3A_8 = tpu.memref_slice %arg6[%dma_start3A, %dma_start3A_6, %dma_start3A_7] : memref<2x200x128xf32, #tpu.memory_space<vmem>> -> memref<1x200x128xf32, #tpu.memory_space<vmem>>
    %dma_start3A_9 = tpu.memref_squeeze %dma_start3A_8 : memref<1x200x128xf32, #tpu.memory_space<vmem>> -> memref<200x128xf32, #tpu.memory_space<vmem>>
    %dma_start3A_10 = arith.constant 0 : i32
    %dma_start3A_11 = tpu.memref_slice %arg5[%dma_start3A_10] : memref<25600xi32, #tpu.memory_space<vmem>> -> memref<200xi32, #tpu.memory_space<vmem>>
    %dma_start3A_12 = arith.constant 0 : i32
    %dma_start3A_13 = arith.constant 0 : i32
    %dma_start3A_14 = tpu.memref_slice %arg3[%dma_start3A_12, %dma_start3A_13] : memref<1000000x128xf32, #tpu.memory_space<hbm>> -> memref<1000000x128xf32, #tpu.memory_space<hbm>>
    %dma_start3A_15 = tpu.memref_slice %arg8[%dma_start3A_5] : memref<2x!tpu.dma_semaphore, #tpu.memory_space<semaphore_mem>> -> memref<1x!tpu.dma_semaphore, #tpu.memory_space<semaphore_mem>>
    %dma_start3A_16 = tpu.memref_squeeze %dma_start3A_15 : memref<1x!tpu.dma_semaphore, #tpu.memory_space<semaphore_mem>> -> memref<!tpu.dma_semaphore, #tpu.memory_space<semaphore_mem>>
    tpu.enqueue_indirect_dma source(%dma_start3A_14 : memref<1000000x128xf32, #tpu.memory_space<hbm>>) target(%dma_start3A_9 : memref<200x128xf32, #tpu.memory_space<vmem>>) offsets(%dma_start3A_11 : memref<200xi32, #tpu.memory_space<vmem>>) semaphore(%dma_start3A_16 : memref<!tpu.dma_semaphore, #tpu.memory_space<semaphore_mem>>)
    %dma_start3A_17 = arith.constant 1 : i32
    %dma_start3A_18 = arith.constant 1 : i32
    %dma_start3A_19 = arith.constant 0 : i32
    %dma_start3A_20 = arith.constant 0 : i32
    %dma_start3A_21 = tpu.memref_slice %arg6[%dma_start3A_17, %dma_start3A_19, %dma_start3A_20] : memref<2x200x128xf32, #tpu.memory_space<vmem>> -> memref<1x200x128xf32, #tpu.memory_space<vmem>>
    %dma_start3A_22 = tpu.memref_squeeze %dma_start3A_21 : memref<1x200x128xf32, #tpu.memory_space<vmem>> -> memref<200x128xf32, #tpu.memory_space<vmem>>
    %dma_start3A_23 = arith.constant 200 : i32
    %dma_start3A_24 = tpu.memref_slice %arg5[%dma_start3A_23] : memref<25600xi32, #tpu.memory_space<vmem>> -> memref<200xi32, #tpu.memory_space<vmem>>
    %dma_start3A_25 = arith.constant 0 : i32
    %dma_start3A_26 = arith.constant 0 : i32
    %dma_start3A_27 = tpu.memref_slice %arg3[%dma_start3A_25, %dma_start3A_26] : memref<1000000x128xf32, #tpu.memory_space<hbm>> -> memref<1000000x128xf32, #tpu.memory_space<hbm>>
    %dma_start3A_28 = tpu.memref_slice %arg8[%dma_start3A_18] : memref<2x!tpu.dma_semaphore, #tpu.memory_space<semaphore_mem>> -> memref<1x!tpu.dma_semaphore, #tpu.memory_space<semaphore_mem>>
    %dma_start3A_29 = tpu.memref_squeeze %dma_start3A_28 : memref<1x!tpu.dma_semaphore, #tpu.memory_space<semaphore_mem>> -> memref<!tpu.dma_semaphore, #tpu.memory_space<semaphore_mem>>
    tpu.enqueue_indirect_dma source(%dma_start3A_27 : memref<1000000x128xf32, #tpu.memory_space<hbm>>) target(%dma_start3A_22 : memref<200x128xf32, #tpu.memory_space<vmem>>) offsets(%dma_start3A_24 : memref<200xi32, #tpu.memory_space<vmem>>) semaphore(%dma_start3A_29 : memref<!tpu.dma_semaphore, #tpu.memory_space<semaphore_mem>>)
    %scan3A = arith.constant 0 : i32
    %scan3A_30 = arith.constant 64 : i32
    %scan3A_31 = arith.addi %scan3A, %scan3A_30 : i32
    %scan3A_32 = arith.constant 1 : i32
    scf.for %scan3A_34 = %scan3A to %scan3A_31 step %scan3A_32  : i32 {
      %mul3A_35 = arith.constant 2 : i32
      %mul3A_36 = arith.muli %scan3A_34, %mul3A_35 : i32
      %add3A_37 = arith.constant 0 : i32
      %add3A_38 = arith.addi %add3A_37, %mul3A_36 : i32
      %add3A_39 = arith.constant 0 : i32
      %add3A_40 = arith.addi %add3A_38, %add3A_39 : i32
      %mul3A_41 = arith.constant 200 : i32
      %mul3A_42 = arith.muli %add3A_40, %mul3A_41 : i32
      %dma_wait3A = arith.constant 0 : i32
      %dma_wait3A_43 = arith.constant 0 : i32
      %dma_wait3A_44 = arith.constant 0 : i32
      %dma_wait3A_45 = arith.constant 0 : i32
      %dma_wait3A_46 = tpu.memref_slice %arg6[%dma_wait3A, %dma_wait3A_44, %dma_wait3A_45] : memref<2x200x128xf32, #tpu.memory_space<vmem>> -> memref<1x200x128xf32, #tpu.memory_space<vmem>>
      %dma_wait3A_47 = tpu.memref_squeeze %dma_wait3A_46 : memref<1x200x128xf32, #tpu.memory_space<vmem>> -> memref<200x128xf32, #tpu.memory_space<vmem>>
      %dma_wait3A_48 = tpu.memref_slice %arg5[%mul3A_42] : memref<25600xi32, #tpu.memory_space<vmem>> -> memref<200xi32, #tpu.memory_space<vmem>>
      %dma_wait3A_49 = arith.constant 0 : i32
      %dma_wait3A_50 = arith.constant 0 : i32
      %dma_wait3A_51 = tpu.memref_slice %arg3[%dma_wait3A_49, %dma_wait3A_50] : memref<1000000x128xf32, #tpu.memory_space<hbm>> -> memref<1000000x128xf32, #tpu.memory_space<hbm>>
      %dma_wait3A_52 = tpu.memref_slice %arg8[%dma_wait3A_43] : memref<2x!tpu.dma_semaphore, #tpu.memory_space<semaphore_mem>> -> memref<1x!tpu.dma_semaphore, #tpu.memory_space<semaphore_mem>>
      %dma_wait3A_53 = tpu.memref_squeeze %dma_wait3A_52 : memref<1x!tpu.dma_semaphore, #tpu.memory_space<semaphore_mem>> -> memref<!tpu.dma_semaphore, #tpu.memory_space<semaphore_mem>>
      tpu.wait_indirect_dma semaphore(%dma_wait3A_53 : memref<!tpu.dma_semaphore, #tpu.memory_space<semaphore_mem>>) src(%dma_wait3A_51 : memref<1000000x128xf32, #tpu.memory_space<hbm>>) dst(%dma_wait3A_47 : memref<200x128xf32, #tpu.memory_space<vmem>>)
      %broadcast_in_dim3A = arith.constant 0.000000e+00 : f32
      %broadcast_in_dim3A_54 = vector.broadcast %broadcast_in_dim3A : f32 to vector<16xf32>
      %scan3A_55 = arith.constant 0 : i32
      %scan3A_56 = arith.constant 50 : i32
      %scan3A_57 = arith.addi %scan3A_55, %scan3A_56 : i32
      %scan3A_58 = arith.constant 1 : i32
      %scan3A_59:4 = scf.for %scan3A_159 = %scan3A_55 to %scan3A_57 step %scan3A_58 iter_args(%scan3A_160 = %broadcast_in_dim3A_54, %scan3A_161 = %broadcast_in_dim3A_54, %scan3A_162 = %broadcast_in_dim3A_54, %scan3A_163 = %broadcast_in_dim3A_54) -> (vector<16xf32>, vector<16xf32>, vector<16xf32>, vector<16xf32>)  : i32 {
        %mul3A_164 = arith.constant 4 : i32
        %mul3A_165 = arith.muli %scan3A_159, %mul3A_164 : i32
        %add3A_166 = arith.constant 0 : i32
        %add3A_167 = arith.addi %mul3A_165, %add3A_166 : i32
        %get3A = arith.constant 0 : i32
        %get3A_168 = arith.index_cast %get3A : i32 to index
        %get3A_169 = arith.index_cast %add3A_167 : i32 to index
        %get3A_170 = arith.constant 0 : index
        %get3A_171 = tpu.vector_load %arg6[%get3A_168, %get3A_169, %get3A_170] {strides = array<i32>} : memref<2x200x128xf32, #tpu.memory_space<vmem>>, vector<1x1x16xf32>,
        %get3A_172 = vector.shape_cast %get3A_171 : vector<1x1x16xf32> to vector<16xf32>
        %add3A_173 = arith.addf %scan3A_160, %get3A_172 : vector<16xf32>
        %add3A_174 = arith.constant 0 : i32
        %add3A_175 = arith.addi %mul3A_165, %add3A_174 : i32
        %get3A_176 = arith.constant 0 : i32
        %get3A_177 = arith.index_cast %get3A_176 : i32 to index
        %get3A_178 = arith.index_cast %add3A_175 : i32 to index
        %get3A_179 = arith.constant 16 : index
        %get3A_180 = tpu.vector_load %arg6[%get3A_177, %get3A_178, %get3A_179] {strides = array<i32>} : memref<2x200x128xf32, #tpu.memory_space<vmem>>, vector<1x1x16xf32>,
        %get3A_181 = vector.shape_cast %get3A_180 : vector<1x1x16xf32> to vector<16xf32>
        %add3A_182 = arith.addf %scan3A_161, %get3A_181 : vector<16xf32>
        %add3A_183 = arith.constant 0 : i32
        %add3A_184 = arith.addi %mul3A_165, %add3A_183 : i32
        %get3A_185 = arith.constant 0 : i32
        %get3A_186 = arith.index_cast %get3A_185 : i32 to index
        %get3A_187 = arith.index_cast %add3A_184 : i32 to index
        %get3A_188 = arith.constant 32 : index
        %get3A_189 = tpu.vector_load %arg6[%get3A_186, %get3A_187, %get3A_188] {strides = array<i32>} : memref<2x200x128xf32, #tpu.memory_space<vmem>>, vector<1x1x16xf32>,
        %get3A_190 = vector.shape_cast %get3A_189 : vector<1x1x16xf32> to vector<16xf32>
        %add3A_191 = arith.addf %scan3A_162, %get3A_190 : vector<16xf32>
        %add3A_192 = arith.constant 0 : i32
        %add3A_193 = arith.addi %mul3A_165, %add3A_192 : i32
        %get3A_194 = arith.constant 0 : i32
        %get3A_195 = arith.index_cast %get3A_194 : i32 to index
        %get3A_196 = arith.index_cast %add3A_193 : i32 to index
        %get3A_197 = arith.constant 48 : index
        %get3A_198 = tpu.vector_load %arg6[%get3A_195, %get3A_196, %get3A_197] {strides = array<i32>} : memref<2x200x128xf32, #tpu.memory_space<vmem>>, vector<1x1x16xf32>,
        %get3A_199 = vector.shape_cast %get3A_198 : vector<1x1x16xf32> to vector<16xf32>
        %add3A_200 = arith.addf %scan3A_163, %get3A_199 : vector<16xf32>
        %add3A_201 = arith.constant 1 : i32
        %add3A_202 = arith.addi %mul3A_165, %add3A_201 : i32
        %get3A_203 = arith.constant 0 : i32
        %get3A_204 = arith.index_cast %get3A_203 : i32 to index
        %get3A_205 = arith.index_cast %add3A_202 : i32 to index
        %get3A_206 = arith.constant 0 : index
        %get3A_207 = tpu.vector_load %arg6[%get3A_204, %get3A_205, %get3A_206] {strides = array<i32>} : memref<2x200x128xf32, #tpu.memory_space<vmem>>, vector<1x1x16xf32>,
        %get3A_208 = vector.shape_cast %get3A_207 : vector<1x1x16xf32> to vector<16xf32>
        %add3A_209 = arith.addf %add3A_173, %get3A_208 : vector<16xf32>
        %add3A_210 = arith.constant 1 : i32
        %add3A_211 = arith.addi %mul3A_165, %add3A_210 : i32
        %get3A_212 = arith.constant 0 : i32
        %get3A_213 = arith.index_cast %get3A_212 : i32 to index
        %get3A_214 = arith.index_cast %add3A_211 : i32 to index
        %get3A_215 = arith.constant 16 : index
        %get3A_216 = tpu.vector_load %arg6[%get3A_213, %get3A_214, %get3A_215] {strides = array<i32>} : memref<2x200x128xf32, #tpu.memory_space<vmem>>, vector<1x1x16xf32>,
        %get3A_217 = vector.shape_cast %get3A_216 : vector<1x1x16xf32> to vector<16xf32>
        %add3A_218 = arith.addf %add3A_182, %get3A_217 : vector<16xf32>
        %add3A_219 = arith.constant 1 : i32
        %add3A_220 = arith.addi %mul3A_165, %add3A_219 : i32
        %get3A_221 = arith.constant 0 : i32
        %get3A_222 = arith.index_cast %get3A_221 : i32 to index
        %get3A_223 = arith.index_cast %add3A_220 : i32 to index
        %get3A_224 = arith.constant 32 : index
        %get3A_225 = tpu.vector_load %arg6[%get3A_222, %get3A_223, %get3A_224] {strides = array<i32>} : memref<2x200x128xf32, #tpu.memory_space<vmem>>, vector<1x1x16xf32>,
        %get3A_226 = vector.shape_cast %get3A_225 : vector<1x1x16xf32> to vector<16xf32>
        %add3A_227 = arith.addf %add3A_191, %get3A_226 : vector<16xf32>
        %add3A_228 = arith.constant 1 : i32
        %add3A_229 = arith.addi %mul3A_165, %add3A_228 : i32
        %get3A_230 = arith.constant 0 : i32
        %get3A_231 = arith.index_cast %get3A_230 : i32 to index
        %get3A_232 = arith.index_cast %add3A_229 : i32 to index
        %get3A_233 = arith.constant 48 : index
        %get3A_234 = tpu.vector_load %arg6[%get3A_231, %get3A_232, %get3A_233] {strides = array<i32>} : memref<2x200x128xf32, #tpu.memory_space<vmem>>, vector<1x1x16xf32>,
        %get3A_235 = vector.shape_cast %get3A_234 : vector<1x1x16xf32> to vector<16xf32>
        %add3A_236 = arith.addf %add3A_200, %get3A_235 : vector<16xf32>
        %add3A_237 = arith.constant 2 : i32
        %add3A_238 = arith.addi %mul3A_165, %add3A_237 : i32
        %get3A_239 = arith.constant 0 : i32
        %get3A_240 = arith.index_cast %get3A_239 : i32 to index
        %get3A_241 = arith.index_cast %add3A_238 : i32 to index
        %get3A_242 = arith.constant 0 : index
        %get3A_243 = tpu.vector_load %arg6[%get3A_240, %get3A_241, %get3A_242] {strides = array<i32>} : memref<2x200x128xf32, #tpu.memory_space<vmem>>, vector<1x1x16xf32>,
        %get3A_244 = vector.shape_cast %get3A_243 : vector<1x1x16xf32> to vector<16xf32>
        %add3A_245 = arith.addf %add3A_209, %get3A_244 : vector<16xf32>
        %add3A_246 = arith.constant 2 : i32
        %add3A_247 = arith.addi %mul3A_165, %add3A_246 : i32
        %get3A_248 = arith.constant 0 : i32
        %get3A_249 = arith.index_cast %get3A_248 : i32 to index
        %get3A_250 = arith.index_cast %add3A_247 : i32 to index
        %get3A_251 = arith.constant 16 : index
        %get3A_252 = tpu.vector_load %arg6[%get3A_249, %get3A_250, %get3A_251] {strides = array<i32>} : memref<2x200x128xf32, #tpu.memory_space<vmem>>, vector<1x1x16xf32>,
        %get3A_253 = vector.shape_cast %get3A_252 : vector<1x1x16xf32> to vector<16xf32>
        %add3A_254 = arith.addf %add3A_218, %get3A_253 : vector<16xf32>
        %add3A_255 = arith.constant 2 : i32
        %add3A_256 = arith.addi %mul3A_165, %add3A_255 : i32
        %get3A_257 = arith.constant 0 : i32
        %get3A_258 = arith.index_cast %get3A_257 : i32 to index
        %get3A_259 = arith.index_cast %add3A_256 : i32 to index
        %get3A_260 = arith.constant 32 : index
        %get3A_261 = tpu.vector_load %arg6[%get3A_258, %get3A_259, %get3A_260] {strides = array<i32>} : memref<2x200x128xf32, #tpu.memory_space<vmem>>, vector<1x1x16xf32>,
        %get3A_262 = vector.shape_cast %get3A_261 : vector<1x1x16xf32> to vector<16xf32>
        %add3A_263 = arith.addf %add3A_227, %get3A_262 : vector<16xf32>
        %add3A_264 = arith.constant 2 : i32
        %add3A_265 = arith.addi %mul3A_165, %add3A_264 : i32
        %get3A_266 = arith.constant 0 : i32
        %get3A_267 = arith.index_cast %get3A_266 : i32 to index
        %get3A_268 = arith.index_cast %add3A_265 : i32 to index
        %get3A_269 = arith.constant 48 : index
        %get3A_270 = tpu.vector_load %arg6[%get3A_267, %get3A_268, %get3A_269] {strides = array<i32>} : memref<2x200x128xf32, #tpu.memory_space<vmem>>, vector<1x1x16xf32>,
        %get3A_271 = vector.shape_cast %get3A_270 : vector<1x1x16xf32> to vector<16xf32>
        %add3A_272 = arith.addf %add3A_236, %get3A_271 : vector<16xf32>
        %add3A_273 = arith.constant 3 : i32
        %add3A_274 = arith.addi %mul3A_165, %add3A_273 : i32
        %get3A_275 = arith.constant 0 : i32
        %get3A_276 = arith.index_cast %get3A_275 : i32 to index
        %get3A_277 = arith.index_cast %add3A_274 : i32 to index
        %get3A_278 = arith.constant 0 : index
        %get3A_279 = tpu.vector_load %arg6[%get3A_276, %get3A_277, %get3A_278] {strides = array<i32>} : memref<2x200x128xf32, #tpu.memory_space<vmem>>, vector<1x1x16xf32>,
        %get3A_280 = vector.shape_cast %get3A_279 : vector<1x1x16xf32> to vector<16xf32>
        %add3A_281 = arith.addf %add3A_245, %get3A_280 : vector<16xf32>
        %add3A_282 = arith.constant 3 : i32
        %add3A_283 = arith.addi %mul3A_165, %add3A_282 : i32
        %get3A_284 = arith.constant 0 : i32
        %get3A_285 = arith.index_cast %get3A_284 : i32 to index
        %get3A_286 = arith.index_cast %add3A_283 : i32 to index
        %get3A_287 = arith.constant 16 : index
        %get3A_288 = tpu.vector_load %arg6[%get3A_285, %get3A_286, %get3A_287] {strides = array<i32>} : memref<2x200x128xf32, #tpu.memory_space<vmem>>, vector<1x1x16xf32>,
        %get3A_289 = vector.shape_cast %get3A_288 : vector<1x1x16xf32> to vector<16xf32>
        %add3A_290 = arith.addf %add3A_254, %get3A_289 : vector<16xf32>
        %add3A_291 = arith.constant 3 : i32
        %add3A_292 = arith.addi %mul3A_165, %add3A_291 : i32
        %get3A_293 = arith.constant 0 : i32
        %get3A_294 = arith.index_cast %get3A_293 : i32 to index
        %get3A_295 = arith.index_cast %add3A_292 : i32 to index
        %get3A_296 = arith.constant 32 : index
        %get3A_297 = tpu.vector_load %arg6[%get3A_294, %get3A_295, %get3A_296] {strides = array<i32>} : memref<2x200x128xf32, #tpu.memory_space<vmem>>, vector<1x1x16xf32>,
        %get3A_298 = vector.shape_cast %get3A_297 : vector<1x1x16xf32> to vector<16xf32>
        %add3A_299 = arith.addf %add3A_263, %get3A_298 : vector<16xf32>
        %add3A_300 = arith.constant 3 : i32
        %add3A_301 = arith.addi %mul3A_165, %add3A_300 : i32
        %get3A_302 = arith.constant 0 : i32
        %get3A_303 = arith.index_cast %get3A_302 : i32 to index
        %get3A_304 = arith.index_cast %add3A_301 : i32 to index
        %get3A_305 = arith.constant 48 : index
        %get3A_306 = tpu.vector_load %arg6[%get3A_303, %get3A_304, %get3A_305] {strides = array<i32>} : memref<2x200x128xf32, #tpu.memory_space<vmem>>, vector<1x1x16xf32>,
        %get3A_307 = vector.shape_cast %get3A_306 : vector<1x1x16xf32> to vector<16xf32>
        %add3A_308 = arith.addf %add3A_272, %get3A_307 : vector<16xf32>
        scf.yield %add3A_281, %add3A_290, %add3A_299, %add3A_308 : vector<16xf32>, vector<16xf32>, vector<16xf32>, vector<16xf32>
      }
      %scan3A_60 = arith.constant 50 : i32
      %mul3A_61 = arith.constant 5.000000e-03 : f32
      %mul3A_62 = vector.broadcast %mul3A_61 : f32 to vector<16xf32>
      %mul3A_63 = arith.mulf %scan3A_59#0, %mul3A_62 : vector<16xf32>
      %swap3A = arith.index_cast %add3A_40 : i32 to index
      %swap3A_64 = arith.constant 0 : index
      %swap3A_65 = tpu.vector_load %arg7[%swap3A, %swap3A_64] {strides = array<i32>} : memref<128x64xf32, #tpu.memory_space<vmem>>, vector<1x16xf32>,
      %swap3A_66 = vector.shape_cast %swap3A_65 : vector<1x16xf32> to vector<16xf32>
      %swap3A_67 = vector.shape_cast %mul3A_63 : vector<16xf32> to vector<1x16xf32>
      tpu.vector_store %arg7[%swap3A, %swap3A_64], %swap3A_67 {strides = array<i32>} : memref<128x64xf32, #tpu.memory_space<vmem>>, vector<1x16xf32>,
      %mul3A_68 = arith.constant 5.000000e-03 : f32
      %mul3A_69 = vector.broadcast %mul3A_68 : f32 to vector<16xf32>
      %mul3A_70 = arith.mulf %scan3A_59#1, %mul3A_69 : vector<16xf32>
      %swap3A_71 = arith.index_cast %add3A_40 : i32 to index
      %swap3A_72 = arith.constant 16 : index
      %swap3A_73 = tpu.vector_load %arg7[%swap3A_71, %swap3A_72] {strides = array<i32>} : memref<128x64xf32, #tpu.memory_space<vmem>>, vector<1x16xf32>,
      %swap3A_74 = vector.shape_cast %swap3A_73 : vector<1x16xf32> to vector<16xf32>
      %swap3A_75 = vector.shape_cast %mul3A_70 : vector<16xf32> to vector<1x16xf32>
      tpu.vector_store %arg7[%swap3A_71, %swap3A_72], %swap3A_75 {strides = array<i32>} : memref<128x64xf32, #tpu.memory_space<vmem>>, vector<1x16xf32>,
      %mul3A_76 = arith.constant 5.000000e-03 : f32
      %mul3A_77 = vector.broadcast %mul3A_76 : f32 to vector<16xf32>
      %mul3A_78 = arith.mulf %scan3A_59#2, %mul3A_77 : vector<16xf32>
      %swap3A_79 = arith.index_cast %add3A_40 : i32 to index
      %swap3A_80 = arith.constant 32 : index
      %swap3A_81 = tpu.vector_load %arg7[%swap3A_79, %swap3A_80] {strides = array<i32>} : memref<128x64xf32, #tpu.memory_space<vmem>>, vector<1x16xf32>,
      %swap3A_82 = vector.shape_cast %swap3A_81 : vector<1x16xf32> to vector<16xf32>
      %swap3A_83 = vector.shape_cast %mul3A_78 : vector<16xf32> to vector<1x16xf32>
      tpu.vector_store %arg7[%swap3A_79, %swap3A_80], %swap3A_83 {strides = array<i32>} : memref<128x64xf32, #tpu.memory_space<vmem>>, vector<1x16xf32>,
      %mul3A_84 = arith.constant 5.000000e-03 : f32
      %mul3A_85 = vector.broadcast %mul3A_84 : f32 to vector<16xf32>
      %mul3A_86 = arith.mulf %scan3A_59#3, %mul3A_85 : vector<16xf32>
      %swap3A_87 = arith.index_cast %add3A_40 : i32 to index
      %swap3A_88 = arith.constant 48 : index
      %swap3A_89 = tpu.vector_load %arg7[%swap3A_87, %swap3A_88] {strides = array<i32>} : memref<128x64xf32, #tpu.memory_space<vmem>>, vector<1x16xf32>,
      %swap3A_90 = vector.shape_cast %swap3A_89 : vector<1x16xf32> to vector<16xf32>
      %swap3A_91 = vector.shape_cast %mul3A_86 : vector<16xf32> to vector<1x16xf32>
      tpu.vector_store %arg7[%swap3A_87, %swap3A_88], %swap3A_91 {strides = array<i32>} : memref<128x64xf32, #tpu.memory_space<vmem>>, vector<1x16xf32>,
      %add3A_92 = arith.constant 2 : i32
      %add3A_93 = arith.addi %add3A_40, %add3A_92 : i32
      %lt3A = arith.constant 128 : i32
      %lt3A_94 = arith.cmpi slt, %add3A_93, %lt3A : i32
      %convert_element_type3A = arith.extui %lt3A_94 : i1 to i32
      %cond3A = arith.constant 0 : i32
      %cond3A_95 = arith.cmpi ne, %convert_element_type3A, %cond3A : i32
      scf.if %cond3A_95 {
        %add3A_159 = arith.constant 2 : i32
        %add3A_160 = arith.addi %add3A_40, %add3A_159 : i32
        %mul3A_161 = arith.constant 200 : i32
        %mul3A_162 = arith.muli %add3A_160, %mul3A_161 : i32
        %dma_start3A_163 = arith.constant 0 : i32
        %dma_start3A_164 = arith.constant 0 : i32
        %dma_start3A_165 = arith.constant 0 : i32
        %dma_start3A_166 = arith.constant 0 : i32
        %dma_start3A_167 = tpu.memref_slice %arg6[%dma_start3A_163, %dma_start3A_165, %dma_start3A_166] : memref<2x200x128xf32, #tpu.memory_space<vmem>> -> memref<1x200x128xf32, #tpu.memory_space<vmem>>
        %dma_start3A_168 = tpu.memref_squeeze %dma_start3A_167 : memref<1x200x128xf32, #tpu.memory_space<vmem>> -> memref<200x128xf32, #tpu.memory_space<vmem>>
        %dma_start3A_169 = tpu.memref_slice %arg5[%mul3A_162] : memref<25600xi32, #tpu.memory_space<vmem>> -> memref<200xi32, #tpu.memory_space<vmem>>
        %dma_start3A_170 = arith.constant 0 : i32
        %dma_start3A_171 = arith.constant 0 : i32
        %dma_start3A_172 = tpu.memref_slice %arg3[%dma_start3A_170, %dma_start3A_171] : memref<1000000x128xf32, #tpu.memory_space<hbm>> -> memref<1000000x128xf32, #tpu.memory_space<hbm>>
        %dma_start3A_173 = tpu.memref_slice %arg8[%dma_start3A_164] : memref<2x!tpu.dma_semaphore, #tpu.memory_space<semaphore_mem>> -> memref<1x!tpu.dma_semaphore, #tpu.memory_space<semaphore_mem>>
        %dma_start3A_174 = tpu.memref_squeeze %dma_start3A_173 : memref<1x!tpu.dma_semaphore, #tpu.memory_space<semaphore_mem>> -> memref<!tpu.dma_semaphore, #tpu.memory_space<semaphore_mem>>
        tpu.enqueue_indirect_dma source(%dma_start3A_172 : memref<1000000x128xf32, #tpu.memory_space<hbm>>) target(%dma_start3A_168 : memref<200x128xf32, #tpu.memory_space<vmem>>) offsets(%dma_start3A_169 : memref<200xi32, #tpu.memory_space<vmem>>) semaphore(%dma_start3A_174 : memref<!tpu.dma_semaphore, #tpu.memory_space<semaphore_mem>>)
      } else {
      }
      %add3A_96 = arith.constant 1 : i32
      %add3A_97 = arith.addi %add3A_38, %add3A_96 : i32
      %mul3A_98 = arith.constant 200 : i32
      %mul3A_99 = arith.muli %add3A_97, %mul3A_98 : i32
      %dma_wait3A_100 = arith.constant 1 : i32
      %dma_wait3A_101 = arith.constant 1 : i32
      %dma_wait3A_102 = arith.constant 0 : i32
      %dma_wait3A_103 = arith.constant 0 : i32
      %dma_wait3A_104 = tpu.memref_slice %arg6[%dma_wait3A_100, %dma_wait3A_102, %dma_wait3A_103] : memref<2x200x128xf32, #tpu.memory_space<vmem>> -> memref<1x200x128xf32, #tpu.memory_space<vmem>>
      %dma_wait3A_105 = tpu.memref_squeeze %dma_wait3A_104 : memref<1x200x128xf32, #tpu.memory_space<vmem>> -> memref<200x128xf32, #tpu.memory_space<vmem>>
      %dma_wait3A_106 = tpu.memref_slice %arg5[%mul3A_99] : memref<25600xi32, #tpu.memory_space<vmem>> -> memref<200xi32, #tpu.memory_space<vmem>>
      %dma_wait3A_107 = arith.constant 0 : i32
      %dma_wait3A_108 = arith.constant 0 : i32
      %dma_wait3A_109 = tpu.memref_slice %arg3[%dma_wait3A_107, %dma_wait3A_108] : memref<1000000x128xf32, #tpu.memory_space<hbm>> -> memref<1000000x128xf32, #tpu.memory_space<hbm>>
      %dma_wait3A_110 = tpu.memref_slice %arg8[%dma_wait3A_101] : memref<2x!tpu.dma_semaphore, #tpu.memory_space<semaphore_mem>> -> memref<1x!tpu.dma_semaphore, #tpu.memory_space<semaphore_mem>>
      %dma_wait3A_111 = tpu.memref_squeeze %dma_wait3A_110 : memref<1x!tpu.dma_semaphore, #tpu.memory_space<semaphore_mem>> -> memref<!tpu.dma_semaphore, #tpu.memory_space<semaphore_mem>>
      tpu.wait_indirect_dma semaphore(%dma_wait3A_111 : memref<!tpu.dma_semaphore, #tpu.memory_space<semaphore_mem>>) src(%dma_wait3A_109 : memref<1000000x128xf32, #tpu.memory_space<hbm>>) dst(%dma_wait3A_105 : memref<200x128xf32, #tpu.memory_space<vmem>>)
      %broadcast_in_dim3A_112 = arith.constant 0.000000e+00 : f32
      %broadcast_in_dim3A_113 = vector.broadcast %broadcast_in_dim3A_112 : f32 to vector<16xf32>
      %scan3A_114 = arith.constant 0 : i32
      %scan3A_115 = arith.constant 50 : i32
      %scan3A_116 = arith.addi %scan3A_114, %scan3A_115 : i32
      %scan3A_117 = arith.constant 1 : i32
      %scan3A_118:4 = scf.for %scan3A_159 = %scan3A_114 to %scan3A_116 step %scan3A_117 iter_args(%scan3A_160 = %broadcast_in_dim3A_113, %scan3A_161 = %broadcast_in_dim3A_113, %scan3A_162 = %broadcast_in_dim3A_113, %scan3A_163 = %broadcast_in_dim3A_113) -> (vector<16xf32>, vector<16xf32>, vector<16xf32>, vector<16xf32>)  : i32 {
        %mul3A_164 = arith.constant 4 : i32
        %mul3A_165 = arith.muli %scan3A_159, %mul3A_164 : i32
        %add3A_166 = arith.constant 0 : i32
        %add3A_167 = arith.addi %mul3A_165, %add3A_166 : i32
        %get3A = arith.constant 1 : i32
        %get3A_168 = arith.index_cast %get3A : i32 to index
        %get3A_169 = arith.index_cast %add3A_167 : i32 to index
        %get3A_170 = arith.constant 0 : index
        %get3A_171 = tpu.vector_load %arg6[%get3A_168, %get3A_169, %get3A_170] {strides = array<i32>} : memref<2x200x128xf32, #tpu.memory_space<vmem>>, vector<1x1x16xf32>,
        %get3A_172 = vector.shape_cast %get3A_171 : vector<1x1x16xf32> to vector<16xf32>
        %add3A_173 = arith.addf %scan3A_160, %get3A_172 : vector<16xf32>
        %add3A_174 = arith.constant 0 : i32
        %add3A_175 = arith.addi %mul3A_165, %add3A_174 : i32
        %get3A_176 = arith.constant 1 : i32
        %get3A_177 = arith.index_cast %get3A_176 : i32 to index
        %get3A_178 = arith.index_cast %add3A_175 : i32 to index
        %get3A_179 = arith.constant 16 : index
        %get3A_180 = tpu.vector_load %arg6[%get3A_177, %get3A_178, %get3A_179] {strides = array<i32>} : memref<2x200x128xf32, #tpu.memory_space<vmem>>, vector<1x1x16xf32>,
        %get3A_181 = vector.shape_cast %get3A_180 : vector<1x1x16xf32> to vector<16xf32>
        %add3A_182 = arith.addf %scan3A_161, %get3A_181 : vector<16xf32>
        %add3A_183 = arith.constant 0 : i32
        %add3A_184 = arith.addi %mul3A_165, %add3A_183 : i32
        %get3A_185 = arith.constant 1 : i32
        %get3A_186 = arith.index_cast %get3A_185 : i32 to index
        %get3A_187 = arith.index_cast %add3A_184 : i32 to index
        %get3A_188 = arith.constant 32 : index
        %get3A_189 = tpu.vector_load %arg6[%get3A_186, %get3A_187, %get3A_188] {strides = array<i32>} : memref<2x200x128xf32, #tpu.memory_space<vmem>>, vector<1x1x16xf32>,
        %get3A_190 = vector.shape_cast %get3A_189 : vector<1x1x16xf32> to vector<16xf32>
        %add3A_191 = arith.addf %scan3A_162, %get3A_190 : vector<16xf32>
        %add3A_192 = arith.constant 0 : i32
        %add3A_193 = arith.addi %mul3A_165, %add3A_192 : i32
        %get3A_194 = arith.constant 1 : i32
        %get3A_195 = arith.index_cast %get3A_194 : i32 to index
        %get3A_196 = arith.index_cast %add3A_193 : i32 to index
        %get3A_197 = arith.constant 48 : index
        %get3A_198 = tpu.vector_load %arg6[%get3A_195, %get3A_196, %get3A_197] {strides = array<i32>} : memref<2x200x128xf32, #tpu.memory_space<vmem>>, vector<1x1x16xf32>,
        %get3A_199 = vector.shape_cast %get3A_198 : vector<1x1x16xf32> to vector<16xf32>
        %add3A_200 = arith.addf %scan3A_163, %get3A_199 : vector<16xf32>
        %add3A_201 = arith.constant 1 : i32
        %add3A_202 = arith.addi %mul3A_165, %add3A_201 : i32
        %get3A_203 = arith.constant 1 : i32
        %get3A_204 = arith.index_cast %get3A_203 : i32 to index
        %get3A_205 = arith.index_cast %add3A_202 : i32 to index
        %get3A_206 = arith.constant 0 : index
        %get3A_207 = tpu.vector_load %arg6[%get3A_204, %get3A_205, %get3A_206] {strides = array<i32>} : memref<2x200x128xf32, #tpu.memory_space<vmem>>, vector<1x1x16xf32>,
        %get3A_208 = vector.shape_cast %get3A_207 : vector<1x1x16xf32> to vector<16xf32>
        %add3A_209 = arith.addf %add3A_173, %get3A_208 : vector<16xf32>
        %add3A_210 = arith.constant 1 : i32
        %add3A_211 = arith.addi %mul3A_165, %add3A_210 : i32
        %get3A_212 = arith.constant 1 : i32
        %get3A_213 = arith.index_cast %get3A_212 : i32 to index
        %get3A_214 = arith.index_cast %add3A_211 : i32 to index
        %get3A_215 = arith.constant 16 : index
        %get3A_216 = tpu.vector_load %arg6[%get3A_213, %get3A_214, %get3A_215] {strides = array<i32>} : memref<2x200x128xf32, #tpu.memory_space<vmem>>, vector<1x1x16xf32>,
        %get3A_217 = vector.shape_cast %get3A_216 : vector<1x1x16xf32> to vector<16xf32>
        %add3A_218 = arith.addf %add3A_182, %get3A_217 : vector<16xf32>
        %add3A_219 = arith.constant 1 : i32
        %add3A_220 = arith.addi %mul3A_165, %add3A_219 : i32
        %get3A_221 = arith.constant 1 : i32
        %get3A_222 = arith.index_cast %get3A_221 : i32 to index
        %get3A_223 = arith.index_cast %add3A_220 : i32 to index
        %get3A_224 = arith.constant 32 : index
        %get3A_225 = tpu.vector_load %arg6[%get3A_222, %get3A_223, %get3A_224] {strides = array<i32>} : memref<2x200x128xf32, #tpu.memory_space<vmem>>, vector<1x1x16xf32>,
        %get3A_226 = vector.shape_cast %get3A_225 : vector<1x1x16xf32> to vector<16xf32>
        %add3A_227 = arith.addf %add3A_191, %get3A_226 : vector<16xf32>
        %add3A_228 = arith.constant 1 : i32
        %add3A_229 = arith.addi %mul3A_165, %add3A_228 : i32
        %get3A_230 = arith.constant 1 : i32
        %get3A_231 = arith.index_cast %get3A_230 : i32 to index
        %get3A_232 = arith.index_cast %add3A_229 : i32 to index
        %get3A_233 = arith.constant 48 : index
        %get3A_234 = tpu.vector_load %arg6[%get3A_231, %get3A_232, %get3A_233] {strides = array<i32>} : memref<2x200x128xf32, #tpu.memory_space<vmem>>, vector<1x1x16xf32>,
        %get3A_235 = vector.shape_cast %get3A_234 : vector<1x1x16xf32> to vector<16xf32>
        %add3A_236 = arith.addf %add3A_200, %get3A_235 : vector<16xf32>
        %add3A_237 = arith.constant 2 : i32
        %add3A_238 = arith.addi %mul3A_165, %add3A_237 : i32
        %get3A_239 = arith.constant 1 : i32
        %get3A_240 = arith.index_cast %get3A_239 : i32 to index
        %get3A_241 = arith.index_cast %add3A_238 : i32 to index
        %get3A_242 = arith.constant 0 : index
        %get3A_243 = tpu.vector_load %arg6[%get3A_240, %get3A_241, %get3A_242] {strides = array<i32>} : memref<2x200x128xf32, #tpu.memory_space<vmem>>, vector<1x1x16xf32>,
        %get3A_244 = vector.shape_cast %get3A_243 : vector<1x1x16xf32> to vector<16xf32>
        %add3A_245 = arith.addf %add3A_209, %get3A_244 : vector<16xf32>
        %add3A_246 = arith.constant 2 : i32
        %add3A_247 = arith.addi %mul3A_165, %add3A_246 : i32
        %get3A_248 = arith.constant 1 : i32
        %get3A_249 = arith.index_cast %get3A_248 : i32 to index
        %get3A_250 = arith.index_cast %add3A_247 : i32 to index
        %get3A_251 = arith.constant 16 : index
        %get3A_252 = tpu.vector_load %arg6[%get3A_249, %get3A_250, %get3A_251] {strides = array<i32>} : memref<2x200x128xf32, #tpu.memory_space<vmem>>, vector<1x1x16xf32>,
        %get3A_253 = vector.shape_cast %get3A_252 : vector<1x1x16xf32> to vector<16xf32>
        %add3A_254 = arith.addf %add3A_218, %get3A_253 : vector<16xf32>
        %add3A_255 = arith.constant 2 : i32
        %add3A_256 = arith.addi %mul3A_165, %add3A_255 : i32
        %get3A_257 = arith.constant 1 : i32
        %get3A_258 = arith.index_cast %get3A_257 : i32 to index
        %get3A_259 = arith.index_cast %add3A_256 : i32 to index
        %get3A_260 = arith.constant 32 : index
        %get3A_261 = tpu.vector_load %arg6[%get3A_258, %get3A_259, %get3A_260] {strides = array<i32>} : memref<2x200x128xf32, #tpu.memory_space<vmem>>, vector<1x1x16xf32>,
        %get3A_262 = vector.shape_cast %get3A_261 : vector<1x1x16xf32> to vector<16xf32>
        %add3A_263 = arith.addf %add3A_227, %get3A_262 : vector<16xf32>
        %add3A_264 = arith.constant 2 : i32
        %add3A_265 = arith.addi %mul3A_165, %add3A_264 : i32
        %get3A_266 = arith.constant 1 : i32
        %get3A_267 = arith.index_cast %get3A_266 : i32 to index
        %get3A_268 = arith.index_cast %add3A_265 : i32 to index
        %get3A_269 = arith.constant 48 : index
        %get3A_270 = tpu.vector_load %arg6[%get3A_267, %get3A_268, %get3A_269] {strides = array<i32>} : memref<2x200x128xf32, #tpu.memory_space<vmem>>, vector<1x1x16xf32>,
        %get3A_271 = vector.shape_cast %get3A_270 : vector<1x1x16xf32> to vector<16xf32>
        %add3A_272 = arith.addf %add3A_236, %get3A_271 : vector<16xf32>
        %add3A_273 = arith.constant 3 : i32
        %add3A_274 = arith.addi %mul3A_165, %add3A_273 : i32
        %get3A_275 = arith.constant 1 : i32
        %get3A_276 = arith.index_cast %get3A_275 : i32 to index
        %get3A_277 = arith.index_cast %add3A_274 : i32 to index
        %get3A_278 = arith.constant 0 : index
        %get3A_279 = tpu.vector_load %arg6[%get3A_276, %get3A_277, %get3A_278] {strides = array<i32>} : memref<2x200x128xf32, #tpu.memory_space<vmem>>, vector<1x1x16xf32>,
        %get3A_280 = vector.shape_cast %get3A_279 : vector<1x1x16xf32> to vector<16xf32>
        %add3A_281 = arith.addf %add3A_245, %get3A_280 : vector<16xf32>
        %add3A_282 = arith.constant 3 : i32
        %add3A_283 = arith.addi %mul3A_165, %add3A_282 : i32
        %get3A_284 = arith.constant 1 : i32
        %get3A_285 = arith.index_cast %get3A_284 : i32 to index
        %get3A_286 = arith.index_cast %add3A_283 : i32 to index
        %get3A_287 = arith.constant 16 : index
        %get3A_288 = tpu.vector_load %arg6[%get3A_285, %get3A_286, %get3A_287] {strides = array<i32>} : memref<2x200x128xf32, #tpu.memory_space<vmem>>, vector<1x1x16xf32>,
        %get3A_289 = vector.shape_cast %get3A_288 : vector<1x1x16xf32> to vector<16xf32>
        %add3A_290 = arith.addf %add3A_254, %get3A_289 : vector<16xf32>
        %add3A_291 = arith.constant 3 : i32
        %add3A_292 = arith.addi %mul3A_165, %add3A_291 : i32
        %get3A_293 = arith.constant 1 : i32
        %get3A_294 = arith.index_cast %get3A_293 : i32 to index
        %get3A_295 = arith.index_cast %add3A_292 : i32 to index
        %get3A_296 = arith.constant 32 : index
        %get3A_297 = tpu.vector_load %arg6[%get3A_294, %get3A_295, %get3A_296] {strides = array<i32>} : memref<2x200x128xf32, #tpu.memory_space<vmem>>, vector<1x1x16xf32>,
        %get3A_298 = vector.shape_cast %get3A_297 : vector<1x1x16xf32> to vector<16xf32>
        %add3A_299 = arith.addf %add3A_263, %get3A_298 : vector<16xf32>
        %add3A_300 = arith.constant 3 : i32
        %add3A_301 = arith.addi %mul3A_165, %add3A_300 : i32
        %get3A_302 = arith.constant 1 : i32
        %get3A_303 = arith.index_cast %get3A_302 : i32 to index
        %get3A_304 = arith.index_cast %add3A_301 : i32 to index
        %get3A_305 = arith.constant 48 : index
        %get3A_306 = tpu.vector_load %arg6[%get3A_303, %get3A_304, %get3A_305] {strides = array<i32>} : memref<2x200x128xf32, #tpu.memory_space<vmem>>, vector<1x1x16xf32>,
        %get3A_307 = vector.shape_cast %get3A_306 : vector<1x1x16xf32> to vector<16xf32>
        %add3A_308 = arith.addf %add3A_272, %get3A_307 : vector<16xf32>
        scf.yield %add3A_281, %add3A_290, %add3A_299, %add3A_308 : vector<16xf32>, vector<16xf32>, vector<16xf32>, vector<16xf32>
      }
      %scan3A_119 = arith.constant 50 : i32
      %mul3A_120 = arith.constant 5.000000e-03 : f32
      %mul3A_121 = vector.broadcast %mul3A_120 : f32 to vector<16xf32>
      %mul3A_122 = arith.mulf %scan3A_118#0, %mul3A_121 : vector<16xf32>
      %swap3A_123 = arith.index_cast %add3A_97 : i32 to index
      %swap3A_124 = arith.constant 0 : index
      %swap3A_125 = tpu.vector_load %arg7[%swap3A_123, %swap3A_124] {strides = array<i32>} : memref<128x64xf32, #tpu.memory_space<vmem>>, vector<1x16xf32>,
      %swap3A_126 = vector.shape_cast %swap3A_125 : vector<1x16xf32> to vector<16xf32>
      %swap3A_127 = vector.shape_cast %mul3A_122 : vector<16xf32> to vector<1x16xf32>
      tpu.vector_store %arg7[%swap3A_123, %swap3A_124], %swap3A_127 {strides = array<i32>} : memref<128x64xf32, #tpu.memory_space<vmem>>, vector<1x16xf32>,
      %mul3A_128 = arith.constant 5.000000e-03 : f32
      %mul3A_129 = vector.broadcast %mul3A_128 : f32 to vector<16xf32>
      %mul3A_130 = arith.mulf %scan3A_118#1, %mul3A_129 : vector<16xf32>
      %swap3A_131 = arith.index_cast %add3A_97 : i32 to index
      %swap3A_132 = arith.constant 16 : index
      %swap3A_133 = tpu.vector_load %arg7[%swap3A_131, %swap3A_132] {strides = array<i32>} : memref<128x64xf32, #tpu.memory_space<vmem>>, vector<1x16xf32>,
      %swap3A_134 = vector.shape_cast %swap3A_133 : vector<1x16xf32> to vector<16xf32>
      %swap3A_135 = vector.shape_cast %mul3A_130 : vector<16xf32> to vector<1x16xf32>
      tpu.vector_store %arg7[%swap3A_131, %swap3A_132], %swap3A_135 {strides = array<i32>} : memref<128x64xf32, #tpu.memory_space<vmem>>, vector<1x16xf32>,
      %mul3A_136 = arith.constant 5.000000e-03 : f32
      %mul3A_137 = vector.broadcast %mul3A_136 : f32 to vector<16xf32>
      %mul3A_138 = arith.mulf %scan3A_118#2, %mul3A_137 : vector<16xf32>
      %swap3A_139 = arith.index_cast %add3A_97 : i32 to index
      %swap3A_140 = arith.constant 32 : index
      %swap3A_141 = tpu.vector_load %arg7[%swap3A_139, %swap3A_140] {strides = array<i32>} : memref<128x64xf32, #tpu.memory_space<vmem>>, vector<1x16xf32>,
      %swap3A_142 = vector.shape_cast %swap3A_141 : vector<1x16xf32> to vector<16xf32>
      %swap3A_143 = vector.shape_cast %mul3A_138 : vector<16xf32> to vector<1x16xf32>
      tpu.vector_store %arg7[%swap3A_139, %swap3A_140], %swap3A_143 {strides = array<i32>} : memref<128x64xf32, #tpu.memory_space<vmem>>, vector<1x16xf32>,
      %mul3A_144 = arith.constant 5.000000e-03 : f32
      %mul3A_145 = vector.broadcast %mul3A_144 : f32 to vector<16xf32>
      %mul3A_146 = arith.mulf %scan3A_118#3, %mul3A_145 : vector<16xf32>
      %swap3A_147 = arith.index_cast %add3A_97 : i32 to index
      %swap3A_148 = arith.constant 48 : index
      %swap3A_149 = tpu.vector_load %arg7[%swap3A_147, %swap3A_148] {strides = array<i32>} : memref<128x64xf32, #tpu.memory_space<vmem>>, vector<1x16xf32>,
      %swap3A_150 = vector.shape_cast %swap3A_149 : vector<1x16xf32> to vector<16xf32>
      %swap3A_151 = vector.shape_cast %mul3A_146 : vector<16xf32> to vector<1x16xf32>
      tpu.vector_store %arg7[%swap3A_147, %swap3A_148], %swap3A_151 {strides = array<i32>} : memref<128x64xf32, #tpu.memory_space<vmem>>, vector<1x16xf32>,
      %add3A_152 = arith.constant 2 : i32
      %add3A_153 = arith.addi %add3A_97, %add3A_152 : i32
      %lt3A_154 = arith.constant 128 : i32
      %lt3A_155 = arith.cmpi slt, %add3A_153, %lt3A_154 : i32
      %convert_element_type3A_156 = arith.extui %lt3A_155 : i1 to i32
      %cond3A_157 = arith.constant 0 : i32
      %cond3A_158 = arith.cmpi ne, %convert_element_type3A_156, %cond3A_157 : i32
      scf.if %cond3A_158 {
        %add3A_159 = arith.constant 2 : i32
        %add3A_160 = arith.addi %add3A_97, %add3A_159 : i32
        %mul3A_161 = arith.constant 200 : i32
        %mul3A_162 = arith.muli %add3A_160, %mul3A_161 : i32
        %dma_start3A_163 = arith.constant 1 : i32
        %dma_start3A_164 = arith.constant 1 : i32
        %dma_start3A_165 = arith.constant 0 : i32
        %dma_start3A_166 = arith.constant 0 : i32
        %dma_start3A_167 = tpu.memref_slice %arg6[%dma_start3A_163, %dma_start3A_165, %dma_start3A_166] : memref<2x200x128xf32, #tpu.memory_space<vmem>> -> memref<1x200x128xf32, #tpu.memory_space<vmem>>
        %dma_start3A_168 = tpu.memref_squeeze %dma_start3A_167 : memref<1x200x128xf32, #tpu.memory_space<vmem>> -> memref<200x128xf32, #tpu.memory_space<vmem>>
        %dma_start3A_169 = tpu.memref_slice %arg5[%mul3A_162] : memref<25600xi32, #tpu.memory_space<vmem>> -> memref<200xi32, #tpu.memory_space<vmem>>
        %dma_start3A_170 = arith.constant 0 : i32
        %dma_start3A_171 = arith.constant 0 : i32
        %dma_start3A_172 = tpu.memref_slice %arg3[%dma_start3A_170, %dma_start3A_171] : memref<1000000x128xf32, #tpu.memory_space<hbm>> -> memref<1000000x128xf32, #tpu.memory_space<hbm>>
        %dma_start3A_173 = tpu.memref_slice %arg8[%dma_start3A_164] : memref<2x!tpu.dma_semaphore, #tpu.memory_space<semaphore_mem>> -> memref<1x!tpu.dma_semaphore, #tpu.memory_space<semaphore_mem>>
        %dma_start3A_174 = tpu.memref_squeeze %dma_start3A_173 : memref<1x!tpu.dma_semaphore, #tpu.memory_space<semaphore_mem>> -> memref<!tpu.dma_semaphore, #tpu.memory_space<semaphore_mem>>
        tpu.enqueue_indirect_dma source(%dma_start3A_172 : memref<1000000x128xf32, #tpu.memory_space<hbm>>) target(%dma_start3A_168 : memref<200x128xf32, #tpu.memory_space<vmem>>) offsets(%dma_start3A_169 : memref<200xi32, #tpu.memory_space<vmem>>) semaphore(%dma_start3A_174 : memref<!tpu.dma_semaphore, #tpu.memory_space<semaphore_mem>>)
      } else {
      }
    }
    %scan3A_33 = arith.constant 64 : i32
    "tpu.region"() ({
      %run_scoped3A = tpu.sem_alloc : memref<!tpu.dma_semaphore, #tpu.memory_space<semaphore_mem>>
      %dma_start3A_34 = arith.constant 0 : i32
      %dma_start3A_35 = tpu.memref_slice %arg4[%mul3A_2, %dma_start3A_34] : memref<4096x64xf32, #tpu.memory_space<hbm>> -> memref<128x64xf32, #tpu.memory_space<hbm>>
      %dma_start3A_36 = arith.constant 0 : i32
      %dma_start3A_37 = tpu.memref_slice %arg4[%mul3A_2, %dma_start3A_36] : memref<4096x64xf32, #tpu.memory_space<hbm>> -> memref<128x64xf32, #tpu.memory_space<hbm>>
      tpu.enqueue_dma source(%arg7 : memref<128x64xf32, #tpu.memory_space<vmem>>) target(%dma_start3A_37 : memref<128x64xf32, #tpu.memory_space<hbm>>) target_semaphore(%run_scoped3A : memref<!tpu.dma_semaphore, #tpu.memory_space<semaphore_mem>>)
      %dma_wait3A = arith.constant 0 : i32
      %dma_wait3A_38 = tpu.memref_slice %arg4[%mul3A_2, %dma_wait3A] : memref<4096x64xf32, #tpu.memory_space<hbm>> -> memref<128x64xf32, #tpu.memory_space<hbm>>
      %dma_wait3A_39 = arith.constant 0 : i32
      %dma_wait3A_40 = tpu.memref_slice %arg4[%mul3A_2, %dma_wait3A_39] : memref<4096x64xf32, #tpu.memory_space<hbm>> -> memref<128x64xf32, #tpu.memory_space<hbm>>
      tpu.wait_dma2 semaphore(%run_scoped3A : memref<!tpu.dma_semaphore, #tpu.memory_space<semaphore_mem>>) src(%arg7 : memref<128x64xf32, #tpu.memory_space<vmem>>) dst(%dma_wait3A_40 : memref<128x64xf32, #tpu.memory_space<hbm>>)
      tpu.yield
    }) : () -> ()
    return
  }
}

</mosaic_0001>

<sc_bundles>
// kernel: kernel.4.cloned.1.call-start
scs
__scs_entry_jumppad:
0x0: {  	(pc) =	sbr.rel $0x88, $3  }
0x1: {  	(tag) =	ssettag $0x0;
	lr =	simm.s32 $0x1  }
0x2: {  	[smem:$0x3F9F] =	sst lr;
	_ =	strace $0xD0000000  }
0x3: {  	_ = 	snop  }
0x4: {  	_ = 	snop  }
0x5: {  	_ = 	snop  }
0x6: {  	_ = 	snop  }
0x7: {  	_ = 	snop  }
__scs_overlays_trampoline_lowered:
0x8: {  	[smem:$0x3FAE] =	sst s0  }
0x9: {  	[smem:$0x3FAF] =	sst s1  }
0xa: {  	[smem:$0x3FB0] =	sst s2  }
0xb: {  	[smem:$0x3FB1] =	sst s3  }
0xc: {  	[smem:$0x3FB2] =	sst s4  }
0xd: {  	[smem:$0x3FB3] =	sst s5  }
0xe: {  	[smem:$0x3FB4] =	sst s6  }
0xf: {  	[smem:$0x3FB5] =	sst s7  }
0x10: {  	[smem:$0x3FB6] =	sst s8  }
0x11: {  	[smem:$0x3FB7] =	sst s9;
	s0 =	simm.s32 @!p0 $0x0  }
0x12: {  	s1 =	sld [smem:$0x3F9D];
	s0 =	simm.s32 @p0 $0x1  }
0x13: {  	[smem:$0x3FB8] =	sst s0;
	s0 =	simm.s32 @!p1 $0x0  }
0x14: {  	s2 =	sld [smem:$0x3F9C];
	s0 =	simm.s32 @p1 $0x1  }
0x15: {  	[smem:$0x3FB9] =	sst s0;
	s0 =	simm.s32 @!p2 $0x0  }
0x16: {  	s3 =	sld [smem:$0x3FDB];
	s0 =	simm.s32 @p2 $0x1  }
0x17: {  	s4 =	simm.s32 $0x1BF5;
	[smem:$0x3FBB] =	sst s0  }
0x18: {  	s0 =	sld [smem:$0x3F9E];
	_ =	swait.ge [sflag:s4], $0x0  }
0x19: {  	s7 =	sld [smem:$0x3F9F]  }
0x1a: {  	s8 =	sadd.s32 $0xFFFFE003, lr  }
0x1b: {  	s9 =	sadd.s32 $0xFFFFFEF7, lr;
	s5 =	simm.s32 $0xFFFFFFFF;
	p2 =	slt.u32 s8, $0xFFFFF086  }
0x1c: {  	p1 =	slt.u32 s9, $0xF7A;
	s5 =	simm.s32 @!p2 $0x0  }
0x1d: {  	s5 =	simm.s32 @p1 $0x1;
	p0 =	seq.s32 s7, s2  }
0x1e: {  	s7 =	smul.u32 @!p0 $0xF7A, s2;
	p2 =	seq.s32 @!p0 s5, $0x0  }
0x1f: {  	s9 =	smul.u32 $0xF7A, s1;
	s8 =	simm.s32 @!p0 $0x1BF5;
	p2 =	por !p2, p0  }
0x20: {  	[sflag:s8] =	ssyncset.s32 @!p0 $0xFFFFF086;
	s6 =	sadd.s32 @!p0 s3, s7;
	s7 =	simm.s32 @!p0 $0x108  }
0x21: {  	s3 =	sadd.s32 s3, s9;
	s6 =	sadd.s32 @!p0 $0x88, s6;
	s7 =	simm.s32 @p2 $0x1082  }
0x22: {  	[simem:s7], [sflag:s8] =	dma.local @!p0 [hbm:s6], $0xF7A  }
0x23: {  	s9 =	sor.u32 $0xD0000000, s2;
	s6 =	simm.s32 $0x108;
	_ =	swait.ge @!p0 [sflag:s8], $0x0  }
0x24: {  	s3 =	sadd.s32 $0x88, s3;
	s6 =	simm.s32 @!p1 $0x1082;
	[sflag:s4] =	ssyncset.s32 $0xFFFFF086  }
0x25: {  	[simem:s6], [sflag:s4] =	dma.local [hbm:s3], $0xF7A  }
0x26: {  	[smem:$0x3F9F] =	sst s1;
	(tag) =	ssettag s2;
	_ =	strace s9  }
0x27: {  	s1 =	sld [smem:$0x3FAF]  }
0x28: {  	s2 =	sld [smem:$0x3FB0]  }
0x29: {  	s4 =	sld [smem:$0x3FB2]  }
0x2a: {  	p0 =	seq.s32 s5, $0x0;
	s5 =	sld [smem:$0x3FB3]  }
0x2b: {  	s6 =	sld [smem:$0x3FB4]  }
0x2c: {  	s7 =	sld [smem:$0x3FB5]  }
0x2d: {  	s3 =	simm.s32 $0x108;
	s8 =	sld [smem:$0x3FB6]  }
0x2e: {  	s3 =	simm.s32 @!p0 $0x1082;
	s9 =	sld [smem:$0x3FB7]  }
0x2f: {  	lr =	sadd.s32 s0, s3;
	s0 =	sld [smem:$0x3FAE]  }
0x30: {  	s3 =	sld [smem:$0x3FB1]  }
0x31: {  	[smem:$0x3FBA] =	sst s10  }
0x32: {  	s10 =	sld [smem:$0x3FB8];
	_ =	sdelay $0x3  }
0x33: {  	p0 =	seq.s32 s10, $0x1;
	s10 =	sld [smem:$0x3FBA];
	_ =	sdelay $0x3  }
0x34: {  	[smem:$0x3FBA] =	sst s10  }
0x35: {  	s10 =	sld [smem:$0x3FB9];
	_ =	sdelay $0x3  }
0x36: {  	p1 =	seq.s32 s10, $0x1;
	s10 =	sld [smem:$0x3FBA];
	_ =	sdelay $0x3  }
0x37: {  	[smem:$0x3FBA] =	sst s10  }
0x38: {  	s10 =	sld [smem:$0x3FBB]  }
0x39: {  	_ = 	snop;
	(pc) =	sbr.ind lr, $3  }
0x3a: {  	_ = 	snop  }
0x3b: {  	_ = 	snop  }
0x3c: {  	p2 =	seq.s32 s10, $0x1;
	s10 =	sld [smem:$0x3FBA]  }
0x3d: {  	_ =	shalt  }
0x3e: {  	_ =	shalt  }
0x3f: {  	_ =	shalt  }
0x40: {  	_ =	shalt  }
0x41: {  	_ =	shalt  }
0x42: {  	_ =	shalt  }
0x43: {  	_ =	shalt  }
0x44: {  	_ =	shalt  }
0x45: {  	_ =	shalt  }
0x46: {  	_ =	shalt  }
0x47: {  	_ =	shalt  }
0x48: {  	_ =	shalt  }
0x49: {  	_ =	shalt  }
0x4a: {  	_ =	shalt  }
0x4b: {  	_ =	shalt  }
0x4c: {  	_ =	shalt  }
0x4d: {  	_ =	shalt  }
0x4e: {  	_ =	shalt  }
0x4f: {  	_ =	shalt  }
0x50: {  	_ =	shalt  }
0x51: {  	_ =	shalt  }
0x52: {  	_ =	shalt  }
0x53: {  	_ =	shalt  }
0x54: {  	_ =	shalt  }
0x55: {  	_ =	shalt  }
0x56: {  	_ =	shalt  }
0x57: {  	_ =	shalt  }
0x58: {  	_ =	shalt  }
0x59: {  	_ =	shalt  }
0x5a: {  	_ =	shalt  }
0x5b: {  	_ =	shalt  }
0x5c: {  	_ =	shalt  }
0x5d: {  	_ =	shalt  }
0x5e: {  	_ =	shalt  }
0x5f: {  	_ =	shalt  }
0x60: {  	_ =	shalt  }
0x61: {  	_ =	shalt  }
0x62: {  	_ =	shalt  }
0x63: {  	_ =	shalt  }
0x64: {  	_ =	shalt  }
0x65: {  	_ =	shalt  }
0x66: {  	_ =	shalt  }
0x67: {  	_ =	shalt  }
0x68: {  	_ =	shalt  }
0x69: {  	_ =	shalt  }
0x6a: {  	_ =	shalt  }
0x6b: {  	_ =	shalt  }
0x6c: {  	_ =	shalt  }
0x6d: {  	_ =	shalt  }
0x6e: {  	_ =	shalt  }
0x6f: {  	_ =	shalt  }
0x70: {  	_ =	shalt  }
0x71: {  	_ =	shalt  }
0x72: {  	_ =	shalt  }
0x73: {  	_ =	shalt  }
0x74: {  	_ =	shalt  }
0x75: {  	_ =	shalt  }
0x76: {  	_ =	shalt  }
0x77: {  	_ =	shalt  }
0x78: {  	_ =	shalt  }
0x79: {  	_ =	shalt  }
0x7a: {  	_ =	shalt  }
0x7b: {  	_ =	shalt  }
0x7c: {  	_ =	shalt  }
0x7d: {  	_ =	shalt  }
0x7e: {  	_ =	shalt  }
0x7f: {  	_ =	shalt  }
0x80: {  	_ =	shalt  }
0x81: {  	_ =	shalt  }
0x82: {  	_ =	shalt  }
0x83: {  	_ =	shalt  }
0x84: {  	_ =	shalt  }
0x85: {  	_ =	shalt  }
0x86: {  	_ =	shalt  }
0x87: {  	_ =	shalt  }
.Lfunc_end0:
.L_simem_size_0:
called_computation_lowered:
.L_overlay_start_0:
0x88: {  	s2 =	sld [smem:$0x3FD9]  }
0x89: {  	s3 =	sld [smem:$0x3FFE];
	_ =	sdelay $0x1  }
0x8a: {  	s1 =	srdreg.scid  }
0x8b: {  	s0 =	sand.u32 $0x1, s1  }
0x8c: {  	s17 =	sshll.u32 s0, $0xA;
	s2 =	sadd.s32 s3, s2  }
0x8d: {  	s2 =	sadd.s32 s2, s17  }
0x8e: {  	[smem:$0x3FC6] =	sst s2  }
0x8f: {  	_ = 	snop  }
0x90: {  	s2 =	sld [smem:$0x3FC8]  }
0x91: {  	s18 =	sld [smem:$0x3FD0];
	(tm) =	ssettm $0x1  }
0x92: {  	s4 =	sld [smem:$0x3FFB];
	_ =	sdelay $0x3  }
0x93: {  	_ =	strace s4  }
0x94: {  	s4 =	sld [smem:$0x3FFC];
	_ =	sdelay $0x3  }
0x95: {  	_ =	strace s4  }
0x96: {  	s4 =	sld [smem:$0x3FFD];
	_ =	sdelay $0x3  }
0x97: {  	_ =	strace s4  }
0x98: {  	_ =	strace $0x8FFFFFFF  }
0x99: {  	s19 =	sld [smem:$0x3FDB];
	_ =	sdelay $0x1  }
0x9a: {  	s5 =	simm.s32 $_scs_section_size  }
0x9b: {  	s6 =	simm.s32 $_size__tile_overlayer_lowered;
	s7 =	simm.s32 $_tile_overlayer_lowered  }
0x9c: {  	s22 =	simm.s32 $0x1BFF;
	s21 =	sshll.u32 s7, $0x1;
	s4 =	sadd.s32 s5, s19  }
0x9d: {  	s8 =	simm.s32 $0x0;
	s20 =	sshll.u32 s6, $0x1;
	s6 =	sadd.s32 s21, s4  }
0x9e: {  	[timem:s8], [sflag:s22] =	dma.local [hbm:s6], s20  }
0x9f: {  	_ =	swait.ge [sflag:s22], s20  }
0xa0: {  	s5 =	ssub.s32 $0x0, s20;
	[sflag:s22] =	ssyncset.done $0x0  }
0xa1: {  	[sflag:s22] =	ssyncadd.s32 s5;
	_ =	sdelay $0x1  }
0xa2: {  	s23 =	simm.s32 $0x1B8B  }
0xa3: {  	_ =	swait.ge [sflag:s23], $0x1  }
0xa4: {  	[sflag:s23] =	ssyncset.done $0x0  }
0xa5: {  	s25 =	simm.s32 $0x1B8E;
	s24 =	sld [smem:$0x3FFE];
	[sflag:s23] =	ssyncadd.s32 $0xFFFFFFFF  }
0xa6: {  	s26 =	simm.s32 $execute0_lowered;
	[smem:$0x3FD2] =	sst s25  }
0xa7: {  	s6 =	sshll.u32 s26, $0x1;
	_ =	strace $0x80000046;
	[dreg:$0x1] =	wrdreg $0xFFFFFFFF  }
0xa8: {  	s28 =	simm.s32 $_size_execute0_lowered;
	s4 =	sadd.s32 s4, s6;
	[dreg:$0x0] =	wrdreg $0x0  }
0xa9: {  	s6 =	sshll.u32 s28, $0x1;
	[dreg:$0x2] =	wrdreg s4  }
0xaa: {  	[dreg:$0x3] =	wrdreg s6  }
0xab: {  	[dreg:$0x4] =	wrdreg $0xC0  }
0xac: {  	_ =	task [dreg:s8], $0x5FFFF  }
0xad: {  	[dreg:$0x1] =	wrdreg $0xFFFFFFFF  }
0xae: {  	[dreg:$0x0] =	wrdreg $0x60  }
0xaf: {  	[dreg:$0x2] =	wrdreg s2  }
0xb0: {  	[dreg:$0x3] =	wrdreg s18  }
0xb1: {  	[dreg:$0x4] =	wrdreg s24  }
0xb2: {  	[dreg:$0x5] =	wrdreg $0x9  }
0xb3: {  	_ =	task.clear_ibuf [dreg:s8], $0x6FFFF;
	_ =	strace $0x90000046  }
0xb4: {  	s29 =	simm.s32 $0x9;
	_ =	strace $0x80000048  }
0xb5: {  	_ =	swait.ge [sflag:s29], $0x1  }
0xb6: {  	[sflag:s29] =	ssyncadd.s32 $0xFFFFFFFF  }
0xb7: {  	_ =	strace $0x90000048  }
0xb8: {  	_ =	sfence  }
0xb9: {  	s30 =	sld [smem:$0x0];
	_ =	sdelay $0x2  }
0xba: {  	s31 =	sshll.u32 s1, $0xD;
	s1 =	sshrl.u32 s1, $0x2  }
0xbb: {  	s3 =	sand.u32 $0x4000, s31;
	s1 =	sadd.s32 s1, s30  }
0xbc: {  	s0 =	sor.u32 s3, s0;
	s1 =	sshll.u32 s1, $0x11  }
0xbd: {  	s0 =	sor.u32 s1, s0  }
0xbe: {  	s0 =	sadd.s32 $0x8F2B, s0  }
0xbf: {  	[sflag:s0] =	ssyncadd.remote.s32 $0x1  }
0xc0: {  	_ =	sfence.sel $0xFFFF  }
0xc1: {  	[dreg:$0x0] =	wrdreg $0xFFFFFFFF;
	(pc) =	sbr.abs _section_cstart, $3  }
0xc2: {  	[dreg:$0x1] =	wrdreg $0xFFFFFFFF  }
0xc3: {  	_ =	task.clear_ibuf [dreg:s8], $0x2FFFF;
	_ =	strace $0x9FFFFFFF  }
0xc4: {  	(tm) =	ssettm $0x7FFFFFFF  }
0xc5: {  	_ =	shalt  }
tec
execute0_lowered:
.L_overlay_start_1:
0x0: {  	(tag) =	ssettag $0x1  }
0x1: {  	s4 =	rddreg [dreg:$0x0]  }
0x2: {  	s1 =	rddreg [dreg:$0x1];
	v0 =	vlaneseq.u32  }
0x3: {  	s8 =	rddreg [dreg:$0x2];
	v0 =	vmul.u32 $0x80, v0  }
0x4: {  	s0 =	rddreg [dreg:$0x3]  }
0x5: {  	s3 =	simm.s32 $0x0;
	s5 =	srdreg.scid;
	s2 =	stileid.u32;
	v1 =	vor.u32 $0x800, v0  }
0x6: {  	s11 =	simm.s32 $0x7A1400;
	s12 =	simm.s32 $0x2000;
	s13 =	simm.s32 $0x1;
	v2 =	vor.u32 $0x1000, v0;
	v3 =	vor.u32 $0x1800, v0;
	v4 =	vor.u32 $0x1, v0  }
0x7: {  	s14 =	simm.s32 $0x4000;
	s15 =	simm.s32 $0x2;
	s16 =	simm.s32 $0x8000;
	v5 =	vor.u32 $0x801, v0;
	v6 =	vor.u32 $0x1001, v0;
	v7 =	vor.u32 $0x1801, v0  }
0x8: {  	s18 =	simm.s32 $0x4;
	s5 =	sand.u32 $0x1, s5;
	s6 =	sshll.u32 s2, $0x1;
	v8 =	vor.u32 $0x2, v0;
	v9 =	vor.u32 $0x802, v0;
	v10 =	vor.u32 $0x1002, v0  }
0x9: {  	s19 =	simm.s32 $0x0;
	[smem:$0x7FF] =	sst s3;
	s17 =	sor.u32 s5, s6;
	v11 =	vor.u32 $0x1802, v0;
	v12 =	vor.u32 $0x3, v0;
	v13 =	vor.u32 $0x803, v0  }
0xa: {  	_ =	strace $0x80000047;
	s5 =	ssub.s32 $0x2, s5;
	s6 =	sshll.u32 s17, $0xB;
	v14 =	vor.u32 $0x1003, v0;
	v15 =	vor.u32 $0x1803, v0;
	v16 =	vor.u32 $0x4, v0  }
.Ltmp0:
0xb: {  	s7 =	sshll.u32 s17, $0x7;
	s30 =	sshrl.u32 s5, $0x1;
	v17 =	vor.u32 $0x804, v0;
	v18 =	vor.u32 $0x1004, v0;
	v19 =	vor.u32 $0x1804, v0;
	(pc) =	sbr.rel .LBB2_1-.Ltmp0, $4  }
0xc: {  	s31 =	ssub.s32 $0x1EA3, s17;
	v20 =	vor.u32 $0x5, v0;
	v21 =	vor.u32 $0x805, v0;
	v22 =	vor.u32 $0x1005, v0;
	p0 =	sne.s32 s17, $0x0;
	s17 =	simm.s32 $0x3  }
0xd: {  	v23 =	vor.u32 $0x1805, v0;
	v24 =	vor.u32 $0x6, v0;
	v25 =	vor.u32 $0x806, v0;
	s9 =	sadd.s32 s6, s8;
	s4 =	sadd.s32 s4, s7;
	s10 =	ssub.s32 s5, s30  }
0xe: {  	v26 =	vor.u32 $0x1006, v0;
	v27 =	vor.u32 $0x1806, v0;
	v28 =	vor.u32 $0x7, v0;
	s6 =	sshrl.u32 s31, $0x5;
	s8 =	sadd.s32 $0xF42A00, s8;
	s5 =	sadd.s32 $0x1000, s4  }
0xf: {  	v29 =	vor.u32 $0x807, v0;
	v30 =	vor.u32 $0x1007, v0;
	v31 =	vor.u32 $0x1807, v0;
	s7 =	sadd.s32 $0xA00, s9;
	s9 =	smax.u32 s10, $0x1;
	s10 =	simm.s32 $0x400  }
.LBB2_11:
0x10: {  	_ =	swait.ge [sflag:s17], $0x4000  }
0x11: {  	[sflag:s17] =	ssyncset.done $0x0  }
0x12: {  	[sflag:s17] =	ssyncadd.s32 $0xFFFFC000  }
0x13: {  	_ =	swait.ge [sflag:s18], $0x4000  }
0x14: {  	s20 =	sshll.u32 @!p0 s2, $0x6;
	s19 =	sadd.s32 $0x1, s19;
	[sflag:s18] =	ssyncset.done $0x0  }
0x15: {  	s20 =	sor.u32 @!p0 $0x1C05, s20;
	p1 =	sne.s32 s19, s9;
	[sflag:s18] =	ssyncadd.s32 $0xFFFFC000  }
0x16: {  	[hbm:s8], [sflag:s20] =	dma.local @!p0 [hbm:s1], $0x400  }
.Ltmp1:
0x17: {  	_ = 	snop;
	(pc) =	sbr.rel @!p1 .LBB2_12-.Ltmp1, $4  }
0x18: {  	s20 =	simm.s32 @!p0 $0x5  }
0x19: {  	_ =	swait.ge @!p0 [sflag:s20], $0x400  }
0x1a: {  	[sflag:s20] =	ssyncset.done @!p0 $0x0  }
0x1b: {  	[sflag:s20] =	ssyncadd.s32 @!p0 $0xFFFFFC00  }
.LBB2_1:
.Ltmp2:
0x1c: {  	(pc) =	sbr.rel .LBB2_2-.Ltmp2, $4  }
0x1d: {  	_ = 	snop  }
0x1e: {  	[tilespmem:s3], [sflag:$0x1] =	stream.strided.gather [hbm4b:s4+s10], $0x2000, s11, s10, $0x38;
	[tilespmem:$0xC000] =	vst v63  }
0x1f: {  	s20 =	simm.s32 $0x0  }
0x20: {  	[tilespmem:s12], [sflag:$0x2] =	stream.strided.gather [hbm4b:s5+s10], $0x2000, s11, s10, $0x38;
	[tilespmem:$0xC000] =	vst v63  }
.LBB2_10:
0x21: {  	s20 =	sadd.s32 $0x1, s20  }
0x22: {  	p1 =	sne.s32 s20, $0x7B  }
.Ltmp3:
0x23: {  	_ = 	snop;
	(pc) =	sbr.rel @!p1 .LBB2_11-.Ltmp3, $1  }
0x24: {  	_ =	sdelay $0x3  }
.LBB2_2:
0x25: {  	s21 =	sshll.u32 s20, $0x1  }
0x26: {  	p1 =	sge.u32 s21, s6  }
.Ltmp4:
0x27: {  	_ = 	snop;
	(pc) =	sbr.rel @p1 .LBB2_6-.Ltmp4, $1  }
0x28: {  	_ =	sdelay $0x3  }
0x29: {  	_ =	swait.ge [sflag:s13], $0x2000;
	s22 =	simm.s32 $0x0  }
0x2a: {  	p1 =	seq.s32 s20, $0x0;
	[sflag:s13] =	ssyncset.done $0x0;
	v32 =	vor.u32 s22, v3  }
0x2b: {  	s23 =	simm.s32 @!p1 $0x3;
	[sflag:s13] =	ssyncadd.s32 $0xFFFFE000  }
0x2c: {  	v33 =	vor.u32 s22, v0;
	_ =	swait.ge @!p1 [sflag:s23], $0x4000  }
0x2d: {  	[sflag:s23] =	ssyncset.done @!p1 $0x0  }
0x2e: {  	v34 =	vor.u32 s22, v1;
	[sflag:s23] =	ssyncadd.s32 @!p1 $0xFFFFC000  }
0x2f: {  	v35 =	vor.u32 s22, v2;
	v32 =	vld.idx.msk [tilespmem:v32+s3+$0x0], $0xffff;
	_ =	sdelay $0x1  }
0x30: {  	v33 =	vld.idx.msk [tilespmem:v33+s3+$0x0], $0xffff;
	_ =	sdelay $0x1  }
0x31: {  	s23 =	simm.s32 $0x4200;
	v34 =	vld.idx.msk [tilespmem:v34+s3+$0x0], $0xffff  }
0x32: {  	v35 =	vld.idx.msk [tilespmem:v35+s3+$0x0], $0xffff;
	[tilespmem:s23+$0xFFFFFE70] =	vst v32  }
0x33: {  	[tilespmem:s23+$0xFFFFFE30] =	vst v32  }
0x34: {  	[tilespmem:s23+$0xFFFFFE40] =	vst v33  }
0x35: {  	v50 =	vor.u32 s22, v7;
	[tilespmem:s23+$0xFFFFFE00] =	vst v33  }
0x36: {  	[tilespmem:s23+$0xFFFFFE10] =	vst v34  }
0x37: {  	v51 =	vor.u32 s22, v5;
	[tilespmem:s23+$0xFFFFFE50] =	vst v34  }
0x38: {  	[tilespmem:s23+$0xFFFFFE20] =	vst v35  }
0x39: {  	v52 =	vor.u32 s22, v6;
	[tilespmem:s23+$0xFFFFFE60] =	vst v35  }
0x3a: {  	v36 =	vor.u32 s22, v4;
	v32 =	vld.idx.msk [tilespmem:v50+s3+$0x0], $0xffff;
	_ =	sdelay $0x1  }
0x3b: {  	v33 =	vld.idx.msk [tilespmem:v51+s3+$0x0], $0xffff;
	_ =	sdelay $0x1  }
0x3c: {  	v34 =	vld.idx.msk [tilespmem:v52+s3+$0x0], $0xffff  }
0x3d: {  	v35 =	vld.idx.msk [tilespmem:v36+s3+$0x0], $0xffff;
	[tilespmem:s23+$0xFFFFFEB0] =	vst v32  }
0x3e: {  	[tilespmem:s23+$0xFFFFFEF0] =	vst v32  }
0x3f: {  	[tilespmem:s23+$0xFFFFFE90] =	vst v33  }
0x40: {  	v53 =	vor.u32 s22, v11;
	[tilespmem:s23+$0xFFFFFED0] =	vst v33  }
0x41: {  	v54 =	vor.u32 s22, v9;
	[tilespmem:s23+$0xFFFFFEE0] =	vst v34  }
0x42: {  	[tilespmem:s23+$0xFFFFFEC0] =	vst v35  }
0x43: {  	[tilespmem:s23+$0xFFFFFEA0] =	vst v34  }
0x44: {  	v56 =	vor.u32 s22, v8;
	[tilespmem:s23+$0xFFFFFE80] =	vst v35  }
0x45: {  	v55 =	vor.u32 s22, v10;
	v32 =	vld.idx.msk [tilespmem:v53+s3+$0x0], $0xffff  }
0x46: {  	v33 =	vld.idx.msk [tilespmem:v54+s3+$0x0], $0xffff;
	_ =	sdelay $0x2  }
0x47: {  	v34 =	vld.idx.msk [tilespmem:v56+s3+$0x0], $0xffff  }
0x48: {  	v35 =	vld.idx.msk [tilespmem:v55+s3+$0x0], $0xffff;
	[tilespmem:s23+$0xFFFFFF30] =	vst v32  }
0x49: {  	[tilespmem:s23+$0xFFFFFF10] =	vst v33  }
0x4a: {  	[tilespmem:s23+$0xFFFFFF50] =	vst v33  }
0x4b: {  	v57 =	vor.u32 s22, v12;
	[tilespmem:s23+$0xFFFFFF70] =	vst v32  }
0x4c: {  	[tilespmem:s23+$0xFFFFFF40] =	vst v34  }
0x4d: {  	v58 =	vor.u32 s22, v13;
	[tilespmem:s23+$0xFFFFFF60] =	vst v35  }
0x4e: {  	[tilespmem:s23+$0xFFFFFF00] =	vst v34  }
0x4f: {  	v59 =	vor.u32 s22, v14;
	[tilespmem:s23+$0xFFFFFF20] =	vst v35  }
0x50: {  	v60 =	vor.u32 s22, v15;
	v32 =	vld.idx.msk [tilespmem:v57+s3+$0x0], $0xffff;
	_ =	sdelay $0x1  }
0x51: {  	v33 =	vld.idx.msk [tilespmem:v58+s3+$0x0], $0xffff;
	_ =	sdelay $0x1  }
0x52: {  	v35 =	vld.idx.msk [tilespmem:v59+s3+$0x0], $0xffff  }
0x53: {  	v34 =	vld.idx.msk [tilespmem:v60+s3+$0x0], $0xffff;
	[tilespmem:s23+$0xFFFFFF80] =	vst v32  }
0x54: {  	[tilespmem:s23+$0xFFFFFFC0] =	vst v32  }
0x55: {  	[tilespmem:s23+$0xFFFFFF90] =	vst v33  }
0x56: {  	v61 =	vor.u32 s22, v19;
	[tilespmem:s23+$0xFFFFFFD0] =	vst v33  }
0x57: {  	v62 =	vor.u32 s22, v17;
	[tilespmem:s23+$0xFFFFFFE0] =	vst v35  }
0x58: {  	v63 =	vor.u32 s22, v18;
	[tilespmem:s23+$0xFFFFFFA0] =	vst v35  }
0x59: {  	[tilespmem:s23+$0xFFFFFFF0] =	vst v34  }
0x5a: {  	[tilespmem:s23+$0xFFFFFFB0] =	vst v34;
	v35 =	vor.u32 s22, v16  }
0x5b: {  	v34 =	vld.idx.msk [tilespmem:v61+s3+$0x0], $0xffff  }
0x5c: {  	v33 =	vld.idx.msk [tilespmem:v62+s3+$0x0], $0xffff  }
0x5d: {  	s24 =	sshll.u32 s20, $0x11;
	s26 =	simm.s32 $0x8;
	s25 =	simm.s32 $0x4200;
	v32 =	vld.idx.msk [tilespmem:v63+s3+$0x0], $0xffff  }
.LBB2_4:
0x5e: {  	p1 =	sne.s32 s26, $0x78  }
0x5f: {  	v35 =	vld.idx.msk [tilespmem:v35+s3+$0x0], $0xffff;
	s23 =	sadd.s32 $0x400, s23;
	s28 =	smov.u32 s26;
	s26 =	sadd.s32 $0x8, s26  }
0x60: {  	_ =	sdelay $0x1  }
0x61: {  	[tilespmem:s25+$0x30] =	vst v34  }
0x62: {  	[tilespmem:s25+$0x70] =	vst v34  }
0x63: {  	[tilespmem:s25+$0x50] =	vst v33  }
0x64: {  	v34 =	vor.u32 s22, v20;
	[tilespmem:s25+$0x20] =	vst v32  }
0x65: {  	v36 =	vor.u32 s22, v21;
	[tilespmem:s25+$0x40] =	vst v35  }
0x66: {  	[tilespmem:s25+$0x10] =	vst v33;
	v33 =	vor.u32 s22, v22  }
0x67: {  	[tilespmem:s25+$0x0] =	vst v35;
	v35 =	vor.u32 s22, v23  }
0x68: {  	[tilespmem:s25+$0x60] =	vst v32  }
0x69: {  	v32 =	vld.idx.msk [tilespmem:v34+s3+$0x0], $0xffff  }
0x6a: {  	v34 =	vld.idx.msk [tilespmem:v36+s3+$0x0], $0xffff  }
0x6b: {  	v33 =	vld.idx.msk [tilespmem:v33+s3+$0x0], $0xffff  }
0x6c: {  	v35 =	vld.idx.msk [tilespmem:v35+s3+$0x0], $0xffff;
	_ =	sdelay $0x2  }
0x6d: {  	[tilespmem:s25+$0x80] =	vst v32  }
0x6e: {  	[tilespmem:s25+$0x90] =	vst v34  }
0x6f: {  	[tilespmem:s25+$0xC0] =	vst v32  }
0x70: {  	v32 =	vor.u32 s22, v24;
	[tilespmem:s25+$0xD0] =	vst v34  }
0x71: {  	v34 =	vor.u32 s22, v25;
	[tilespmem:s25+$0xA0] =	vst v33  }
0x72: {  	[tilespmem:s25+$0xE0] =	vst v33;
	v33 =	vor.u32 s22, v26  }
0x73: {  	v36 =	vor.u32 s22, v27;
	[tilespmem:s25+$0xF0] =	vst v35  }
0x74: {  	[tilespmem:s25+$0xB0] =	vst v35  }
0x75: {  	v32 =	vld.idx.msk [tilespmem:v32+s3+$0x0], $0xffff  }
0x76: {  	v34 =	vld.idx.msk [tilespmem:v34+s3+$0x0], $0xffff  }
0x77: {  	v33 =	vld.idx.msk [tilespmem:v33+s3+$0x0], $0xffff  }
0x78: {  	v35 =	vld.idx.msk [tilespmem:v36+s3+$0x0], $0xffff;
	_ =	sdelay $0x2  }
0x79: {  	[tilespmem:s25+$0x100] =	vst v32  }
0x7a: {  	[tilespmem:s25+$0x110] =	vst v34  }
0x7b: {  	[tilespmem:s25+$0x150] =	vst v34  }
0x7c: {  	[tilespmem:s25+$0x140] =	vst v32;
	v32 =	vor.u32 s22, v28  }
0x7d: {  	v34 =	vor.u32 s22, v29;
	[tilespmem:s25+$0x130] =	vst v35  }
0x7e: {  	v36 =	vor.u32 s22, v30;
	[tilespmem:s25+$0x120] =	vst v33  }
0x7f: {  	[tilespmem:s25+$0x160] =	vst v33;
	v33 =	vor.u32 s22, v31;
	s22 =	smov.u32 s28  }
0x80: {  	[tilespmem:s25+$0x170] =	vst v35  }
0x81: {  	v32 =	vld.idx.msk [tilespmem:v32+s3+$0x0], $0xffff  }
0x82: {  	v34 =	vld.idx.msk [tilespmem:v34+s3+$0x0], $0xffff  }
0x83: {  	v35 =	vld.idx.msk [tilespmem:v36+s3+$0x0], $0xffff  }
0x84: {  	v33 =	vld.idx.msk [tilespmem:v33+s3+$0x0], $0xffff;
	_ =	sdelay $0x2  }
0x85: {  	[tilespmem:s25+$0x180] =	vst v32  }
0x86: {  	[tilespmem:s25+$0x1C0] =	vst v32  }
0x87: {  	[tilespmem:s25+$0x1D0] =	vst v34  }
0x88: {  	v32 =	vor.u32 s22, v3;
	[tilespmem:s25+$0x1B0] =	vst v33  }
0x89: {  	[tilespmem:s25+$0x1F0] =	vst v33  }
0x8a: {  	v33 =	vor.u32 s22, v0;
	[tilespmem:s25+$0x190] =	vst v34  }
0x8b: {  	[tilespmem:s25+$0x1A0] =	vst v35  }
0x8c: {  	v36 =	vor.u32 s22, v2;
	v34 =	vor.u32 s22, v1;
	[tilespmem:s25+$0x1E0] =	vst v35;
	s25 =	smov.u32 s23  }
0x8d: {  	v32 =	vld.idx.msk [tilespmem:v32+s3+$0x0], $0xffff;
	_ =	sdelay $0x1  }
0x8e: {  	v33 =	vld.idx.msk [tilespmem:v33+s3+$0x0], $0xffff;
	_ =	sdelay $0x1  }
0x8f: {  	v34 =	vld.idx.msk [tilespmem:v34+s3+$0x0], $0xffff  }
0x90: {  	v35 =	vld.idx.msk [tilespmem:v36+s3+$0x0], $0xffff  }
0x91: {  	[tilespmem:s23+$0xFFFFFE70] =	vst v32  }
0x92: {  	[tilespmem:s23+$0xFFFFFE30] =	vst v32  }
0x93: {  	[tilespmem:s23+$0xFFFFFE40] =	vst v33  }
0x94: {  	v32 =	vor.u32 s22, v7;
	[tilespmem:s23+$0xFFFFFE00] =	vst v33  }
0x95: {  	v33 =	vor.u32 s22, v5;
	[tilespmem:s23+$0xFFFFFE10] =	vst v34  }
0x96: {  	[tilespmem:s23+$0xFFFFFE50] =	vst v34;
	v34 =	vor.u32 s22, v6  }
0x97: {  	v36 =	vor.u32 s22, v4;
	[tilespmem:s23+$0xFFFFFE20] =	vst v35  }
0x98: {  	[tilespmem:s23+$0xFFFFFE60] =	vst v35  }
0x99: {  	v32 =	vld.idx.msk [tilespmem:v32+s3+$0x0], $0xffff  }
0x9a: {  	v33 =	vld.idx.msk [tilespmem:v33+s3+$0x0], $0xffff  }
0x9b: {  	v34 =	vld.idx.msk [tilespmem:v34+s3+$0x0], $0xffff  }
0x9c: {  	v35 =	vld.idx.msk [tilespmem:v36+s3+$0x0], $0xffff;
	_ =	sdelay $0x2  }
0x9d: {  	[tilespmem:s23+$0xFFFFFEB0] =	vst v32  }
0x9e: {  	[tilespmem:s23+$0xFFFFFEF0] =	vst v32  }
0x9f: {  	[tilespmem:s23+$0xFFFFFE90] =	vst v33  }
0xa0: {  	v32 =	vor.u32 s22, v11;
	[tilespmem:s23+$0xFFFFFED0] =	vst v33  }
0xa1: {  	v33 =	vor.u32 s22, v9;
	[tilespmem:s23+$0xFFFFFEE0] =	vst v34  }
0xa2: {  	v36 =	vor.u32 s22, v10;
	[tilespmem:s23+$0xFFFFFEC0] =	vst v35  }
0xa3: {  	[tilespmem:s23+$0xFFFFFEA0] =	vst v34;
	v34 =	vor.u32 s22, v8  }
0xa4: {  	[tilespmem:s23+$0xFFFFFE80] =	vst v35  }
0xa5: {  	v32 =	vld.idx.msk [tilespmem:v32+s3+$0x0], $0xffff  }
0xa6: {  	v33 =	vld.idx.msk [tilespmem:v33+s3+$0x0], $0xffff  }
0xa7: {  	v35 =	vld.idx.msk [tilespmem:v36+s3+$0x0], $0xffff  }
0xa8: {  	v34 =	vld.idx.msk [tilespmem:v34+s3+$0x0], $0xffff;
	_ =	sdelay $0x2  }
0xa9: {  	[tilespmem:s23+$0xFFFFFF30] =	vst v32  }
0xaa: {  	[tilespmem:s23+$0xFFFFFF10] =	vst v33  }
0xab: {  	[tilespmem:s23+$0xFFFFFF50] =	vst v33  }
0xac: {  	[tilespmem:s23+$0xFFFFFF70] =	vst v32;
	v32 =	vor.u32 s22, v12  }
0xad: {  	v33 =	vor.u32 s22, v13;
	[tilespmem:s23+$0xFFFFFF40] =	vst v34  }
0xae: {  	v36 =	vor.u32 s22, v14;
	[tilespmem:s23+$0xFFFFFF60] =	vst v35  }
0xaf: {  	[tilespmem:s23+$0xFFFFFF00] =	vst v34;
	v34 =	vor.u32 s22, v15  }
0xb0: {  	[tilespmem:s23+$0xFFFFFF20] =	vst v35  }
0xb1: {  	v32 =	vld.idx.msk [tilespmem:v32+s3+$0x0], $0xffff  }
0xb2: {  	v33 =	vld.idx.msk [tilespmem:v33+s3+$0x0], $0xffff  }
0xb3: {  	v35 =	vld.idx.msk [tilespmem:v36+s3+$0x0], $0xffff  }
0xb4: {  	v34 =	vld.idx.msk [tilespmem:v34+s3+$0x0], $0xffff;
	_ =	sdelay $0x2  }
0xb5: {  	[tilespmem:s23+$0xFFFFFF80] =	vst v32  }
0xb6: {  	[tilespmem:s23+$0xFFFFFFC0] =	vst v32  }
0xb7: {  	[tilespmem:s23+$0xFFFFFF90] =	vst v33  }
0xb8: {  	v32 =	vor.u32 s22, v19;
	[tilespmem:s23+$0xFFFFFFD0] =	vst v33  }
0xb9: {  	v33 =	vor.u32 s22, v17;
	[tilespmem:s23+$0xFFFFFFE0] =	vst v35  }
0xba: {  	v36 =	vor.u32 s22, v18;
	[tilespmem:s23+$0xFFFFFFA0] =	vst v35  }
.Ltmp5:
0xbb: {  	v35 =	vor.u32 s22, v16;
	[tilespmem:s23+$0xFFFFFFF0] =	vst v34;
	(pc) =	sbr.rel @p1 .LBB2_4-.Ltmp5, $4  }
0xbc: {  	[tilespmem:s23+$0xFFFFFFB0] =	vst v34  }
0xbd: {  	v34 =	vld.idx.msk [tilespmem:v32+s3+$0x0], $0xffff  }
0xbe: {  	v33 =	vld.idx.msk [tilespmem:v33+s3+$0x0], $0xffff  }
0xbf: {  	v32 =	vld.idx.msk [tilespmem:v36+s3+$0x0], $0xffff  }
0xc0: {  	_ =	sdelay $0x3  }
0xc1: {  	v35 =	vld.idx.msk [tilespmem:v35+s3+$0x0], $0xffff;
	[tilespmem:s25+$0x30] =	vst v34  }
0xc2: {  	[tilespmem:s25+$0x70] =	vst v34  }
0xc3: {  	[tilespmem:s25+$0x50] =	vst v33  }
0xc4: {  	v52 =	vor.u32 s22, v20;
	[tilespmem:s25+$0x10] =	vst v33  }
0xc5: {  	v36 =	vor.u32 s22, v21;
	[tilespmem:s25+$0x20] =	vst v32  }
0xc6: {  	[tilespmem:s25+$0x60] =	vst v32  }
0xc7: {  	[tilespmem:s25+$0x40] =	vst v35  }
0xc8: {  	v53 =	vor.u32 s22, v22;
	[tilespmem:s25+$0x0] =	vst v35  }
0xc9: {  	v54 =	vor.u32 s22, v23;
	v32 =	vld.idx.msk [tilespmem:v52+s3+$0x0], $0xffff  }
0xca: {  	v55 =	vld.idx.msk [tilespmem:v36+s3+$0x0], $0xffff;
	_ =	sdelay $0x2  }
0xcb: {  	v33 =	vld.idx.msk [tilespmem:v53+s3+$0x0], $0xffff  }
0xcc: {  	v35 =	vld.idx.msk [tilespmem:v54+s3+$0x0], $0xffff;
	[tilespmem:s25+$0x80] =	vst v32  }
0xcd: {  	[tilespmem:s25+$0x90] =	vst v55  }
0xce: {  	[tilespmem:s25+$0xC0] =	vst v32  }
0xcf: {  	v56 =	vor.u32 s22, v24;
	[tilespmem:s25+$0xD0] =	vst v55  }
0xd0: {  	v57 =	vor.u32 s22, v25;
	[tilespmem:s25+$0xA0] =	vst v33  }
0xd1: {  	[tilespmem:s25+$0xE0] =	vst v33  }
0xd2: {  	[tilespmem:s25+$0xF0] =	vst v35  }
0xd3: {  	v59 =	vor.u32 s22, v27;
	[tilespmem:s25+$0xB0] =	vst v35  }
0xd4: {  	v58 =	vor.u32 s22, v26;
	v32 =	vld.idx.msk [tilespmem:v56+s3+$0x0], $0xffff  }
0xd5: {  	v34 =	vld.idx.msk [tilespmem:v57+s3+$0x0], $0xffff;
	_ =	sdelay $0x2  }
0xd6: {  	v35 =	vld.idx.msk [tilespmem:v59+s3+$0x0], $0xffff  }
0xd7: {  	v33 =	vld.idx.msk [tilespmem:v58+s3+$0x0], $0xffff;
	[tilespmem:s25+$0x100] =	vst v32  }
0xd8: {  	[tilespmem:s25+$0x110] =	vst v34  }
0xd9: {  	[tilespmem:s25+$0x150] =	vst v34  }
0xda: {  	v60 =	vor.u32 s22, v28;
	[tilespmem:s25+$0x140] =	vst v32  }
0xdb: {  	[tilespmem:s25+$0x130] =	vst v35  }
0xdc: {  	v61 =	vor.u32 s22, v29;
	[tilespmem:s25+$0x120] =	vst v33  }
0xdd: {  	v62 =	vor.u32 s22, v31;
	[tilespmem:s25+$0x160] =	vst v33  }
0xde: {  	[tilespmem:s25+$0x170] =	vst v35  }
0xdf: {  	v63 =	vor.u32 s22, v30;
	v32 =	vld.idx.msk [tilespmem:v60+s3+$0x0], $0xffff;
	_ =	sdelay $0x1  }
0xe0: {  	v34 =	vld.idx.msk [tilespmem:v61+s3+$0x0], $0xffff  }
0xe1: {  	v33 =	vld.idx.msk [tilespmem:v62+s3+$0x0], $0xffff;
	_ =	sdelay $0x1  }
0xe2: {  	v35 =	vld.idx.msk [tilespmem:v63+s3+$0x0], $0xffff;
	[tilespmem:s25+$0x180] =	vst v32  }
0xe3: {  	[tilespmem:s25+$0x1C0] =	vst v32  }
0xe4: {  	[tilespmem:s25+$0x1D0] =	vst v34  }
0xe5: {  	[tilespmem:s25+$0x1B0] =	vst v33  }
0xe6: {  	[tilespmem:s25+$0x1F0] =	vst v33  }
0xe7: {  	s22 =	sadd.s32 $0x2, s21;
	[tilespmem:s25+$0x190] =	vst v34  }
0xe8: {  	p1 =	sge.u32 s22, s6;
	[tilespmem:s25+$0x1A0] =	vst v35  }
0xe9: {  	s31 =	sadd.s32 s24, s7;
	s22 =	sshll.u32 @!p1 s22, $0xC;
	s23 =	simm.s32 @!p1 $0x400;
	[tilespmem:s25+$0x1E0] =	vst v35  }
0xea: {  	[hbm4b:s31+s3] =	stream.linear.scatter [tilespmem:s14], [sflag:$0x3], $0x4000, $0x38;
	[tilespmem:$0xC000] =	vst v63  }
0xeb: {  	s24 =	simm.s32 @!p1 $0x7A1400;
	s22 =	sadd.s32 @!p1 s22, s4;
	s25 =	simm.s32 @!p1 $0x0  }
0xec: {  	[tilespmem:s25], [sflag:$0x1] =	stream.strided.gather @!p1 [hbm4b:s22+s23], $0x2000, s24, s23, $0x38;
	[tilespmem:$0xC000] =	vst v63  }
.LBB2_6:
0xed: {  	s24 =	sor.u32 $0x1, s21  }
0xee: {  	p1 =	sge.u32 s24, s6  }
.Ltmp6:
0xef: {  	_ = 	snop;
	(pc) =	sbr.rel @p1 .LBB2_10-.Ltmp6, $1  }
0xf0: {  	_ =	sdelay $0x3  }
0xf1: {  	_ =	swait.ge [sflag:s15], $0x2000;
	s23 =	simm.s32 $0x0  }
0xf2: {  	p1 =	seq.s32 s20, $0x0;
	[sflag:s15] =	ssyncset.done $0x0;
	v32 =	vor.u32 s23, v3  }
0xf3: {  	s22 =	simm.s32 @!p1 $0x4;
	[sflag:s15] =	ssyncadd.s32 $0xFFFFE000  }
0xf4: {  	v33 =	vor.u32 s23, v0;
	_ =	swait.ge @!p1 [sflag:s22], $0x4000  }
0xf5: {  	[sflag:s22] =	ssyncset.done @!p1 $0x0  }
0xf6: {  	v34 =	vor.u32 s23, v1;
	[sflag:s22] =	ssyncadd.s32 @!p1 $0xFFFFC000  }
0xf7: {  	v35 =	vor.u32 s23, v2;
	v32 =	vld.idx.msk [tilespmem:v32+s12+$0x0], $0xffff;
	_ =	sdelay $0x1  }
0xf8: {  	v33 =	vld.idx.msk [tilespmem:v33+s12+$0x0], $0xffff;
	_ =	sdelay $0x1  }
0xf9: {  	s22 =	simm.s32 $0x0;
	v34 =	vld.idx.msk [tilespmem:v34+s12+$0x0], $0xffff  }
0xfa: {  	v35 =	vld.idx.msk [tilespmem:v35+s12+$0x0], $0xffff;
	[tilespmem:s22+$0x8070] =	vst v32  }
0xfb: {  	[tilespmem:s22+$0x8030] =	vst v32  }
0xfc: {  	[tilespmem:s22+$0x8040] =	vst v33  }
0xfd: {  	v50 =	vor.u32 s23, v4;
	[tilespmem:s22+$0x8000] =	vst v33  }
0xfe: {  	[tilespmem:s22+$0x8010] =	vst v34  }
0xff: {  	v51 =	vor.u32 s23, v5;
	[tilespmem:s22+$0x8050] =	vst v34  }
0x100: {  	[tilespmem:s22+$0x8020] =	vst v35  }
0x101: {  	v52 =	vor.u32 s23, v7;
	[tilespmem:s22+$0x8060] =	vst v35  }
0x102: {  	v36 =	vor.u32 s23, v6;
	v32 =	vld.idx.msk [tilespmem:v50+s12+$0x0], $0xffff;
	_ =	sdelay $0x1  }
0x103: {  	v33 =	vld.idx.msk [tilespmem:v51+s12+$0x0], $0xffff;
	_ =	sdelay $0x1  }
0x104: {  	v34 =	vld.idx.msk [tilespmem:v52+s12+$0x0], $0xffff  }
0x105: {  	v35 =	vld.idx.msk [tilespmem:v36+s12+$0x0], $0xffff;
	[tilespmem:s22+$0x8080] =	vst v32  }
0x106: {  	[tilespmem:s22+$0x80C0] =	vst v32  }
0x107: {  	[tilespmem:s22+$0x8090] =	vst v33  }
0x108: {  	v53 =	vor.u32 s23, v11;
	[tilespmem:s22+$0x80D0] =	vst v33  }
0x109: {  	v54 =	vor.u32 s23, v9;
	[tilespmem:s22+$0x80F0] =	vst v34  }
0x10a: {  	[tilespmem:s22+$0x80E0] =	vst v35  }
0x10b: {  	v55 =	vor.u32 s23, v10;
	[tilespmem:s22+$0x80B0] =	vst v34  }
0x10c: {  	v56 =	vor.u32 s23, v8;
	[tilespmem:s22+$0x80A0] =	vst v35  }
0x10d: {  	v32 =	vld.idx.msk [tilespmem:v53+s12+$0x0], $0xffff  }
0x10e: {  	v33 =	vld.idx.msk [tilespmem:v54+s12+$0x0], $0xffff;
	_ =	sdelay $0x1  }
0x10f: {  	v35 =	vld.idx.msk [tilespmem:v55+s12+$0x0], $0xffff  }
0x110: {  	v34 =	vld.idx.msk [tilespmem:v56+s12+$0x0], $0xffff  }
0x111: {  	[tilespmem:s22+$0x8130] =	vst v32  }
0x112: {  	[tilespmem:s22+$0x8110] =	vst v33  }
0x113: {  	[tilespmem:s22+$0x8150] =	vst v33  }
0x114: {  	v57 =	vor.u32 s23, v12;
	[tilespmem:s22+$0x8120] =	vst v35  }
0x115: {  	[tilespmem:s22+$0x8140] =	vst v34  }
0x116: {  	v58 =	vor.u32 s23, v13;
	[tilespmem:s22+$0x8170] =	vst v32  }
0x117: {  	[tilespmem:s22+$0x8160] =	vst v35  }
0x118: {  	v59 =	vor.u32 s23, v14;
	[tilespmem:s22+$0x8100] =	vst v34  }
0x119: {  	v60 =	vor.u32 s23, v15;
	v33 =	vld.idx.msk [tilespmem:v57+s12+$0x0], $0xffff;
	_ =	sdelay $0x1  }
0x11a: {  	v34 =	vld.idx.msk [tilespmem:v58+s12+$0x0], $0xffff;
	_ =	sdelay $0x1  }
0x11b: {  	v32 =	vld.idx.msk [tilespmem:v59+s12+$0x0], $0xffff  }
0x11c: {  	v35 =	vld.idx.msk [tilespmem:v60+s12+$0x0], $0xffff;
	[tilespmem:s22+$0x8180] =	vst v33  }
0x11d: {  	[tilespmem:s22+$0x81C0] =	vst v33  }
0x11e: {  	[tilespmem:s22+$0x8190] =	vst v34  }
0x11f: {  	v61 =	vor.u32 s23, v19;
	[tilespmem:s22+$0x81D0] =	vst v34  }
0x120: {  	v62 =	vor.u32 s23, v17;
	[tilespmem:s22+$0x81A0] =	vst v32  }
0x121: {  	v63 =	vor.u32 s23, v18;
	[tilespmem:s22+$0x81E0] =	vst v32  }
0x122: {  	[tilespmem:s22+$0x81B0] =	vst v35  }
0x123: {  	[tilespmem:s22+$0x81F0] =	vst v35;
	v35 =	vor.u32 s23, v16  }
0x124: {  	v34 =	vld.idx.msk [tilespmem:v61+s12+$0x0], $0xffff  }
0x125: {  	v33 =	vld.idx.msk [tilespmem:v62+s12+$0x0], $0xffff  }
0x126: {  	s24 =	sshll.u32 s24, $0x10;
	s26 =	simm.s32 $0x1000;
	s25 =	simm.s32 $0x0;
	v32 =	vld.idx.msk [tilespmem:v63+s12+$0x0], $0xffff  }
.LBB2_8:
0x127: {  	p1 =	sne.s32 s26, $0xF000  }
0x128: {  	v35 =	vld.idx.msk [tilespmem:v35+s12+$0x0], $0xffff;
	s23 =	sadd.s32 $0x8, s23;
	s28 =	smov.u32 s26;
	s26 =	sadd.s32 $0x1000, s26  }
0x129: {  	_ =	sdelay $0x1  }
0x12a: {  	[tilespmem:s22+$0x8230] =	vst v34  }
0x12b: {  	[tilespmem:s22+$0x8270] =	vst v34  }
0x12c: {  	[tilespmem:s22+$0x8210] =	vst v33  }
0x12d: {  	[tilespmem:s22+$0x8250] =	vst v33;
	v33 =	vor.u32 s25, v23  }
0x12e: {  	v34 =	vor.u32 s25, v20;
	[tilespmem:s22+$0x8240] =	vst v35  }
0x12f: {  	v36 =	vor.u32 s25, v22;
	[tilespmem:s22+$0x8220] =	vst v32  }
0x130: {  	[tilespmem:s22+$0x8260] =	vst v32;
	v32 =	vor.u32 s25, v21  }
0x131: {  	[tilespmem:s22+$0x8200] =	vst v35  }
0x132: {  	v33 =	vld.idx.msk [tilespmem:v33+s12+$0x0], $0xffff  }
0x133: {  	v34 =	vld.idx.msk [tilespmem:v34+s12+$0x0], $0xffff  }
0x134: {  	v35 =	vld.idx.msk [tilespmem:v36+s12+$0x0], $0xffff  }
0x135: {  	v32 =	vld.idx.msk [tilespmem:v32+s12+$0x0], $0xffff;
	_ =	sdelay $0x2  }
0x136: {  	[tilespmem:s22+$0x82B0] =	vst v33  }
0x137: {  	[tilespmem:s22+$0x82C0] =	vst v34  }
0x138: {  	[tilespmem:s22+$0x8280] =	vst v34  }
0x139: {  	v34 =	vor.u32 s25, v24;
	[tilespmem:s22+$0x82A0] =	vst v35  }
0x13a: {  	v36 =	vor.u32 s25, v25;
	[tilespmem:s22+$0x82D0] =	vst v32  }
0x13b: {  	[tilespmem:s22+$0x82F0] =	vst v33;
	v33 =	vor.u32 s25, v26  }
0x13c: {  	[tilespmem:s22+$0x8290] =	vst v32;
	v32 =	vor.u32 s25, v27  }
0x13d: {  	[tilespmem:s22+$0x82E0] =	vst v35  }
0x13e: {  	v34 =	vld.idx.msk [tilespmem:v34+s12+$0x0], $0xffff  }
0x13f: {  	v35 =	vld.idx.msk [tilespmem:v36+s12+$0x0], $0xffff  }
0x140: {  	v33 =	vld.idx.msk [tilespmem:v33+s12+$0x0], $0xffff  }
0x141: {  	v32 =	vld.idx.msk [tilespmem:v32+s12+$0x0], $0xffff;
	_ =	sdelay $0x2  }
0x142: {  	[tilespmem:s22+$0x8300] =	vst v34  }
0x143: {  	[tilespmem:s22+$0x8310] =	vst v35  }
0x144: {  	[tilespmem:s22+$0x8340] =	vst v34  }
0x145: {  	v34 =	vor.u32 s25, v28;
	[tilespmem:s22+$0x8350] =	vst v35  }
0x146: {  	v35 =	vor.u32 s25, v29;
	[tilespmem:s22+$0x8320] =	vst v33  }
0x147: {  	v36 =	vor.u32 s25, v30;
	[tilespmem:s22+$0x8330] =	vst v32  }
0x148: {  	[tilespmem:s22+$0x8360] =	vst v33;
	v33 =	vor.u32 s25, v31;
	s25 =	smov.u32 s23  }
0x149: {  	[tilespmem:s22+$0x8370] =	vst v32  }
0x14a: {  	v32 =	vld.idx.msk [tilespmem:v34+s12+$0x0], $0xffff  }
0x14b: {  	v34 =	vld.idx.msk [tilespmem:v35+s12+$0x0], $0xffff  }
0x14c: {  	v35 =	vld.idx.msk [tilespmem:v36+s12+$0x0], $0xffff  }
0x14d: {  	v33 =	vld.idx.msk [tilespmem:v33+s12+$0x0], $0xffff;
	_ =	sdelay $0x2  }
0x14e: {  	[tilespmem:s22+$0x8380] =	vst v32  }
0x14f: {  	[tilespmem:s22+$0x8390] =	vst v34  }
0x150: {  	[tilespmem:s22+$0x83E0] =	vst v35  }
0x151: {  	v36 =	vor.u32 s23, v3;
	[tilespmem:s22+$0x83B0] =	vst v33  }
0x152: {  	[tilespmem:s22+$0x83D0] =	vst v34  }
0x153: {  	v34 =	vor.u32 s23, v0;
	[tilespmem:s22+$0x83F0] =	vst v33  }
0x154: {  	[tilespmem:s22+$0x83C0] =	vst v32  }
0x155: {  	v33 =	vor.u32 s23, v2;
	v32 =	vor.u32 s23, v1;
	[tilespmem:s22+$0x83A0] =	vst v35  }
0x156: {  	v35 =	vld.idx.msk [tilespmem:v36+s12+$0x0], $0xffff;
	_ =	sdelay $0x1  }
0x157: {  	v34 =	vld.idx.msk [tilespmem:v34+s12+$0x0], $0xffff;
	_ =	sdelay $0x1  }
0x158: {  	v32 =	vld.idx.msk [tilespmem:v32+s12+$0x0], $0xffff  }
0x159: {  	s22 =	sshra.s32 s28, $0x2;
	v33 =	vld.idx.msk [tilespmem:v33+s12+$0x0], $0xffff  }
0x15a: {  	[tilespmem:s22+$0x8070] =	vst v35  }
0x15b: {  	[tilespmem:s22+$0x8030] =	vst v35  }
0x15c: {  	[tilespmem:s22+$0x8040] =	vst v34  }
0x15d: {  	[tilespmem:s22+$0x8000] =	vst v34;
	v34 =	vor.u32 s23, v4  }
0x15e: {  	v35 =	vor.u32 s23, v5;
	[tilespmem:s22+$0x8010] =	vst v32  }
0x15f: {  	[tilespmem:s22+$0x8050] =	vst v32;
	v32 =	vor.u32 s23, v7  }
0x160: {  	v36 =	vor.u32 s23, v6;
	[tilespmem:s22+$0x8020] =	vst v33  }
0x161: {  	[tilespmem:s22+$0x8060] =	vst v33  }
0x162: {  	v33 =	vld.idx.msk [tilespmem:v34+s12+$0x0], $0xffff  }
0x163: {  	v34 =	vld.idx.msk [tilespmem:v35+s12+$0x0], $0xffff  }
0x164: {  	v32 =	vld.idx.msk [tilespmem:v32+s12+$0x0], $0xffff  }
0x165: {  	v35 =	vld.idx.msk [tilespmem:v36+s12+$0x0], $0xffff;
	_ =	sdelay $0x2  }
0x166: {  	[tilespmem:s22+$0x8080] =	vst v33  }
0x167: {  	[tilespmem:s22+$0x80C0] =	vst v33  }
0x168: {  	[tilespmem:s22+$0x8090] =	vst v34  }
0x169: {  	v33 =	vor.u32 s23, v11;
	[tilespmem:s22+$0x80D0] =	vst v34  }
0x16a: {  	v34 =	vor.u32 s23, v9;
	[tilespmem:s22+$0x80F0] =	vst v32  }
0x16b: {  	v36 =	vor.u32 s23, v10;
	[tilespmem:s22+$0x80E0] =	vst v35  }
0x16c: {  	[tilespmem:s22+$0x80B0] =	vst v32;
	v32 =	vor.u32 s23, v8  }
0x16d: {  	[tilespmem:s22+$0x80A0] =	vst v35  }
0x16e: {  	v33 =	vld.idx.msk [tilespmem:v33+s12+$0x0], $0xffff  }
0x16f: {  	v34 =	vld.idx.msk [tilespmem:v34+s12+$0x0], $0xffff  }
0x170: {  	v35 =	vld.idx.msk [tilespmem:v36+s12+$0x0], $0xffff  }
0x171: {  	v32 =	vld.idx.msk [tilespmem:v32+s12+$0x0], $0xffff;
	_ =	sdelay $0x2  }
0x172: {  	[tilespmem:s22+$0x8130] =	vst v33  }
0x173: {  	[tilespmem:s22+$0x8110] =	vst v34  }
0x174: {  	[tilespmem:s22+$0x8150] =	vst v34  }
0x175: {  	v34 =	vor.u32 s23, v12;
	[tilespmem:s22+$0x8120] =	vst v35  }
0x176: {  	v36 =	vor.u32 s23, v13;
	[tilespmem:s22+$0x8140] =	vst v32  }
0x177: {  	[tilespmem:s22+$0x8170] =	vst v33;
	v33 =	vor.u32 s23, v14  }
0x178: {  	[tilespmem:s22+$0x8160] =	vst v35;
	v35 =	vor.u32 s23, v15  }
0x179: {  	[tilespmem:s22+$0x8100] =	vst v32  }
0x17a: {  	v32 =	vld.idx.msk [tilespmem:v34+s12+$0x0], $0xffff  }
0x17b: {  	v34 =	vld.idx.msk [tilespmem:v36+s12+$0x0], $0xffff  }
0x17c: {  	v33 =	vld.idx.msk [tilespmem:v33+s12+$0x0], $0xffff  }
0x17d: {  	v36 =	vld.idx.msk [tilespmem:v35+s12+$0x0], $0xffff;
	_ =	sdelay $0x2  }
0x17e: {  	[tilespmem:s22+$0x8180] =	vst v32  }
0x17f: {  	[tilespmem:s22+$0x81C0] =	vst v32  }
0x180: {  	[tilespmem:s22+$0x8190] =	vst v34  }
0x181: {  	v32 =	vor.u32 s23, v19;
	[tilespmem:s22+$0x81D0] =	vst v34  }
0x182: {  	v37 =	vor.u32 s23, v17;
	[tilespmem:s22+$0x81A0] =	vst v33  }
0x183: {  	v38 =	vor.u32 s23, v18;
	[tilespmem:s22+$0x81E0] =	vst v33  }
.Ltmp7:
0x184: {  	v35 =	vor.u32 s23, v16;
	[tilespmem:s22+$0x81B0] =	vst v36;
	(pc) =	sbr.rel @p1 .LBB2_8-.Ltmp7, $4  }
0x185: {  	[tilespmem:s22+$0x81F0] =	vst v36  }
0x186: {  	v34 =	vld.idx.msk [tilespmem:v32+s12+$0x0], $0xffff  }
0x187: {  	v33 =	vld.idx.msk [tilespmem:v37+s12+$0x0], $0xffff  }
0x188: {  	v32 =	vld.idx.msk [tilespmem:v38+s12+$0x0], $0xffff  }
0x189: {  	_ =	sdelay $0x3  }
0x18a: {  	v35 =	vld.idx.msk [tilespmem:v35+s12+$0x0], $0xffff;
	[tilespmem:s22+$0x8230] =	vst v34  }
0x18b: {  	[tilespmem:s22+$0x8270] =	vst v34  }
0x18c: {  	[tilespmem:s22+$0x8210] =	vst v33  }
0x18d: {  	v51 =	vor.u32 s25, v23;
	[tilespmem:s22+$0x8250] =	vst v33  }
0x18e: {  	v52 =	vor.u32 s25, v20;
	[tilespmem:s22+$0x8220] =	vst v32  }
0x18f: {  	[tilespmem:s22+$0x8260] =	vst v32  }
0x190: {  	v36 =	vor.u32 s25, v22;
	[tilespmem:s22+$0x8240] =	vst v35  }
0x191: {  	v53 =	vor.u32 s25, v21;
	[tilespmem:s22+$0x8200] =	vst v35  }
0x192: {  	v33 =	vld.idx.msk [tilespmem:v51+s12+$0x0], $0xffff  }
0x193: {  	v34 =	vld.idx.msk [tilespmem:v52+s12+$0x0], $0xffff;
	_ =	sdelay $0x1  }
0x194: {  	v35 =	vld.idx.msk [tilespmem:v36+s12+$0x0], $0xffff  }
0x195: {  	v32 =	vld.idx.msk [tilespmem:v53+s12+$0x0], $0xffff  }
0x196: {  	[tilespmem:s22+$0x82B0] =	vst v33  }
0x197: {  	[tilespmem:s22+$0x82C0] =	vst v34  }
0x198: {  	[tilespmem:s22+$0x8280] =	vst v34  }
0x199: {  	v54 =	vor.u32 s25, v24;
	[tilespmem:s22+$0x82A0] =	vst v35  }
0x19a: {  	v55 =	vor.u32 s25, v25;
	[tilespmem:s22+$0x82D0] =	vst v32  }
0x19b: {  	[tilespmem:s22+$0x82F0] =	vst v33  }
0x19c: {  	[tilespmem:s22+$0x8290] =	vst v32  }
0x19d: {  	v56 =	vor.u32 s25, v26;
	[tilespmem:s22+$0x82E0] =	vst v35  }
0x19e: {  	v57 =	vor.u32 s25, v27;
	v34 =	vld.idx.msk [tilespmem:v54+s12+$0x0], $0xffff  }
0x19f: {  	v35 =	vld.idx.msk [tilespmem:v55+s12+$0x0], $0xffff;
	_ =	sdelay $0x2  }
0x1a0: {  	v33 =	vld.idx.msk [tilespmem:v56+s12+$0x0], $0xffff  }
0x1a1: {  	v32 =	vld.idx.msk [tilespmem:v57+s12+$0x0], $0xffff;
	[tilespmem:s22+$0x8300] =	vst v34  }
0x1a2: {  	[tilespmem:s22+$0x8310] =	vst v35  }
0x1a3: {  	[tilespmem:s22+$0x8340] =	vst v34  }
0x1a4: {  	v58 =	vor.u32 s25, v28;
	[tilespmem:s22+$0x8350] =	vst v35  }
0x1a5: {  	v59 =	vor.u32 s25, v29;
	[tilespmem:s22+$0x8320] =	vst v33  }
0x1a6: {  	v60 =	vor.u32 s25, v30;
	[tilespmem:s22+$0x8330] =	vst v32  }
0x1a7: {  	v61 =	vor.u32 s25, v31;
	[tilespmem:s22+$0x8360] =	vst v33  }
0x1a8: {  	[tilespmem:s22+$0x8370] =	vst v32  }
0x1a9: {  	v32 =	vld.idx.msk [tilespmem:v58+s12+$0x0], $0xffff  }
0x1aa: {  	v62 =	vld.idx.msk [tilespmem:v59+s12+$0x0], $0xffff  }
0x1ab: {  	v63 =	vld.idx.msk [tilespmem:v60+s12+$0x0], $0xffff  }
0x1ac: {  	v33 =	vld.idx.msk [tilespmem:v61+s12+$0x0], $0xffff;
	_ =	sdelay $0x1  }
0x1ad: {  	[tilespmem:s22+$0x8380] =	vst v32  }
0x1ae: {  	[tilespmem:s22+$0x8390] =	vst v62  }
0x1af: {  	[tilespmem:s22+$0x83E0] =	vst v63  }
0x1b0: {  	[tilespmem:s22+$0x83B0] =	vst v33  }
0x1b1: {  	[tilespmem:s22+$0x83D0] =	vst v62  }
0x1b2: {  	s21 =	sadd.s32 $0x3, s21;
	[tilespmem:s22+$0x83F0] =	vst v33  }
.Ltmp8:
0x1b3: {  	p1 =	sge.u32 s21, s6;
	[tilespmem:s22+$0x83C0] =	vst v32;
	(pc) =	sbr.rel .LBB2_10-.Ltmp8, $4  }
0x1b4: {  	s31 =	sadd.s32 s24, s7;
	s21 =	sshll.u32 @!p1 s21, $0xC;
	s23 =	simm.s32 @!p1 $0x7A1400;
	[tilespmem:s22+$0x83A0] =	vst v63  }
0x1b5: {  	[hbm4b:s31+s3] =	stream.linear.scatter [tilespmem:s16], [sflag:$0x4], $0x4000, $0x38;
	[tilespmem:$0xC000] =	vst v63  }
0x1b6: {  	s24 =	simm.s32 @!p1 $0x2000;
	s21 =	sadd.s32 @!p1 s21, s4;
	s22 =	simm.s32 @!p1 $0x400  }
0x1b7: {  	[tilespmem:s24], [sflag:$0x2] =	stream.strided.gather @!p1 [hbm4b:s21+s22], $0x2000, s23, s22, $0x38;
	[tilespmem:$0xC000] =	vst v63  }
.LBB2_12:
0x1b8: {  	_ =	sfence.sel $0x180000  }
0x1b9: {  	[bflag:$0x0] =	sbarrier.arrive $0xFFFF  }
0x1ba: {  	p0 =	sne.s32 s2, $0x0;
	_ =	strace $0x90000047  }
0x1bb: {  	s0 =	sadd.s32 @!p0 $0x100000, s0;
	[bflag:$0x2] =	sbarrier.arrive $0xFFFF  }
0x1bc: {  	[sflag:s0] =	ssyncadd.tile.s32 @!p0 $0x1;
	_ =	shalt  }
.Lfunc_end2:
_tile_overlayer_lowered:
.L_overlay_start_2:
0x1bd: {  	(tag) =	ssettag $0x2  }
0x1be: {  	s0 =	rddreg [dreg:$0x0];
	s2 =	stileid.u32  }
0x1bf: {  	s1 =	rddreg [dreg:$0x1];
	p0 =	sne.s32 s2, $0x0  }
0x1c0: {  	s3 =	rddreg [dreg:$0x2];
	[bflag:$0x3] =	sbarrier.arrive $0xFFFF;
	s2 =	simm.s32 @!p0 $0x1C05  }
0x1c1: {  	[timem:s3], [sflag:s2] =	dma.local @!p0 [hbm:s0], s1  }
0x1c2: {  	s0 =	simm.s32 @!p0 $0x5  }
0x1c3: {  	_ =	swait.ge @!p0 [sflag:s0], s1  }
0x1c4: {  	s1 =	ssub.s32 @!p0 $0x0, s1;
	[sflag:s0] =	ssyncset.done @!p0 $0x0  }
0x1c5: {  	[sflag:s0] =	ssyncadd.s32 @!p0 s1  }
0x1c6: {  	[bflag:$0x3] =	sbarrier.arrive $0xFFFF  }
0x1c7: {  	_ =	shalt  }

// kernel: kernel.7.cloned.1.call-start
scs
__scs_entry_jumppad:
0x0: {  	(pc) =	sbr.rel $0x88, $3  }
0x1: {  	(tag) =	ssettag $0x0;
	lr =	simm.s32 $0x1  }
0x2: {  	[smem:$0x3F9F] =	sst lr;
	_ =	strace $0xD0000000  }
0x3: {  	_ = 	snop  }
0x4: {  	_ = 	snop  }
0x5: {  	_ = 	snop  }
0x6: {  	_ = 	snop  }
0x7: {  	_ = 	snop  }
__scs_overlays_trampoline_lowered:
0x8: {  	[smem:$0x3FAE] =	sst s0  }
0x9: {  	[smem:$0x3FAF] =	sst s1  }
0xa: {  	[smem:$0x3FB0] =	sst s2  }
0xb: {  	[smem:$0x3FB1] =	sst s3  }
0xc: {  	[smem:$0x3FB2] =	sst s4  }
0xd: {  	[smem:$0x3FB3] =	sst s5  }
0xe: {  	[smem:$0x3FB4] =	sst s6  }
0xf: {  	[smem:$0x3FB5] =	sst s7  }
0x10: {  	[smem:$0x3FB6] =	sst s8  }
0x11: {  	[smem:$0x3FB7] =	sst s9;
	s0 =	simm.s32 @!p0 $0x0  }
0x12: {  	s1 =	sld [smem:$0x3F9D];
	s0 =	simm.s32 @p0 $0x1  }
0x13: {  	[smem:$0x3FB8] =	sst s0;
	s0 =	simm.s32 @!p1 $0x0  }
0x14: {  	s2 =	sld [smem:$0x3F9C];
	s0 =	simm.s32 @p1 $0x1  }
0x15: {  	[smem:$0x3FB9] =	sst s0;
	s0 =	simm.s32 @!p2 $0x0  }
0x16: {  	s3 =	sld [smem:$0x3FDB];
	s0 =	simm.s32 @p2 $0x1  }
0x17: {  	s4 =	simm.s32 $0x1BF5;
	[smem:$0x3FBB] =	sst s0  }
0x18: {  	s0 =	sld [smem:$0x3F9E];
	_ =	swait.ge [sflag:s4], $0x0  }
0x19: {  	s7 =	sld [smem:$0x3F9F]  }
0x1a: {  	s8 =	sadd.s32 $0xFFFFE003, lr  }
0x1b: {  	s9 =	sadd.s32 $0xFFFFFEF7, lr;
	s5 =	simm.s32 $0xFFFFFFFF;
	p2 =	slt.u32 s8, $0xFFFFF086  }
0x1c: {  	p1 =	slt.u32 s9, $0xF7A;
	s5 =	simm.s32 @!p2 $0x0  }
0x1d: {  	s5 =	simm.s32 @p1 $0x1;
	p0 =	seq.s32 s7, s2  }
0x1e: {  	s7 =	smul.u32 @!p0 $0xF7A, s2;
	p2 =	seq.s32 @!p0 s5, $0x0  }
0x1f: {  	s9 =	smul.u32 $0xF7A, s1;
	s8 =	simm.s32 @!p0 $0x1BF5;
	p2 =	por !p2, p0  }
0x20: {  	[sflag:s8] =	ssyncset.s32 @!p0 $0xFFFFF086;
	s6 =	sadd.s32 @!p0 s3, s7;
	s7 =	simm.s32 @!p0 $0x108  }
0x21: {  	s3 =	sadd.s32 s3, s9;
	s6 =	sadd.s32 @!p0 $0x88, s6;
	s7 =	simm.s32 @p2 $0x1082  }
0x22: {  	[simem:s7], [sflag:s8] =	dma.local @!p0 [hbm:s6], $0xF7A  }
0x23: {  	s9 =	sor.u32 $0xD0000000, s2;
	s6 =	simm.s32 $0x108;
	_ =	swait.ge @!p0 [sflag:s8], $0x0  }
0x24: {  	s3 =	sadd.s32 $0x88, s3;
	s6 =	simm.s32 @!p1 $0x1082;
	[sflag:s4] =	ssyncset.s32 $0xFFFFF086  }
0x25: {  	[simem:s6], [sflag:s4] =	dma.local [hbm:s3], $0xF7A  }
0x26: {  	[smem:$0x3F9F] =	sst s1;
	(tag) =	ssettag s2;
	_ =	strace s9  }
0x27: {  	s1 =	sld [smem:$0x3FAF]  }
0x28: {  	s2 =	sld [smem:$0x3FB0]  }
0x29: {  	s4 =	sld [smem:$0x3FB2]  }
0x2a: {  	p0 =	seq.s32 s5, $0x0;
	s5 =	sld [smem:$0x3FB3]  }
0x2b: {  	s6 =	sld [smem:$0x3FB4]  }
0x2c: {  	s7 =	sld [smem:$0x3FB5]  }
0x2d: {  	s3 =	simm.s32 $0x108;
	s8 =	sld [smem:$0x3FB6]  }
0x2e: {  	s3 =	simm.s32 @!p0 $0x1082;
	s9 =	sld [smem:$0x3FB7]  }
0x2f: {  	lr =	sadd.s32 s0, s3;
	s0 =	sld [smem:$0x3FAE]  }
0x30: {  	s3 =	sld [smem:$0x3FB1]  }
0x31: {  	[smem:$0x3FBA] =	sst s10  }
0x32: {  	s10 =	sld [smem:$0x3FB8];
	_ =	sdelay $0x3  }
0x33: {  	p0 =	seq.s32 s10, $0x1;
	s10 =	sld [smem:$0x3FBA];
	_ =	sdelay $0x3  }
0x34: {  	[smem:$0x3FBA] =	sst s10  }
0x35: {  	s10 =	sld [smem:$0x3FB9];
	_ =	sdelay $0x3  }
0x36: {  	p1 =	seq.s32 s10, $0x1;
	s10 =	sld [smem:$0x3FBA];
	_ =	sdelay $0x3  }
0x37: {  	[smem:$0x3FBA] =	sst s10  }
0x38: {  	s10 =	sld [smem:$0x3FBB]  }
0x39: {  	_ = 	snop;
	(pc) =	sbr.ind lr, $3  }
0x3a: {  	_ = 	snop  }
0x3b: {  	_ = 	snop  }
0x3c: {  	p2 =	seq.s32 s10, $0x1;
	s10 =	sld [smem:$0x3FBA]  }
0x3d: {  	_ =	shalt  }
0x3e: {  	_ =	shalt  }
0x3f: {  	_ =	shalt  }
0x40: {  	_ =	shalt  }
0x41: {  	_ =	shalt  }
0x42: {  	_ =	shalt  }
0x43: {  	_ =	shalt  }
0x44: {  	_ =	shalt  }
0x45: {  	_ =	shalt  }
0x46: {  	_ =	shalt  }
0x47: {  	_ =	shalt  }
0x48: {  	_ =	shalt  }
0x49: {  	_ =	shalt  }
0x4a: {  	_ =	shalt  }
0x4b: {  	_ =	shalt  }
0x4c: {  	_ =	shalt  }
0x4d: {  	_ =	shalt  }
0x4e: {  	_ =	shalt  }
0x4f: {  	_ =	shalt  }
0x50: {  	_ =	shalt  }
0x51: {  	_ =	shalt  }
0x52: {  	_ =	shalt  }
0x53: {  	_ =	shalt  }
0x54: {  	_ =	shalt  }
0x55: {  	_ =	shalt  }
0x56: {  	_ =	shalt  }
0x57: {  	_ =	shalt  }
0x58: {  	_ =	shalt  }
0x59: {  	_ =	shalt  }
0x5a: {  	_ =	shalt  }
0x5b: {  	_ =	shalt  }
0x5c: {  	_ =	shalt  }
0x5d: {  	_ =	shalt  }
0x5e: {  	_ =	shalt  }
0x5f: {  	_ =	shalt  }
0x60: {  	_ =	shalt  }
0x61: {  	_ =	shalt  }
0x62: {  	_ =	shalt  }
0x63: {  	_ =	shalt  }
0x64: {  	_ =	shalt  }
0x65: {  	_ =	shalt  }
0x66: {  	_ =	shalt  }
0x67: {  	_ =	shalt  }
0x68: {  	_ =	shalt  }
0x69: {  	_ =	shalt  }
0x6a: {  	_ =	shalt  }
0x6b: {  	_ =	shalt  }
0x6c: {  	_ =	shalt  }
0x6d: {  	_ =	shalt  }
0x6e: {  	_ =	shalt  }
0x6f: {  	_ =	shalt  }
0x70: {  	_ =	shalt  }
0x71: {  	_ =	shalt  }
0x72: {  	_ =	shalt  }
0x73: {  	_ =	shalt  }
0x74: {  	_ =	shalt  }
0x75: {  	_ =	shalt  }
0x76: {  	_ =	shalt  }
0x77: {  	_ =	shalt  }
0x78: {  	_ =	shalt  }
0x79: {  	_ =	shalt  }
0x7a: {  	_ =	shalt  }
0x7b: {  	_ =	shalt  }
0x7c: {  	_ =	shalt  }
0x7d: {  	_ =	shalt  }
0x7e: {  	_ =	shalt  }
0x7f: {  	_ =	shalt  }
0x80: {  	_ =	shalt  }
0x81: {  	_ =	shalt  }
0x82: {  	_ =	shalt  }
0x83: {  	_ =	shalt  }
0x84: {  	_ =	shalt  }
0x85: {  	_ =	shalt  }
0x86: {  	_ =	shalt  }
0x87: {  	_ =	shalt  }
.Lfunc_end0:
.L_simem_size_0:
called_computation.1_lowered:
.L_overlay_start_0:
0x88: {  	s2 =	sld [smem:$0x3FD9]  }
0x89: {  	s3 =	sld [smem:$0x3FFE];
	_ =	sdelay $0x1  }
0x8a: {  	s1 =	srdreg.scid  }
0x8b: {  	s0 =	sand.u32 $0x1, s1  }
0x8c: {  	s16 =	sshll.u32 s0, $0xA;
	s2 =	sadd.s32 s3, s2  }
0x8d: {  	s2 =	sadd.s32 s2, s16  }
0x8e: {  	[smem:$0x3FC6] =	sst s2  }
0x8f: {  	_ = 	snop  }
0x90: {  	(tm) =	ssettm $0x1  }
0x91: {  	s17 =	sld [smem:$0x3FFB];
	_ =	sdelay $0x3  }
0x92: {  	_ =	strace s17  }
0x93: {  	s2 =	sld [smem:$0x3FFC];
	_ =	sdelay $0x3  }
0x94: {  	_ =	strace s2  }
0x95: {  	s2 =	sld [smem:$0x3FFD];
	_ =	sdelay $0x3  }
0x96: {  	_ =	strace s2  }
0x97: {  	_ =	strace $0x8FFFFFFF  }
0x98: {  	s18 =	sld [smem:$0x3FDB];
	_ =	sdelay $0x1  }
0x99: {  	s19 =	simm.s32 $_scs_section_size  }
0x9a: {  	s4 =	simm.s32 $_size__tile_overlayer_lowered;
	s5 =	simm.s32 $_tile_overlayer_lowered  }
0x9b: {  	s22 =	simm.s32 $0x1BFF;
	s21 =	sshll.u32 s5, $0x1;
	s2 =	sadd.s32 s19, s18  }
0x9c: {  	s6 =	simm.s32 $0x0;
	s20 =	sshll.u32 s4, $0x1;
	s4 =	sadd.s32 s21, s2  }
0x9d: {  	[timem:s6], [sflag:s22] =	dma.local [hbm:s4], s20  }
0x9e: {  	_ =	swait.ge [sflag:s22], s20  }
0x9f: {  	s3 =	ssub.s32 $0x0, s20;
	[sflag:s22] =	ssyncset.done $0x0  }
0xa0: {  	[sflag:s22] =	ssyncadd.s32 s3;
	_ =	sdelay $0x1  }
0xa1: {  	s23 =	simm.s32 $0x1B8B  }
0xa2: {  	_ =	swait.ge [sflag:s23], $0x1  }
0xa3: {  	[sflag:s23] =	ssyncset.done $0x0  }
0xa4: {  	s25 =	simm.s32 $0x1B8E;
	s24 =	sld [smem:$0x3FFE];
	[sflag:s23] =	ssyncadd.s32 $0xFFFFFFFF  }
0xa5: {  	s26 =	simm.s32 $execute0_lowered;
	[smem:$0x3FD2] =	sst s25  }
0xa6: {  	s4 =	sshll.u32 s26, $0x1;
	_ =	strace $0x80000049;
	[dreg:$0x1] =	wrdreg $0xFFFFFFFF  }
0xa7: {  	s28 =	simm.s32 $_size_execute0_lowered;
	s2 =	sadd.s32 s2, s4;
	[dreg:$0x0] =	wrdreg $0x0  }
0xa8: {  	s4 =	sshll.u32 s28, $0x1;
	[dreg:$0x2] =	wrdreg s2  }
0xa9: {  	[dreg:$0x3] =	wrdreg s4  }
0xaa: {  	[dreg:$0x4] =	wrdreg $0xC0  }
0xab: {  	_ =	task [dreg:s6], $0x5FFFF  }
0xac: {  	[dreg:$0x1] =	wrdreg $0xFFFFFFFF  }
0xad: {  	[dreg:$0x0] =	wrdreg $0x60  }
0xae: {  	[dreg:$0x2] =	wrdreg s24  }
0xaf: {  	[dreg:$0x3] =	wrdreg $0x9  }
0xb0: {  	_ =	task.clear_ibuf [dreg:s6], $0x4FFFF;
	_ =	strace $0x90000049  }
0xb1: {  	s29 =	simm.s32 $0x9;
	_ =	strace $0x8000004B  }
0xb2: {  	_ =	swait.ge [sflag:s29], $0x1  }
0xb3: {  	[sflag:s29] =	ssyncadd.s32 $0xFFFFFFFF  }
0xb4: {  	_ =	strace $0x9000004B  }
0xb5: {  	_ =	sfence  }
0xb6: {  	s30 =	sld [smem:$0x0];
	_ =	sdelay $0x2  }
0xb7: {  	s31 =	sshll.u32 s1, $0xD;
	s1 =	sshrl.u32 s1, $0x2  }
0xb8: {  	s3 =	sand.u32 $0x4000, s31;
	s1 =	sadd.s32 s1, s30  }
0xb9: {  	s0 =	sor.u32 s3, s0;
	s1 =	sshll.u32 s1, $0x11  }
0xba: {  	s0 =	sor.u32 s1, s0  }
0xbb: {  	s0 =	sadd.s32 $0x8F2B, s0  }
0xbc: {  	[sflag:s0] =	ssyncadd.remote.s32 $0x1  }
0xbd: {  	_ =	sfence.sel $0xFFFF  }
0xbe: {  	[dreg:$0x0] =	wrdreg $0xFFFFFFFF;
	(pc) =	sbr.abs _section_cstart, $3  }
0xbf: {  	[dreg:$0x1] =	wrdreg $0xFFFFFFFF  }
0xc0: {  	_ =	task.clear_ibuf [dreg:s6], $0x2FFFF;
	_ =	strace $0x9FFFFFFF  }
0xc1: {  	(tm) =	ssettm $0x7FFFFFFF  }
tec
execute0_lowered:
.L_overlay_start_1:
0x0: {  	(tag) =	ssettag $0x1  }
0x1: {  	s1 =	srdreg.scid  }
0x2: {  	s0 =	stileid.u32;
	s4 =	rddreg [dreg:$0x0]  }
0x3: {  	s2 =	simm.s32 $0x0;
	s8 =	simm.s32 $0xC8;
	s9 =	simm.s32 $0x6400  }
0x4: {  	s10 =	simm.s32 $0xC800;
	s11 =	simm.s32 $0x1;
	s12 =	simm.s32 $0x2  }
0x5: {  	s13 =	simm.s32 $0x12C00;
	s3 =	sand.u32 $0x1, s1;
	s1 =	rddreg [dreg:$0x1]  }
0x6: {  	s14 =	simm.s32 $0x0;
	s5 =	sshll.u32 s0, $0x1;
	[smem:$0x7FF] =	sst s2  }
.Ltmp0:
0x7: {  	s5 =	sor.u32 s3, s5;
	_ =	strace $0x8000004A;
	(pc) =	sbr.rel .LBB2_1-.Ltmp0, $4  }
0x8: {  	s7 =	ssub.s32 $0x2, s3;
	s6 =	smul.u32 $0xC80, s5;
	s5 =	sshll.u32 s5, $0xB  }
0x9: {  	s3 =	sadd.s32 $0xA00, s4;
	s31 =	sshrl.u32 s7, $0x1;
	s5 =	sadd.s32 s5, s4  }
0xa: {  	s7 =	ssub.s32 s7, s31;
	s6 =	sadd.s32 s6, s4;
	s5 =	sadd.s32 $0xF5BE00, s5  }
0xb: {  	s4 =	sadd.s32 $0xF42E00, s6;
	s6 =	smax.u32 s7, $0x1;
	s7 =	simm.s32 $0x3  }
.LBB2_8:
0xc: {  	s14 =	sadd.s32 $0x1, s14  }
0xd: {  	p0 =	sne.s32 s14, s6  }
.Ltmp1:
0xe: {  	_ = 	snop;
	(pc) =	sbr.rel @!p0 .LBB2_9-.Ltmp1, $4  }
0xf: {  	[hbm4b:s5+s2] =	stream.linear.scatter [tilespmem:s13], [sflag:$0x3], $0x4000, $0x38;
	[tilespmem:$0x16C00] =	vst v63  }
0x10: {  	_ =	swait.ge [sflag:s7], $0x4000  }
0x11: {  	[sflag:s7] =	ssyncset.done $0x0  }
0x12: {  	[sflag:s7] =	ssyncadd.s32 $0xFFFFC000  }
.LBB2_1:
0x13: {  	[tilespmem:s2], [sflag:$0x3] =	stream.linear.gather [hbm4b:s4+s2], $0x6400, $0x38;
	[tilespmem:$0x16C00] =	vst v63  }
0x14: {  	_ =	swait.ge [sflag:s7], $0x6400  }
0x15: {  	[sflag:s7] =	ssyncset.done $0x0  }
0x16: {  	[sflag:s7] =	ssyncadd.s32 $0xFFFF9C00  }
0x17: {  	[tilespmem:s9], [sflag:$0x1] =	stream.indirect.gather [hbm4b:s3+s8], $0x80, s2, s8, $0xb8;
	[tilespmem:$0x16C00] =	vst v63  }
0x18: {  	s15 =	simm.s32 $0x0  }
0x19: {  	[tilespmem:s10], [sflag:$0x2] =	stream.indirect.gather [hbm4b:s3+s8], $0x80, s8, s8, $0xb8;
	[tilespmem:$0x16C00] =	vst v63  }
.LBB2_2:
0x1a: {  	_ =	swait.ge [sflag:s11], $0x6400  }
0x1b: {  	[sflag:s11] =	ssyncset.done $0x0  }
0x1c: {  	s16 =	simm.s32 $0x0;
	[sflag:s11] =	ssyncadd.s32 $0xFFFF9C00  }
0x1d: {  	v0 =	vld [tilespmem:s16+$0x6580]  }
0x1e: {  	v1 =	vld [tilespmem:s16+$0x6590]  }
0x1f: {  	v2 =	vld [tilespmem:s16+$0x6500]  }
0x20: {  	v3 =	vld [tilespmem:s16+$0x6510]  }
0x21: {  	v4 =	vld [tilespmem:s16+$0x6480]  }
0x22: {  	v5 =	vld [tilespmem:s16+$0x6490]  }
0x23: {  	v10 =	vld [tilespmem:s16+$0x6400]  }
0x24: {  	v6 =	vimm.f32 $0.0e+00;
	v12 =	vld [tilespmem:s16+$0x6410]  }
0x25: {  	s17 =	simm.s32 $0x800;
	v9 =	vimm.f32 $0.0e+00;
	v8 =	vimm.f32 $0.0e+00;
	v7 =	vimm.f32 $0.0e+00;
	v11 =	vld [tilespmem:s16+$0x6420]  }
.LBB2_3:
0x26: {  	p0 =	sne.s32 s17, $0x18800;
	v13 =	vld [tilespmem:s16+$0x6430]  }
0x27: {  	v14 =	vld [tilespmem:s16+$0x64A0]  }
0x28: {  	v15 =	vld [tilespmem:s16+$0x64B0]  }
0x29: {  	v16 =	vld [tilespmem:s16+$0x6520]  }
0x2a: {  	v6 =	vadd.f32 v10, v6;
	v9 =	vadd.f32 v12, v9;
	v10 =	vld [tilespmem:s16+$0x6530]  }
0x2b: {  	v8 =	vadd.f32 v11, v8;
	v7 =	vadd.f32 v13, v7;
	v11 =	vld [tilespmem:s16+$0x65A0]  }
0x2c: {  	v4 =	vadd.f32 v4, v6;
	v5 =	vadd.f32 v5, v9;
	v12 =	vld [tilespmem:s16+$0x65B0];
	s16 =	sshra.s32 s17, $0x2  }
0x2d: {  	v6 =	vadd.f32 v14, v8;
	v13 =	vld [tilespmem:s16+$0x6580];
	v7 =	vadd.f32 v15, v7  }
0x2e: {  	v4 =	vadd.f32 v2, v4;
	v5 =	vadd.f32 v3, v5;
	v14 =	vld [tilespmem:s16+$0x6590]  }
0x2f: {  	v8 =	vadd.f32 v16, v6;
	v2 =	vld [tilespmem:s16+$0x6500];
	v7 =	vadd.f32 v10, v7  }
0x30: {  	v6 =	vadd.f32 v0, v4;
	v9 =	vadd.f32 v1, v5;
	v3 =	vld [tilespmem:s16+$0x6510]  }
.Ltmp2:
0x31: {  	v8 =	vadd.f32 v11, v8;
	v4 =	vld [tilespmem:s16+$0x6480];
	v7 =	vadd.f32 v12, v7;
	(pc) =	sbr.rel @p0 .LBB2_3-.Ltmp2, $4  }
0x32: {  	v5 =	vld [tilespmem:s16+$0x6490];
	v0 =	vmov v13  }
0x33: {  	v10 =	vld [tilespmem:s16+$0x6400];
	v1 =	vmov v14  }
0x34: {  	v12 =	vld [tilespmem:s16+$0x6410]  }
0x35: {  	s17 =	sadd.s32 $0x800, s17;
	v11 =	vld [tilespmem:s16+$0x6420]  }
0x36: {  	v13 =	vld [tilespmem:s16+$0x6430]  }
0x37: {  	v14 =	vld [tilespmem:s16+$0x64A0]  }
0x38: {  	v15 =	vld [tilespmem:s16+$0x64B0];
	v6 =	vadd.f32 v10, v6  }
0x39: {  	v10 =	vld [tilespmem:s16+$0x6520];
	v9 =	vadd.f32 v12, v9  }
0x3a: {  	v12 =	vld [tilespmem:s16+$0x6530];
	v8 =	vadd.f32 v11, v8;
	v4 =	vadd.f32 v4, v6  }
0x3b: {  	v6 =	vadd.f32 v13, v7;
	v7 =	vld [tilespmem:s16+$0x65A0];
	v5 =	vadd.f32 v5, v9  }
0x3c: {  	v9 =	vld [tilespmem:s16+$0x65B0];
	v8 =	vadd.f32 v14, v8;
	v2 =	vadd.f32 v2, v4  }
0x3d: {  	v4 =	vadd.f32 v15, v6;
	v3 =	vadd.f32 v3, v5  }
0x3e: {  	v5 =	vadd.f32 v10, v8;
	v0 =	vadd.f32 v0, v2  }
0x3f: {  	v2 =	vadd.f32 v12, v4;
	v1 =	vadd.f32 v1, v3  }
0x40: {  	s31 =	sshll.u32 s15, $0x8;
	v3 =	vadd.f32 v7, v5;
	v0 =	vmul.f32 $4.999999890e-03, v0  }
0x41: {  	p0 =	seq.s32 s15, $0x3F;
	s16 =	sand.u32 $0x3FFFFF00, s31;
	v2 =	vadd.f32 v9, v2;
	v1 =	vmul.f32 $4.999999890e-03, v1  }
0x42: {  	s17 =	smul.u32 @!p0 $0x640, s15;
	[tilespmem:s16+$0x12C00] =	vst v0;
	v0 =	vmul.f32 $4.999999890e-03, v3  }
0x43: {  	[tilespmem:s16+$0x12C10] =	vst v1;
	v1 =	vmul.f32 $4.999999890e-03, v2  }
0x44: {  	s17 =	sshra.s32 @!p0 s17, $0x2;
	[tilespmem:s16+$0x12C20] =	vst v0  }
0x45: {  	s18 =	simm.s32 @!p0 $0xC8;
	s19 =	simm.s32 @!p0 $0x6400;
	s17 =	sadd.s32 @!p0 $0x190, s17;
	[tilespmem:s16+$0x12C30] =	vst v1  }
0x46: {  	[tilespmem:s19], [sflag:$0x1] =	stream.indirect.gather @!p0 [hbm4b:s3+s18], $0x80, s17, s18, $0xb8;
	[tilespmem:$0x16C00] =	vst v63  }
0x47: {  	_ =	swait.ge [sflag:s12], $0x6400  }
0x48: {  	[sflag:s12] =	ssyncset.done $0x0  }
0x49: {  	s17 =	simm.s32 $0x0;
	[sflag:s12] =	ssyncadd.s32 $0xFFFF9C00  }
0x4a: {  	v0 =	vld [tilespmem:s17+$0xC980]  }
0x4b: {  	v1 =	vld [tilespmem:s17+$0xC990]  }
0x4c: {  	v2 =	vld [tilespmem:s17+$0xC900]  }
0x4d: {  	v3 =	vld [tilespmem:s17+$0xC910]  }
0x4e: {  	v4 =	vld [tilespmem:s17+$0xC880]  }
0x4f: {  	v5 =	vld [tilespmem:s17+$0xC890]  }
0x50: {  	v10 =	vld [tilespmem:s17+$0xC800]  }
0x51: {  	v6 =	vimm.f32 $0.0e+00;
	v12 =	vld [tilespmem:s17+$0xC810]  }
0x52: {  	v8 =	vimm.f32 $0.0e+00;
	v7 =	vimm.f32 $0.0e+00;
	v9 =	vimm.f32 $0.0e+00;
	s18 =	simm.s32 $0x800;
	v11 =	vld [tilespmem:s17+$0xC820]  }
.LBB2_5:
0x53: {  	p1 =	sne.s32 s18, $0x18800;
	v13 =	vld [tilespmem:s17+$0xC830]  }
0x54: {  	v14 =	vld [tilespmem:s17+$0xC8A0]  }
0x55: {  	v15 =	vld [tilespmem:s17+$0xC8B0]  }
0x56: {  	v16 =	vld [tilespmem:s17+$0xC920]  }
0x57: {  	v6 =	vadd.f32 v10, v6;
	v9 =	vadd.f32 v12, v9;
	v10 =	vld [tilespmem:s17+$0xC930]  }
0x58: {  	v8 =	vadd.f32 v11, v8;
	v7 =	vadd.f32 v13, v7;
	v11 =	vld [tilespmem:s17+$0xC9A0]  }
0x59: {  	v4 =	vadd.f32 v4, v6;
	v5 =	vadd.f32 v5, v9;
	v12 =	vld [tilespmem:s17+$0xC9B0];
	s17 =	sshra.s32 s18, $0x2  }
0x5a: {  	v6 =	vadd.f32 v14, v8;
	v13 =	vld [tilespmem:s17+$0xC980];
	v7 =	vadd.f32 v15, v7  }
0x5b: {  	v4 =	vadd.f32 v2, v4;
	v5 =	vadd.f32 v3, v5;
	v14 =	vld [tilespmem:s17+$0xC990]  }
0x5c: {  	v8 =	vadd.f32 v16, v6;
	v2 =	vld [tilespmem:s17+$0xC900];
	v7 =	vadd.f32 v10, v7  }
0x5d: {  	v6 =	vadd.f32 v0, v4;
	v9 =	vadd.f32 v1, v5;
	v3 =	vld [tilespmem:s17+$0xC910]  }
.Ltmp3:
0x5e: {  	v8 =	vadd.f32 v11, v8;
	v4 =	vld [tilespmem:s17+$0xC880];
	v7 =	vadd.f32 v12, v7;
	(pc) =	sbr.rel @p1 .LBB2_5-.Ltmp3, $4  }
0x5f: {  	v5 =	vld [tilespmem:s17+$0xC890];
	v0 =	vmov v13  }
0x60: {  	v10 =	vld [tilespmem:s17+$0xC800];
	v1 =	vmov v14  }
0x61: {  	v12 =	vld [tilespmem:s17+$0xC810]  }
0x62: {  	s18 =	sadd.s32 $0x800, s18;
	v11 =	vld [tilespmem:s17+$0xC820]  }
0x63: {  	v13 =	vld [tilespmem:s17+$0xC830]  }
0x64: {  	v14 =	vld [tilespmem:s17+$0xC8A0]  }
0x65: {  	v15 =	vld [tilespmem:s17+$0xC8B0];
	v6 =	vadd.f32 v10, v6  }
0x66: {  	v53 =	vld [tilespmem:s17+$0xC920];
	v9 =	vadd.f32 v12, v9  }
0x67: {  	v54 =	vld [tilespmem:s17+$0xC930];
	v8 =	vadd.f32 v11, v8;
	v4 =	vadd.f32 v4, v6  }
0x68: {  	v56 =	vld [tilespmem:s17+$0xC9A0];
	v55 =	vadd.f32 v13, v7;
	v5 =	vadd.f32 v5, v9  }
0x69: {  	v57 =	vld [tilespmem:s17+$0xC9B0];
	v8 =	vadd.f32 v14, v8;
	v2 =	vadd.f32 v2, v4  }
0x6a: {  	v58 =	vadd.f32 v15, v55;
	v3 =	vadd.f32 v3, v5  }
0x6b: {  	v59 =	vadd.f32 v53, v8;
	v0 =	vadd.f32 v0, v2  }
0x6c: {  	v60 =	vadd.f32 v54, v58;
	v1 =	vadd.f32 v1, v3  }
0x6d: {  	v61 =	vadd.f32 v56, v59;
	v0 =	vmul.f32 $4.999999890e-03, v0  }
.Ltmp4:
0x6e: {  	v2 =	vadd.f32 v57, v60;
	v1 =	vmul.f32 $4.999999890e-03, v1;
	(pc) =	sbr.rel @p0 .LBB2_8-.Ltmp4, $4  }
0x6f: {  	[tilespmem:s16+$0x12C80] =	vst v0;
	v62 =	vmul.f32 $4.999999890e-03, v61  }
0x70: {  	[tilespmem:s16+$0x12C90] =	vst v1;
	v63 =	vmul.f32 $4.999999890e-03, v2  }
0x71: {  	[tilespmem:s16+$0x12CA0] =	vst v62  }
0x72: {  	[tilespmem:s16+$0x12CB0] =	vst v63  }
0x73: {  	s16 =	smul.u32 $0x640, s15  }
.Ltmp5:
0x74: {  	_ = 	snop;
	(pc) =	sbr.rel .LBB2_2-.Ltmp5, $4  }
0x75: {  	_ = 	snop  }
0x76: {  	s16 =	sshra.s32 s16, $0x2  }
0x77: {  	s15 =	sadd.s32 $0x1, s15;
	s16 =	sadd.s32 $0x258, s16  }
0x78: {  	[tilespmem:s10], [sflag:$0x2] =	stream.indirect.gather [hbm4b:s3+s8], $0x80, s16, s8, $0xb8;
	[tilespmem:$0x16C00] =	vst v63  }
.LBB2_9:
0x79: {  	_ =	sfence.sel $0x180000  }
0x7a: {  	[bflag:$0x0] =	sbarrier.arrive $0xFFFF  }
0x7b: {  	p0 =	sne.s32 s0, $0x0;
	_ =	strace $0x9000004A  }
0x7c: {  	s0 =	sadd.s32 @!p0 $0x100000, s1;
	[bflag:$0x2] =	sbarrier.arrive $0xFFFF  }
0x7d: {  	[sflag:s0] =	ssyncadd.tile.s32 @!p0 $0x1;
	_ =	shalt  }
.Lfunc_end2:
_tile_overlayer_lowered:
.L_overlay_start_2:
0x7e: {  	(tag) =	ssettag $0x2  }
0x7f: {  	s0 =	rddreg [dreg:$0x0];
	s2 =	stileid.u32  }
0x80: {  	s1 =	rddreg [dreg:$0x1];
	p0 =	sne.s32 s2, $0x0  }
0x81: {  	s3 =	rddreg [dreg:$0x2];
	[bflag:$0x3] =	sbarrier.arrive $0xFFFF;
	s2 =	simm.s32 @!p0 $0x1C03  }
0x82: {  	[timem:s3], [sflag:s2] =	dma.local @!p0 [hbm:s0], s1  }
0x83: {  	s0 =	simm.s32 @!p0 $0x3  }
0x84: {  	_ =	swait.ge @!p0 [sflag:s0], s1  }
0x85: {  	s1 =	ssub.s32 @!p0 $0x0, s1;
	[sflag:s0] =	ssyncset.done @!p0 $0x0  }
0x86: {  	[sflag:s0] =	ssyncadd.s32 @!p0 s1  }
0x87: {  	[bflag:$0x3] =	sbarrier.arrive $0xFFFF  }
0x88: {  	_ =	shalt  }

</sc_bundles>
